<compile_context>
chip_gen: v7x
topology: tpu7x:2x2x1
jax: 0.10.2.dev20260603
libtpu: 0.0.44.dev20260713+nightly
codegen_flags: <defaults>
</compile_context>

<pallas_src>
import jax
import jax.numpy as jnp
from jax import lax
from jax.experimental import pallas as pl
from jax.experimental.pallas import tpu as pltpu
from jax.experimental.pallas import tpu_sc as plsc

NC = 2
NS = 16
NW = NC * NS
LANES = 16

N = 10000
E = 320000
D = 128
F_PER = D // NW
EP = E // NW
CH = 8000
NCHUNK = E // CH
UNROLL = 5


def _sc_mesh():
    return plsc.VectorSubcoreMesh(core_axis_name="c", subcore_axis_name="s",
                                  num_cores=NC, num_subcores=NS)


def _wid():
    return lax.axis_index("s") * NC + lax.axis_index("c")


def _sc_degree_body(dst_hbm, ew_hbm, out_hbm, dbuf, wbuf, acc):
    wid = _wid()
    base = wid * EP

    def zero_body(i, _):
        acc[pl.ds(i * LANES, LANES)] = jnp.zeros((LANES,), jnp.float32)
        return 0

    lax.fori_loop(0, N // LANES, zero_body, 0)

    pltpu.sync_copy(dst_hbm.at[pl.ds(base, EP)], dbuf)
    pltpu.sync_copy(ew_hbm.at[pl.ds(base, EP)], wbuf)

    def edge_body(i, _):
        ds_, ws_ = [], []
        for u in range(UNROLL):
            off = (i * UNROLL + u) * LANES
            ds_.append(dbuf[pl.ds(off, LANES)])
            ws_.append(wbuf[pl.ds(off, LANES)])
        for u in range(UNROLL):
            plsc.addupdate_scatter(acc, [ds_[u]], ws_[u])
        return 0

    lax.fori_loop(0, EP // (LANES * UNROLL), edge_body, 0)
    pltpu.sync_copy(acc, out_hbm.at[wid])


_SC_PARAMS = pltpu.CompilerParams(needs_layout_passes=False)


def _sc_degree(dst, ew):
    k = pl.kernel(
        _sc_degree_body,
        out_type=jax.ShapeDtypeStruct((NW, N), jnp.float32),
        mesh=_sc_mesh(),
        compiler_params=_SC_PARAMS,
        scratch_types=[
            pltpu.VMEM((EP,), jnp.int32),
            pltpu.VMEM((EP,), jnp.float32),
            pltpu.VMEM((N,), jnp.float32),
        ],
    )
    return k(dst, ew)


def _sc_edges_body(hpk_hbm, ht_hbm, src_hbm, dst_hbm, ew_hbm, out_hbm,
                   sbuf0, dbuf0, wbuf0, sbuf1, dbuf1, wbuf1,
                   hloc, aloc, sem0, sem1):
    wid = _wid()
    pbase = wid * (2 * N)
    pltpu.make_async_copy(hpk_hbm.at[pl.ds(pbase, 2 * N)], hloc,
                          sem1).start()
    pltpu.make_async_copy(ht_hbm.at[pl.ds(pbase, 2 * N)],
                          aloc.at[pl.ds(0, 2 * N)], sem1).start()
    pltpu.make_async_copy(ht_hbm.at[pl.ds(pbase + 64 * N, 2 * N)],
                          aloc.at[pl.ds(2 * N, 2 * N)], sem1).start()

    bufs = ((sbuf0, dbuf0, wbuf0, sem0), (sbuf1, dbuf1, wbuf1, sem1))

    def start(c, slot):
        sb, db, wb, sem = bufs[slot]
        pltpu.make_async_copy(src_hbm.at[pl.ds(c * CH, CH)], sb, sem).start()
        pltpu.make_async_copy(dst_hbm.at[pl.ds(c * CH, CH)], db, sem).start()
        pltpu.make_async_copy(ew_hbm.at[pl.ds(c * CH, CH)], wb, sem).start()

    def wait(c, slot):
        sb, db, wb, sem = bufs[slot]
        pltpu.make_async_copy(src_hbm.at[pl.ds(c * CH, CH)], sb, sem).wait()
        pltpu.make_async_copy(dst_hbm.at[pl.ds(c * CH, CH)], db, sem).wait()
        pltpu.make_async_copy(ew_hbm.at[pl.ds(c * CH, CH)], wb, sem).wait()

    def compute(slot):
        sb, db, wb, _ = bufs[slot]

        himask = jnp.full((LANES,), -65536, jnp.int32)

        def vec_body(i, _):
            svs, dvs, wvs = [], [], []
            for u in range(UNROLL):
                off = (i * UNROLL + u) * LANES
                svs.append(sb[pl.ds(off, LANES)])
                dvs.append(db[pl.ds(off, LANES)])
                wvs.append(wb[pl.ds(off, LANES)])
            gws = [plsc.load_gather(hloc, [svs[u] + jnp.int32(p * N)])
                   for u in range(UNROLL) for p in range(2)]
            k = 0
            for u in range(UNROLL):
                for p in range(2):
                    gw = gws[k]
                    k += 1
                    lo = plsc.bitcast(lax.shift_left(gw, 16), jnp.float32)
                    hi = plsc.bitcast(lax.bitwise_and(gw, himask),
                                      jnp.float32)
                    plsc.addupdate_scatter(
                        aloc, [dvs[u] + jnp.int32(p * N)], lo * wvs[u])
                    plsc.addupdate_scatter(
                        aloc, [dvs[u] + jnp.int32((2 + p) * N)],
                        hi * wvs[u])
            return 0

        lax.fori_loop(0, CH // (LANES * UNROLL), vec_body, 0)

    start(0, 0)
    pltpu.make_async_copy(hpk_hbm.at[pl.ds(pbase, 2 * N)], hloc,
                          sem1).wait()
    pltpu.make_async_copy(ht_hbm.at[pl.ds(pbase, 2 * N)],
                          aloc.at[pl.ds(0, 2 * N)], sem1).wait()
    pltpu.make_async_copy(ht_hbm.at[pl.ds(pbase + 64 * N, 2 * N)],
                          aloc.at[pl.ds(2 * N, 2 * N)], sem1).wait()

    def chunk_body(cc, _):
        c0 = cc * 2
        start(c0 + 1, 1)
        wait(c0, 0)
        compute(0)

        @pl.when(c0 + 2 < NCHUNK)
        def _():
            start(c0 + 2, 0)

        wait(c0 + 1, 1)
        compute(1)
        return 0

    lax.fori_loop(0, NCHUNK // 2, chunk_body, 0)
    pltpu.sync_copy(aloc.at[pl.ds(0, 2 * N)], out_hbm.at[pl.ds(pbase, 2 * N)])
    pltpu.sync_copy(aloc.at[pl.ds(2 * N, 2 * N)],
                    out_hbm.at[pl.ds(pbase + 64 * N, 2 * N)])


def _sc_edges(hpk, ht, src, dst, ew):
    k = pl.kernel(
        _sc_edges_body,
        out_type=jax.ShapeDtypeStruct((D * N,), jnp.float32),
        mesh=_sc_mesh(),
        compiler_params=_SC_PARAMS,
        scratch_types=[
            pltpu.VMEM((CH,), jnp.int32),
            pltpu.VMEM((CH,), jnp.int32),
            pltpu.VMEM((CH,), jnp.float32),
            pltpu.VMEM((CH,), jnp.int32),
            pltpu.VMEM((CH,), jnp.int32),
            pltpu.VMEM((CH,), jnp.float32),
            pltpu.VMEM((2 * N,), jnp.int32),
            pltpu.VMEM((F_PER * N,), jnp.float32),
            pltpu.SemaphoreType.DMA,
            pltpu.SemaphoreType.DMA,
        ],
    )
    return k(hpk, ht, src, dst, ew)


def _pack_bf16(hp):
    hb = hp.astype(jnp.bfloat16)
    lo = lax.bitcast_convert_type(hb[:D // 2], jnp.uint16).astype(jnp.int32)
    hi = lax.bitcast_convert_type(hb[D // 2:], jnp.uint16).astype(jnp.int32)
    return lax.bitwise_or(lo, lax.shift_left(hi, 16))


def _tc1_body(degp_ref, x_ref, w1_ref, ht_ref, hpk_ref, dis_ref):
    deg = jnp.sum(degp_ref[...], axis=0, keepdims=True) + 1.0
    safe = jnp.maximum(deg, 1e-30)
    dis = jnp.where(deg > 0, lax.rsqrt(safe), 0.0)
    h = lax.dot_general(w1_ref[...], x_ref[...],
                        (((0,), (1,)), ((), ())),
                        preferred_element_type=jnp.float32)
    hp = dis * h
    ht_ref[...] = hp
    hpk_ref[...] = _pack_bf16(hp)
    dis_ref[...] = dis


def _tc1(deg_part, x, w1):
    return pl.pallas_call(
        _tc1_body,
        out_shape=(
            jax.ShapeDtypeStruct((D, N), jnp.float32),
            jax.ShapeDtypeStruct((D // 2, N), jnp.int32),
            jax.ShapeDtypeStruct((1, N), jnp.float32),
        ),
    )(deg_part, x, w1)


def _tc2_body(acc_ref, dis_ref, b1_ref, w2_ref, ht_ref, hpk_ref):
    dis = dis_ref[...]
    a = jnp.maximum(dis * acc_ref[...] + b1_ref[...], 0.0)
    h2 = lax.dot_general(w2_ref[...], a,
                         (((0,), (0,)), ((), ())),
                         preferred_element_type=jnp.float32)
    hp = dis * h2
    ht_ref[...] = hp
    hpk_ref[...] = _pack_bf16(hp)


def _tc2(acc1, dis, b1c, w2):
    return pl.pallas_call(
        _tc2_body,
        out_shape=(
            jax.ShapeDtypeStruct((D, N), jnp.float32),
            jax.ShapeDtypeStruct((D // 2, N), jnp.int32),
        ),
    )(acc1, dis, b1c, w2)


def _tc3_body(acc_ref, dis_ref, b2_ref, x_ref, eye_ref, out_ref):
    h2 = jnp.maximum(dis_ref[...] * acc_ref[...] + b2_ref[...], 0.0)
    nrm = jnp.sqrt(jnp.sum(h2 * h2, axis=0, keepdims=True))
    h2n = h2 / jnp.maximum(nrm, 1e-12)
    t = lax.dot_general(h2n, eye_ref[...],
                        (((0,), (0,)), ((), ())),
                        preferred_element_type=jnp.float32)
    out_ref[...] = (t + x_ref[...]) * 0.5


def _tc3(acc2, dis, b2c, x, eye):
    return pl.pallas_call(
        _tc3_body,
        out_shape=jax.ShapeDtypeStruct((N, D), jnp.float32),
    )(acc2, dis, b2c, x, eye)


@jax.jit
def kernel(x, edge_index, edge_weight, W1, b1, W2, b2):
    src = edge_index[0]
    dst = edge_index[1]
    eye = jnp.eye(D, dtype=jnp.float32)
    b1c = b1.reshape(D, 1)
    b2c = b2.reshape(D, 1)

    deg_part = _sc_degree(dst, edge_weight)
    ht1, hpk1, dis = _tc1(deg_part, x, W1)
    acc1 = _sc_edges(hpk1.reshape(D // 2 * N), ht1.reshape(D * N),
                     src, dst, edge_weight)
    ht2, hpk2 = _tc2(acc1.reshape(D, N), dis, b1c, W2)
    acc2 = _sc_edges(hpk2.reshape(D // 2 * N), ht2.reshape(D * N),
                     src, dst, edge_weight)
    return _tc3(acc2.reshape(D, N), dis, b2c, x, eye)

# --- scband reference (transcript-rebuilt; emitter-appended) ---
"""Pipeline reference for scband-res-gcnblock-25666724560909 (READ-ONLY COPY).

The authoritative reference and input builder live on the scoring server;
editing this copy changes nothing except your own understanding.
"""

import jax, jax.numpy as jnp
import numpy as np

N = 10000
E = 320000
D = 128


def gcn_conv(x, edge_index, edge_weight, W, b, num_nodes):
    # PyG GCNConv with normalize=True: add self-loops (weight 1), symmetric norm
    src = edge_index[0]
    dst = edge_index[1]
    loop = jnp.arange(num_nodes, dtype=src.dtype)
    src_f = jnp.concatenate([src, loop])
    dst_f = jnp.concatenate([dst, loop])
    ew_f = jnp.concatenate([edge_weight, jnp.ones((num_nodes,), dtype=edge_weight.dtype)])
    deg = jax.ops.segment_sum(ew_f, dst_f, num_segments=num_nodes)
    deg_inv_sqrt = jnp.where(deg > 0, jax.lax.rsqrt(jnp.where(deg > 0, deg, 1.0)), 0.0)
    norm = deg_inv_sqrt[src_f] * ew_f * deg_inv_sqrt[dst_f]
    h = x @ W
    msg = norm[:, None] * jnp.take(h, src_f, axis=0)
    out = jax.ops.segment_sum(msg, dst_f, num_segments=num_nodes)
    return out + b


def setup_inputs(seed: int = 0):
    key = jax.random.key(seed)
    k1, k2, k3, k4, k5 = jax.random.split(key, 5)
    x = jax.random.normal(k1, (N, D), dtype=jnp.float32)
    edge_index = jax.random.randint(k2, (2, E), 0, N, dtype=jnp.int32)
    edge_weight = jax.random.uniform(k3, (E,), dtype=jnp.float32)
    W1 = jax.random.normal(k4, (D, D), dtype=jnp.float32) * (1.0 / np.sqrt(D))
    b1 = jnp.zeros((D,), dtype=jnp.float32)
    W2 = jax.random.normal(k5, (D, D), dtype=jnp.float32) * (1.0 / np.sqrt(D))
    b2 = jnp.zeros((D,), dtype=jnp.float32)
    return {"x": x, "edge_index": edge_index, "edge_weight": edge_weight,
            "W1": W1, "b1": b1, "W2": W2, "b2": b2}


def reference(x, edge_index, edge_weight, W1, b1, W2, b2):
    identity = x
    h = jax.nn.relu(gcn_conv(x, edge_index, edge_weight, W1, b1, N))
    # dropout is identity in eval mode
    h = jax.nn.relu(gcn_conv(h, edge_index, edge_weight, W2, b2, N))
    # F.normalize: L2 normalize along dim=1 with eps=1e-12
    nrm = jnp.linalg.norm(h, axis=1, keepdims=True)
    h = h / jnp.maximum(nrm, 1e-12)
    # use_identity=True
    return (h + identity) / 2.0

if __name__ == "__main__":
    import jax
    _d = setup_inputs()
    print(jax.jit(kernel)(*tuple(_d.values())))

</pallas_src>

<mosaic_0001>
#map = affine_map<(d0, d1) -> (0)>
#map1 = affine_map<(d0, d1) -> (0, 0)>
module attributes {stable_mosaic.version = 14 : i64} {
  func.func @_sc_degree_body(%arg0: i32, %arg1: i32, %arg2: memref<320000xi32, #tpu.memory_space<hbm>>, %arg3: memref<320000xf32, #tpu.memory_space<hbm>>, %arg4: memref<32x10000xf32, #tpu.memory_space<hbm>>, %arg5: memref<10000xi32, #tpu.memory_space<vmem>>, %arg6: memref<10000xf32, #tpu.memory_space<vmem>>, %arg7: memref<10000xf32, #tpu.memory_space<vmem>>) attributes {dimension_semantics = [#tpu.dimension_semantics<core_parallel>, #tpu.dimension_semantics<subcore_parallel>], iteration_bounds = array<i64: 2, 16>, scalar_prefetch = 0 : i64, scratch_operands = 3 : i64, tpu.core_type = #tpu.core_type<sc_vector_subcore>, window_params = [{transform_indices = #map}, {transform_indices = #map}, {transform_indices = #map1}]} {
    %mul3A = arith.constant 2 : i32
    %mul3A_0 = arith.muli %arg1, %mul3A : i32
    %add3A = arith.addi %mul3A_0, %arg0 : i32
    %mul3A_1 = arith.constant 10000 : i32
    %mul3A_2 = arith.muli %add3A, %mul3A_1 : i32
    %scan3A = arith.constant 0 : i32
    %scan3A_3 = arith.constant 0 : i32
    %scan3A_4 = arith.constant 625 : i32
    %scan3A_5 = arith.addi %scan3A_3, %scan3A_4 : i32
    %scan3A_6 = arith.constant 1 : i32
    %scan3A_7 = scf.for %scan3A_16 = %scan3A_3 to %scan3A_5 step %scan3A_6 iter_args(%scan3A_17 = %scan3A) -> (i32)  : i32 {
      %broadcast_in_dim3A = arith.constant 0.000000e+00 : f32
      %broadcast_in_dim3A_18 = vector.broadcast %broadcast_in_dim3A : f32 to vector<16xf32>
      %mul3A_19 = arith.constant 16 : i32
      %mul3A_20 = arith.muli %scan3A_16, %mul3A_19 : i32
      %swap3A = arith.index_cast %mul3A_20 : i32 to index
      %swap3A_21 = tpu.vector_load %arg7[%swap3A] {strides = array<i32>} : memref<10000xf32, #tpu.memory_space<vmem>>, vector<16xf32>,
      tpu.vector_store %arg7[%swap3A], %broadcast_in_dim3A_18 {strides = array<i32>} : memref<10000xf32, #tpu.memory_space<vmem>>, vector<16xf32>,
      %scan3A_22 = arith.constant 0 : i32
      scf.yield %scan3A_22 : i32
    }
    %scan3A_8 = arith.constant 625 : i32
    "tpu.region"() ({
      %run_scoped3A = tpu.sem_alloc : memref<!tpu.dma_semaphore, #tpu.memory_space<semaphore_mem>>
      %dma_start3A = tpu.memref_slice %arg2[%mul3A_2] : memref<320000xi32, #tpu.memory_space<hbm>> -> memref<10000xi32, #tpu.memory_space<hbm>>
      %dma_start3A_16 = tpu.memref_slice %arg2[%mul3A_2] : memref<320000xi32, #tpu.memory_space<hbm>> -> memref<10000xi32, #tpu.memory_space<hbm>>
      tpu.enqueue_dma source(%dma_start3A_16 : memref<10000xi32, #tpu.memory_space<hbm>>) target(%arg5 : memref<10000xi32, #tpu.memory_space<vmem>>) target_semaphore(%run_scoped3A : memref<!tpu.dma_semaphore, #tpu.memory_space<semaphore_mem>>)
      %dma_wait3A = tpu.memref_slice %arg2[%mul3A_2] : memref<320000xi32, #tpu.memory_space<hbm>> -> memref<10000xi32, #tpu.memory_space<hbm>>
      %dma_wait3A_17 = tpu.memref_slice %arg2[%mul3A_2] : memref<320000xi32, #tpu.memory_space<hbm>> -> memref<10000xi32, #tpu.memory_space<hbm>>
      tpu.wait_dma2 semaphore(%run_scoped3A : memref<!tpu.dma_semaphore, #tpu.memory_space<semaphore_mem>>) src(%dma_wait3A_17 : memref<10000xi32, #tpu.memory_space<hbm>>) dst(%arg5 : memref<10000xi32, #tpu.memory_space<vmem>>)
      tpu.yield
    }) : () -> ()
    "tpu.region"() ({
      %run_scoped3A = tpu.sem_alloc : memref<!tpu.dma_semaphore, #tpu.memory_space<semaphore_mem>>
      %dma_start3A = tpu.memref_slice %arg3[%mul3A_2] : memref<320000xf32, #tpu.memory_space<hbm>> -> memref<10000xf32, #tpu.memory_space<hbm>>
      %dma_start3A_16 = tpu.memref_slice %arg3[%mul3A_2] : memref<320000xf32, #tpu.memory_space<hbm>> -> memref<10000xf32, #tpu.memory_space<hbm>>
      tpu.enqueue_dma source(%dma_start3A_16 : memref<10000xf32, #tpu.memory_space<hbm>>) target(%arg6 : memref<10000xf32, #tpu.memory_space<vmem>>) target_semaphore(%run_scoped3A : memref<!tpu.dma_semaphore, #tpu.memory_space<semaphore_mem>>)
      %dma_wait3A = tpu.memref_slice %arg3[%mul3A_2] : memref<320000xf32, #tpu.memory_space<hbm>> -> memref<10000xf32, #tpu.memory_space<hbm>>
      %dma_wait3A_17 = tpu.memref_slice %arg3[%mul3A_2] : memref<320000xf32, #tpu.memory_space<hbm>> -> memref<10000xf32, #tpu.memory_space<hbm>>
      tpu.wait_dma2 semaphore(%run_scoped3A : memref<!tpu.dma_semaphore, #tpu.memory_space<semaphore_mem>>) src(%dma_wait3A_17 : memref<10000xf32, #tpu.memory_space<hbm>>) dst(%arg6 : memref<10000xf32, #tpu.memory_space<vmem>>)
      tpu.yield
    }) : () -> ()
    %scan3A_9 = arith.constant 0 : i32
    %scan3A_10 = arith.constant 0 : i32
    %scan3A_11 = arith.constant 125 : i32
    %scan3A_12 = arith.addi %scan3A_10, %scan3A_11 : i32
    %scan3A_13 = arith.constant 1 : i32
    %scan3A_14 = scf.for %scan3A_16 = %scan3A_10 to %scan3A_12 step %scan3A_13 iter_args(%scan3A_17 = %scan3A_9) -> (i32)  : i32 {
      %mul3A_18 = arith.constant 5 : i32
      %mul3A_19 = arith.muli %scan3A_16, %mul3A_18 : i32
      %add3A_20 = arith.constant 0 : i32
      %add3A_21 = arith.addi %mul3A_19, %add3A_20 : i32
      %mul3A_22 = arith.constant 16 : i32
      %mul3A_23 = arith.muli %add3A_21, %mul3A_22 : i32
      %get3A = arith.index_cast %mul3A_23 : i32 to index
      %get3A_24 = tpu.vector_load %arg5[%get3A] {strides = array<i32>} : memref<10000xi32, #tpu.memory_space<vmem>>, vector<16xi32>,
      %get3A_25 = arith.index_cast %mul3A_23 : i32 to index
      %get3A_26 = tpu.vector_load %arg6[%get3A_25] {strides = array<i32>} : memref<10000xf32, #tpu.memory_space<vmem>>, vector<16xf32>,
      %mul3A_27 = arith.constant 5 : i32
      %mul3A_28 = arith.muli %scan3A_16, %mul3A_27 : i32
      %add3A_29 = arith.constant 1 : i32
      %add3A_30 = arith.addi %mul3A_28, %add3A_29 : i32
      %mul3A_31 = arith.constant 16 : i32
      %mul3A_32 = arith.muli %add3A_30, %mul3A_31 : i32
      %get3A_33 = arith.index_cast %mul3A_32 : i32 to index
      %get3A_34 = tpu.vector_load %arg5[%get3A_33] {strides = array<i32>} : memref<10000xi32, #tpu.memory_space<vmem>>, vector<16xi32>,
      %get3A_35 = arith.index_cast %mul3A_32 : i32 to index
      %get3A_36 = tpu.vector_load %arg6[%get3A_35] {strides = array<i32>} : memref<10000xf32, #tpu.memory_space<vmem>>, vector<16xf32>,
      %mul3A_37 = arith.constant 5 : i32
      %mul3A_38 = arith.muli %scan3A_16, %mul3A_37 : i32
      %add3A_39 = arith.constant 2 : i32
      %add3A_40 = arith.addi %mul3A_38, %add3A_39 : i32
      %mul3A_41 = arith.constant 16 : i32
      %mul3A_42 = arith.muli %add3A_40, %mul3A_41 : i32
      %get3A_43 = arith.index_cast %mul3A_42 : i32 to index
      %get3A_44 = tpu.vector_load %arg5[%get3A_43] {strides = array<i32>} : memref<10000xi32, #tpu.memory_space<vmem>>, vector<16xi32>,
      %get3A_45 = arith.index_cast %mul3A_42 : i32 to index
      %get3A_46 = tpu.vector_load %arg6[%get3A_45] {strides = array<i32>} : memref<10000xf32, #tpu.memory_space<vmem>>, vector<16xf32>,
      %mul3A_47 = arith.constant 5 : i32
      %mul3A_48 = arith.muli %scan3A_16, %mul3A_47 : i32
      %add3A_49 = arith.constant 3 : i32
      %add3A_50 = arith.addi %mul3A_48, %add3A_49 : i32
      %mul3A_51 = arith.constant 16 : i32
      %mul3A_52 = arith.muli %add3A_50, %mul3A_51 : i32
      %get3A_53 = arith.index_cast %mul3A_52 : i32 to index
      %get3A_54 = tpu.vector_load %arg5[%get3A_53] {strides = array<i32>} : memref<10000xi32, #tpu.memory_space<vmem>>, vector<16xi32>,
      %get3A_55 = arith.index_cast %mul3A_52 : i32 to index
      %get3A_56 = tpu.vector_load %arg6[%get3A_55] {strides = array<i32>} : memref<10000xf32, #tpu.memory_space<vmem>>, vector<16xf32>,
      %mul3A_57 = arith.constant 5 : i32
      %mul3A_58 = arith.muli %scan3A_16, %mul3A_57 : i32
      %add3A_59 = arith.constant 4 : i32
      %add3A_60 = arith.addi %mul3A_58, %add3A_59 : i32
      %mul3A_61 = arith.constant 16 : i32
      %mul3A_62 = arith.muli %add3A_60, %mul3A_61 : i32
      %get3A_63 = arith.index_cast %mul3A_62 : i32 to index
      %get3A_64 = tpu.vector_load %arg5[%get3A_63] {strides = array<i32>} : memref<10000xi32, #tpu.memory_space<vmem>>, vector<16xi32>,
      %get3A_65 = arith.index_cast %mul3A_62 : i32 to index
      %get3A_66 = tpu.vector_load %arg6[%get3A_65] {strides = array<i32>} : memref<10000xf32, #tpu.memory_space<vmem>>, vector<16xf32>,
      tpu.vector_store_idx %arg7[%get3A_24], %get3A_26 {add = true} : memref<10000xf32, #tpu.memory_space<vmem>>[vector<16xi32>], vector<16xf32>,
      tpu.vector_store_idx %arg7[%get3A_34], %get3A_36 {add = true} : memref<10000xf32, #tpu.memory_space<vmem>>[vector<16xi32>], vector<16xf32>,
      tpu.vector_store_idx %arg7[%get3A_44], %get3A_46 {add = true} : memref<10000xf32, #tpu.memory_space<vmem>>[vector<16xi32>], vector<16xf32>,
      tpu.vector_store_idx %arg7[%get3A_54], %get3A_56 {add = true} : memref<10000xf32, #tpu.memory_space<vmem>>[vector<16xi32>], vector<16xf32>,
      tpu.vector_store_idx %arg7[%get3A_64], %get3A_66 {add = true} : memref<10000xf32, #tpu.memory_space<vmem>>[vector<16xi32>], vector<16xf32>,
      %scan3A_67 = arith.constant 0 : i32
      scf.yield %scan3A_67 : i32
    }
    %scan3A_15 = arith.constant 125 : i32
    "tpu.region"() ({
      %run_scoped3A = tpu.sem_alloc : memref<!tpu.dma_semaphore, #tpu.memory_space<semaphore_mem>>
      %dma_start3A = arith.constant 0 : i32
      %dma_start3A_16 = tpu.memref_slice %arg4[%add3A, %dma_start3A] : memref<32x10000xf32, #tpu.memory_space<hbm>> -> memref<1x10000xf32, #tpu.memory_space<hbm>>
      %dma_start3A_17 = tpu.memref_squeeze %dma_start3A_16 : memref<1x10000xf32, #tpu.memory_space<hbm>> -> memref<10000xf32, #tpu.memory_space<hbm>>
      %dma_start3A_18 = arith.constant 0 : i32
      %dma_start3A_19 = tpu.memref_slice %arg4[%add3A, %dma_start3A_18] : memref<32x10000xf32, #tpu.memory_space<hbm>> -> memref<1x10000xf32, #tpu.memory_space<hbm>>
      %dma_start3A_20 = tpu.memref_squeeze %dma_start3A_19 : memref<1x10000xf32, #tpu.memory_space<hbm>> -> memref<10000xf32, #tpu.memory_space<hbm>>
      tpu.enqueue_dma source(%arg7 : memref<10000xf32, #tpu.memory_space<vmem>>) target(%dma_start3A_20 : memref<10000xf32, #tpu.memory_space<hbm>>) target_semaphore(%run_scoped3A : memref<!tpu.dma_semaphore, #tpu.memory_space<semaphore_mem>>)
      %dma_wait3A = arith.constant 0 : i32
      %dma_wait3A_21 = tpu.memref_slice %arg4[%add3A, %dma_wait3A] : memref<32x10000xf32, #tpu.memory_space<hbm>> -> memref<1x10000xf32, #tpu.memory_space<hbm>>
      %dma_wait3A_22 = tpu.memref_squeeze %dma_wait3A_21 : memref<1x10000xf32, #tpu.memory_space<hbm>> -> memref<10000xf32, #tpu.memory_space<hbm>>
      %dma_wait3A_23 = arith.constant 0 : i32
      %dma_wait3A_24 = tpu.memref_slice %arg4[%add3A, %dma_wait3A_23] : memref<32x10000xf32, #tpu.memory_space<hbm>> -> memref<1x10000xf32, #tpu.memory_space<hbm>>
      %dma_wait3A_25 = tpu.memref_squeeze %dma_wait3A_24 : memref<1x10000xf32, #tpu.memory_space<hbm>> -> memref<10000xf32, #tpu.memory_space<hbm>>
      tpu.wait_dma2 semaphore(%run_scoped3A : memref<!tpu.dma_semaphore, #tpu.memory_space<semaphore_mem>>) src(%arg7 : memref<10000xf32, #tpu.memory_space<vmem>>) dst(%dma_wait3A_25 : memref<10000xf32, #tpu.memory_space<hbm>>)
      tpu.yield
    }) : () -> ()
    return
  }
}

#map = affine_map<(d0, d1) -> (0)>
module attributes {stable_mosaic.version = 14 : i64} {
  func.func @_sc_edges_body(%arg0: i32, %arg1: i32, %arg2: memref<640000xi32, #tpu.memory_space<hbm>>, %arg3: memref<1280000xf32, #tpu.memory_space<hbm>>, %arg4: memref<320000xi32, #tpu.memory_space<hbm>>, %arg5: memref<320000xi32, #tpu.memory_space<hbm>>, %arg6: memref<320000xf32, #tpu.memory_space<hbm>>, %arg7: memref<1280000xf32, #tpu.memory_space<hbm>>, %arg8: memref<8000xi32, #tpu.memory_space<vmem>>, %arg9: memref<8000xi32, #tpu.memory_space<vmem>>, %arg10: memref<8000xf32, #tpu.memory_space<vmem>>, %arg11: memref<8000xi32, #tpu.memory_space<vmem>>, %arg12: memref<8000xi32, #tpu.memory_space<vmem>>, %arg13: memref<8000xf32, #tpu.memory_space<vmem>>, %arg14: memref<20000xi32, #tpu.memory_space<vmem>>, %arg15: memref<40000xf32, #tpu.memory_space<vmem>>, %arg16: memref<!tpu.dma_semaphore, #tpu.memory_space<semaphore_mem>>, %arg17: memref<!tpu.dma_semaphore, #tpu.memory_space<semaphore_mem>>) attributes {dimension_semantics = [#tpu.dimension_semantics<core_parallel>, #tpu.dimension_semantics<subcore_parallel>], iteration_bounds = array<i64: 2, 16>, scalar_prefetch = 0 : i64, scratch_operands = 10 : i64, tpu.core_type = #tpu.core_type<sc_vector_subcore>, window_params = [{transform_indices = #map}, {transform_indices = #map}, {transform_indices = #map}, {transform_indices = #map}, {transform_indices = #map}, {transform_indices = #map}]} {
    %mul3A = arith.constant 2 : i32
    %mul3A_0 = arith.muli %arg1, %mul3A : i32
    %add3A = arith.addi %mul3A_0, %arg0 : i32
    %mul3A_1 = arith.constant 20000 : i32
    %mul3A_2 = arith.muli %add3A, %mul3A_1 : i32
    %dma_start3A = tpu.memref_slice %arg2[%mul3A_2] : memref<640000xi32, #tpu.memory_space<hbm>> -> memref<20000xi32, #tpu.memory_space<hbm>>
    %dma_start3A_3 = tpu.memref_slice %arg2[%mul3A_2] : memref<640000xi32, #tpu.memory_space<hbm>> -> memref<20000xi32, #tpu.memory_space<hbm>>
    tpu.enqueue_dma source(%dma_start3A_3 : memref<20000xi32, #tpu.memory_space<hbm>>) target(%arg14 : memref<20000xi32, #tpu.memory_space<vmem>>) target_semaphore(%arg17 : memref<!tpu.dma_semaphore, #tpu.memory_space<semaphore_mem>>)
    %dma_start3A_4 = arith.constant 0 : i32
    %dma_start3A_5 = tpu.memref_slice %arg15[%dma_start3A_4] : memref<40000xf32, #tpu.memory_space<vmem>> -> memref<20000xf32, #tpu.memory_space<vmem>>
    %dma_start3A_6 = tpu.memref_slice %arg3[%mul3A_2] : memref<1280000xf32, #tpu.memory_space<hbm>> -> memref<20000xf32, #tpu.memory_space<hbm>>
    %dma_start3A_7 = arith.constant 0 : i32
    %dma_start3A_8 = tpu.memref_slice %arg15[%dma_start3A_7] : memref<40000xf32, #tpu.memory_space<vmem>> -> memref<20000xf32, #tpu.memory_space<vmem>>
    %dma_start3A_9 = tpu.memref_slice %arg3[%mul3A_2] : memref<1280000xf32, #tpu.memory_space<hbm>> -> memref<20000xf32, #tpu.memory_space<hbm>>
    tpu.enqueue_dma source(%dma_start3A_9 : memref<20000xf32, #tpu.memory_space<hbm>>) target(%dma_start3A_8 : memref<20000xf32, #tpu.memory_space<vmem>>) target_semaphore(%arg17 : memref<!tpu.dma_semaphore, #tpu.memory_space<semaphore_mem>>)
    %add3A_10 = arith.constant 640000 : i32
    %add3A_11 = arith.addi %mul3A_2, %add3A_10 : i32
    %dma_start3A_12 = arith.constant 20000 : i32
    %dma_start3A_13 = tpu.memref_slice %arg15[%dma_start3A_12] : memref<40000xf32, #tpu.memory_space<vmem>> -> memref<20000xf32, #tpu.memory_space<vmem>>
    %dma_start3A_14 = tpu.memref_slice %arg3[%add3A_11] : memref<1280000xf32, #tpu.memory_space<hbm>> -> memref<20000xf32, #tpu.memory_space<hbm>>
    %dma_start3A_15 = arith.constant 20000 : i32
    %dma_start3A_16 = tpu.memref_slice %arg15[%dma_start3A_15] : memref<40000xf32, #tpu.memory_space<vmem>> -> memref<20000xf32, #tpu.memory_space<vmem>>
    %dma_start3A_17 = tpu.memref_slice %arg3[%add3A_11] : memref<1280000xf32, #tpu.memory_space<hbm>> -> memref<20000xf32, #tpu.memory_space<hbm>>
    tpu.enqueue_dma source(%dma_start3A_17 : memref<20000xf32, #tpu.memory_space<hbm>>) target(%dma_start3A_16 : memref<20000xf32, #tpu.memory_space<vmem>>) target_semaphore(%arg17 : memref<!tpu.dma_semaphore, #tpu.memory_space<semaphore_mem>>)
    %dma_start3A_18 = arith.constant 0 : i32
    %dma_start3A_19 = tpu.memref_slice %arg4[%dma_start3A_18] : memref<320000xi32, #tpu.memory_space<hbm>> -> memref<8000xi32, #tpu.memory_space<hbm>>
    %dma_start3A_20 = arith.constant 0 : i32
    %dma_start3A_21 = tpu.memref_slice %arg4[%dma_start3A_20] : memref<320000xi32, #tpu.memory_space<hbm>> -> memref<8000xi32, #tpu.memory_space<hbm>>
    tpu.enqueue_dma source(%dma_start3A_21 : memref<8000xi32, #tpu.memory_space<hbm>>) target(%arg8 : memref<8000xi32, #tpu.memory_space<vmem>>) target_semaphore(%arg16 : memref<!tpu.dma_semaphore, #tpu.memory_space<semaphore_mem>>)
    %dma_start3A_22 = arith.constant 0 : i32
    %dma_start3A_23 = tpu.memref_slice %arg5[%dma_start3A_22] : memref<320000xi32, #tpu.memory_space<hbm>> -> memref<8000xi32, #tpu.memory_space<hbm>>
    %dma_start3A_24 = arith.constant 0 : i32
    %dma_start3A_25 = tpu.memref_slice %arg5[%dma_start3A_24] : memref<320000xi32, #tpu.memory_space<hbm>> -> memref<8000xi32, #tpu.memory_space<hbm>>
    tpu.enqueue_dma source(%dma_start3A_25 : memref<8000xi32, #tpu.memory_space<hbm>>) target(%arg9 : memref<8000xi32, #tpu.memory_space<vmem>>) target_semaphore(%arg16 : memref<!tpu.dma_semaphore, #tpu.memory_space<semaphore_mem>>)
    %dma_start3A_26 = arith.constant 0 : i32
    %dma_start3A_27 = tpu.memref_slice %arg6[%dma_start3A_26] : memref<320000xf32, #tpu.memory_space<hbm>> -> memref<8000xf32, #tpu.memory_space<hbm>>
    %dma_start3A_28 = arith.constant 0 : i32
    %dma_start3A_29 = tpu.memref_slice %arg6[%dma_start3A_28] : memref<320000xf32, #tpu.memory_space<hbm>> -> memref<8000xf32, #tpu.memory_space<hbm>>
    tpu.enqueue_dma source(%dma_start3A_29 : memref<8000xf32, #tpu.memory_space<hbm>>) target(%arg10 : memref<8000xf32, #tpu.memory_space<vmem>>) target_semaphore(%arg16 : memref<!tpu.dma_semaphore, #tpu.memory_space<semaphore_mem>>)
    %dma_wait3A = tpu.memref_slice %arg2[%mul3A_2] : memref<640000xi32, #tpu.memory_space<hbm>> -> memref<20000xi32, #tpu.memory_space<hbm>>
    %dma_wait3A_30 = tpu.memref_slice %arg2[%mul3A_2] : memref<640000xi32, #tpu.memory_space<hbm>> -> memref<20000xi32, #tpu.memory_space<hbm>>
    tpu.wait_dma2 semaphore(%arg17 : memref<!tpu.dma_semaphore, #tpu.memory_space<semaphore_mem>>) src(%dma_wait3A_30 : memref<20000xi32, #tpu.memory_space<hbm>>) dst(%arg14 : memref<20000xi32, #tpu.memory_space<vmem>>)
    %dma_wait3A_31 = arith.constant 0 : i32
    %dma_wait3A_32 = tpu.memref_slice %arg15[%dma_wait3A_31] : memref<40000xf32, #tpu.memory_space<vmem>> -> memref<20000xf32, #tpu.memory_space<vmem>>
    %dma_wait3A_33 = tpu.memref_slice %arg3[%mul3A_2] : memref<1280000xf32, #tpu.memory_space<hbm>> -> memref<20000xf32, #tpu.memory_space<hbm>>
    %dma_wait3A_34 = arith.constant 0 : i32
    %dma_wait3A_35 = tpu.memref_slice %arg15[%dma_wait3A_34] : memref<40000xf32, #tpu.memory_space<vmem>> -> memref<20000xf32, #tpu.memory_space<vmem>>
    %dma_wait3A_36 = tpu.memref_slice %arg3[%mul3A_2] : memref<1280000xf32, #tpu.memory_space<hbm>> -> memref<20000xf32, #tpu.memory_space<hbm>>
    tpu.wait_dma2 semaphore(%arg17 : memref<!tpu.dma_semaphore, #tpu.memory_space<semaphore_mem>>) src(%dma_wait3A_36 : memref<20000xf32, #tpu.memory_space<hbm>>) dst(%dma_wait3A_35 : memref<20000xf32, #tpu.memory_space<vmem>>)
    %add3A_37 = arith.constant 640000 : i32
    %add3A_38 = arith.addi %mul3A_2, %add3A_37 : i32
    %dma_wait3A_39 = arith.constant 20000 : i32
    %dma_wait3A_40 = tpu.memref_slice %arg15[%dma_wait3A_39] : memref<40000xf32, #tpu.memory_space<vmem>> -> memref<20000xf32, #tpu.memory_space<vmem>>
    %dma_wait3A_41 = tpu.memref_slice %arg3[%add3A_38] : memref<1280000xf32, #tpu.memory_space<hbm>> -> memref<20000xf32, #tpu.memory_space<hbm>>
    %dma_wait3A_42 = arith.constant 20000 : i32
    %dma_wait3A_43 = tpu.memref_slice %arg15[%dma_wait3A_42] : memref<40000xf32, #tpu.memory_space<vmem>> -> memref<20000xf32, #tpu.memory_space<vmem>>
    %dma_wait3A_44 = tpu.memref_slice %arg3[%add3A_38] : memref<1280000xf32, #tpu.memory_space<hbm>> -> memref<20000xf32, #tpu.memory_space<hbm>>
    tpu.wait_dma2 semaphore(%arg17 : memref<!tpu.dma_semaphore, #tpu.memory_space<semaphore_mem>>) src(%dma_wait3A_44 : memref<20000xf32, #tpu.memory_space<hbm>>) dst(%dma_wait3A_43 : memref<20000xf32, #tpu.memory_space<vmem>>)
    %scan3A = arith.constant 0 : i32
    %scan3A_45 = arith.constant 0 : i32
    %scan3A_46 = arith.constant 20 : i32
    %scan3A_47 = arith.addi %scan3A_45, %scan3A_46 : i32
    %scan3A_48 = arith.constant 1 : i32
    %scan3A_49 = scf.for %scan3A_53 = %scan3A_45 to %scan3A_47 step %scan3A_48 iter_args(%scan3A_54 = %scan3A) -> (i32)  : i32 {
      %mul3A_55 = arith.constant 2 : i32
      %mul3A_56 = arith.muli %scan3A_53, %mul3A_55 : i32
      %add3A_57 = arith.constant 1 : i32
      %add3A_58 = arith.addi %mul3A_56, %add3A_57 : i32
      %mul3A_59 = arith.constant 8000 : i32
      %mul3A_60 = arith.muli %add3A_58, %mul3A_59 : i32
      %dma_start3A_61 = tpu.memref_slice %arg4[%mul3A_60] : memref<320000xi32, #tpu.memory_space<hbm>> -> memref<8000xi32, #tpu.memory_space<hbm>>
      %dma_start3A_62 = tpu.memref_slice %arg4[%mul3A_60] : memref<320000xi32, #tpu.memory_space<hbm>> -> memref<8000xi32, #tpu.memory_space<hbm>>
      tpu.enqueue_dma source(%dma_start3A_62 : memref<8000xi32, #tpu.memory_space<hbm>>) target(%arg11 : memref<8000xi32, #tpu.memory_space<vmem>>) target_semaphore(%arg17 : memref<!tpu.dma_semaphore, #tpu.memory_space<semaphore_mem>>)
      %mul3A_63 = arith.constant 8000 : i32
      %mul3A_64 = arith.muli %add3A_58, %mul3A_63 : i32
      %dma_start3A_65 = tpu.memref_slice %arg5[%mul3A_64] : memref<320000xi32, #tpu.memory_space<hbm>> -> memref<8000xi32, #tpu.memory_space<hbm>>
      %dma_start3A_66 = tpu.memref_slice %arg5[%mul3A_64] : memref<320000xi32, #tpu.memory_space<hbm>> -> memref<8000xi32, #tpu.memory_space<hbm>>
      tpu.enqueue_dma source(%dma_start3A_66 : memref<8000xi32, #tpu.memory_space<hbm>>) target(%arg12 : memref<8000xi32, #tpu.memory_space<vmem>>) target_semaphore(%arg17 : memref<!tpu.dma_semaphore, #tpu.memory_space<semaphore_mem>>)
      %mul3A_67 = arith.constant 8000 : i32
      %mul3A_68 = arith.muli %add3A_58, %mul3A_67 : i32
      %dma_start3A_69 = tpu.memref_slice %arg6[%mul3A_68] : memref<320000xf32, #tpu.memory_space<hbm>> -> memref<8000xf32, #tpu.memory_space<hbm>>
      %dma_start3A_70 = tpu.memref_slice %arg6[%mul3A_68] : memref<320000xf32, #tpu.memory_space<hbm>> -> memref<8000xf32, #tpu.memory_space<hbm>>
      tpu.enqueue_dma source(%dma_start3A_70 : memref<8000xf32, #tpu.memory_space<hbm>>) target(%arg13 : memref<8000xf32, #tpu.memory_space<vmem>>) target_semaphore(%arg17 : memref<!tpu.dma_semaphore, #tpu.memory_space<semaphore_mem>>)
      %mul3A_71 = arith.constant 8000 : i32
      %mul3A_72 = arith.muli %mul3A_56, %mul3A_71 : i32
      %dma_wait3A_73 = tpu.memref_slice %arg4[%mul3A_72] : memref<320000xi32, #tpu.memory_space<hbm>> -> memref<8000xi32, #tpu.memory_space<hbm>>
      %dma_wait3A_74 = tpu.memref_slice %arg4[%mul3A_72] : memref<320000xi32, #tpu.memory_space<hbm>> -> memref<8000xi32, #tpu.memory_space<hbm>>
      tpu.wait_dma2 semaphore(%arg16 : memref<!tpu.dma_semaphore, #tpu.memory_space<semaphore_mem>>) src(%dma_wait3A_74 : memref<8000xi32, #tpu.memory_space<hbm>>) dst(%arg8 : memref<8000xi32, #tpu.memory_space<vmem>>)
      %mul3A_75 = arith.constant 8000 : i32
      %mul3A_76 = arith.muli %mul3A_56, %mul3A_75 : i32
      %dma_wait3A_77 = tpu.memref_slice %arg5[%mul3A_76] : memref<320000xi32, #tpu.memory_space<hbm>> -> memref<8000xi32, #tpu.memory_space<hbm>>
      %dma_wait3A_78 = tpu.memref_slice %arg5[%mul3A_76] : memref<320000xi32, #tpu.memory_space<hbm>> -> memref<8000xi32, #tpu.memory_space<hbm>>
      tpu.wait_dma2 semaphore(%arg16 : memref<!tpu.dma_semaphore, #tpu.memory_space<semaphore_mem>>) src(%dma_wait3A_78 : memref<8000xi32, #tpu.memory_space<hbm>>) dst(%arg9 : memref<8000xi32, #tpu.memory_space<vmem>>)
      %mul3A_79 = arith.constant 8000 : i32
      %mul3A_80 = arith.muli %mul3A_56, %mul3A_79 : i32
      %dma_wait3A_81 = tpu.memref_slice %arg6[%mul3A_80] : memref<320000xf32, #tpu.memory_space<hbm>> -> memref<8000xf32, #tpu.memory_space<hbm>>
      %dma_wait3A_82 = tpu.memref_slice %arg6[%mul3A_80] : memref<320000xf32, #tpu.memory_space<hbm>> -> memref<8000xf32, #tpu.memory_space<hbm>>
      tpu.wait_dma2 semaphore(%arg16 : memref<!tpu.dma_semaphore, #tpu.memory_space<semaphore_mem>>) src(%dma_wait3A_82 : memref<8000xf32, #tpu.memory_space<hbm>>) dst(%arg10 : memref<8000xf32, #tpu.memory_space<vmem>>)
      %broadcast_in_dim3A = arith.constant -65536 : i32
      %broadcast_in_dim3A_83 = vector.broadcast %broadcast_in_dim3A : i32 to vector<16xi32>
      %scan3A_84 = arith.constant 0 : i32
      %scan3A_85 = arith.constant 0 : i32
      %scan3A_86 = arith.constant 100 : i32
      %scan3A_87 = arith.addi %scan3A_85, %scan3A_86 : i32
      %scan3A_88 = arith.constant 1 : i32
      %scan3A_89 = scf.for %scan3A_119 = %scan3A_85 to %scan3A_87 step %scan3A_88 iter_args(%scan3A_120 = %scan3A_84) -> (i32)  : i32 {
        %mul3A_121 = arith.constant 5 : i32
        %mul3A_122 = arith.muli %scan3A_119, %mul3A_121 : i32
        %add3A_123 = arith.constant 0 : i32
        %add3A_124 = arith.addi %mul3A_122, %add3A_123 : i32
        %mul3A_125 = arith.constant 16 : i32
        %mul3A_126 = arith.muli %add3A_124, %mul3A_125 : i32
        %get3A = arith.index_cast %mul3A_126 : i32 to index
        %get3A_127 = tpu.vector_load %arg8[%get3A] {strides = array<i32>} : memref<8000xi32, #tpu.memory_space<vmem>>, vector<16xi32>,
        %get3A_128 = arith.index_cast %mul3A_126 : i32 to index
        %get3A_129 = tpu.vector_load %arg9[%get3A_128] {strides = array<i32>} : memref<8000xi32, #tpu.memory_space<vmem>>, vector<16xi32>,
        %get3A_130 = arith.index_cast %mul3A_126 : i32 to index
        %get3A_131 = tpu.vector_load %arg10[%get3A_130] {strides = array<i32>} : memref<8000xf32, #tpu.memory_space<vmem>>, vector<16xf32>,
        %mul3A_132 = arith.constant 5 : i32
        %mul3A_133 = arith.muli %scan3A_119, %mul3A_132 : i32
        %add3A_134 = arith.constant 1 : i32
        %add3A_135 = arith.addi %mul3A_133, %add3A_134 : i32
        %mul3A_136 = arith.constant 16 : i32
        %mul3A_137 = arith.muli %add3A_135, %mul3A_136 : i32
        %get3A_138 = arith.index_cast %mul3A_137 : i32 to index
        %get3A_139 = tpu.vector_load %arg8[%get3A_138] {strides = array<i32>} : memref<8000xi32, #tpu.memory_space<vmem>>, vector<16xi32>,
        %get3A_140 = arith.index_cast %mul3A_137 : i32 to index
        %get3A_141 = tpu.vector_load %arg9[%get3A_140] {strides = array<i32>} : memref<8000xi32, #tpu.memory_space<vmem>>, vector<16xi32>,
        %get3A_142 = arith.index_cast %mul3A_137 : i32 to index
        %get3A_143 = tpu.vector_load %arg10[%get3A_142] {strides = array<i32>} : memref<8000xf32, #tpu.memory_space<vmem>>, vector<16xf32>,
        %mul3A_144 = arith.constant 5 : i32
        %mul3A_145 = arith.muli %scan3A_119, %mul3A_144 : i32
        %add3A_146 = arith.constant 2 : i32
        %add3A_147 = arith.addi %mul3A_145, %add3A_146 : i32
        %mul3A_148 = arith.constant 16 : i32
        %mul3A_149 = arith.muli %add3A_147, %mul3A_148 : i32
        %get3A_150 = arith.index_cast %mul3A_149 : i32 to index
        %get3A_151 = tpu.vector_load %arg8[%get3A_150] {strides = array<i32>} : memref<8000xi32, #tpu.memory_space<vmem>>, vector<16xi32>,
        %get3A_152 = arith.index_cast %mul3A_149 : i32 to index
        %get3A_153 = tpu.vector_load %arg9[%get3A_152] {strides = array<i32>} : memref<8000xi32, #tpu.memory_space<vmem>>, vector<16xi32>,
        %get3A_154 = arith.index_cast %mul3A_149 : i32 to index
        %get3A_155 = tpu.vector_load %arg10[%get3A_154] {strides = array<i32>} : memref<8000xf32, #tpu.memory_space<vmem>>, vector<16xf32>,
        %mul3A_156 = arith.constant 5 : i32
        %mul3A_157 = arith.muli %scan3A_119, %mul3A_156 : i32
        %add3A_158 = arith.constant 3 : i32
        %add3A_159 = arith.addi %mul3A_157, %add3A_158 : i32
        %mul3A_160 = arith.constant 16 : i32
        %mul3A_161 = arith.muli %add3A_159, %mul3A_160 : i32
        %get3A_162 = arith.index_cast %mul3A_161 : i32 to index
        %get3A_163 = tpu.vector_load %arg8[%get3A_162] {strides = array<i32>} : memref<8000xi32, #tpu.memory_space<vmem>>, vector<16xi32>,
        %get3A_164 = arith.index_cast %mul3A_161 : i32 to index
        %get3A_165 = tpu.vector_load %arg9[%get3A_164] {strides = array<i32>} : memref<8000xi32, #tpu.memory_space<vmem>>, vector<16xi32>,
        %get3A_166 = arith.index_cast %mul3A_161 : i32 to index
        %get3A_167 = tpu.vector_load %arg10[%get3A_166] {strides = array<i32>} : memref<8000xf32, #tpu.memory_space<vmem>>, vector<16xf32>,
        %mul3A_168 = arith.constant 5 : i32
        %mul3A_169 = arith.muli %scan3A_119, %mul3A_168 : i32
        %add3A_170 = arith.constant 4 : i32
        %add3A_171 = arith.addi %mul3A_169, %add3A_170 : i32
        %mul3A_172 = arith.constant 16 : i32
        %mul3A_173 = arith.muli %add3A_171, %mul3A_172 : i32
        %get3A_174 = arith.index_cast %mul3A_173 : i32 to index
        %get3A_175 = tpu.vector_load %arg8[%get3A_174] {strides = array<i32>} : memref<8000xi32, #tpu.memory_space<vmem>>, vector<16xi32>,
        %get3A_176 = arith.index_cast %mul3A_173 : i32 to index
        %get3A_177 = tpu.vector_load %arg9[%get3A_176] {strides = array<i32>} : memref<8000xi32, #tpu.memory_space<vmem>>, vector<16xi32>,
        %get3A_178 = arith.index_cast %mul3A_173 : i32 to index
        %get3A_179 = tpu.vector_load %arg10[%get3A_178] {strides = array<i32>} : memref<8000xf32, #tpu.memory_space<vmem>>, vector<16xf32>,
        %add3A_180 = arith.constant 0 : i32
        %add3A_181 = vector.broadcast %add3A_180 : i32 to vector<16xi32>
        %add3A_182 = arith.addi %get3A_127, %add3A_181 : vector<16xi32>
        %gather3A = tpu.vector_load_idx %arg14[%add3A_182] : memref<20000xi32, #tpu.memory_space<vmem>>[vector<16xi32>], vector<16xi32>,
        %add3A_183 = arith.constant 10000 : i32
        %add3A_184 = vector.broadcast %add3A_183 : i32 to vector<16xi32>
        %add3A_185 = arith.addi %get3A_127, %add3A_184 : vector<16xi32>
        %gather3A_186 = tpu.vector_load_idx %arg14[%add3A_185] : memref<20000xi32, #tpu.memory_space<vmem>>[vector<16xi32>], vector<16xi32>,
        %add3A_187 = arith.constant 0 : i32
        %add3A_188 = vector.broadcast %add3A_187 : i32 to vector<16xi32>
        %add3A_189 = arith.addi %get3A_139, %add3A_188 : vector<16xi32>
        %gather3A_190 = tpu.vector_load_idx %arg14[%add3A_189] : memref<20000xi32, #tpu.memory_space<vmem>>[vector<16xi32>], vector<16xi32>,
        %add3A_191 = arith.constant 10000 : i32
        %add3A_192 = vector.broadcast %add3A_191 : i32 to vector<16xi32>
        %add3A_193 = arith.addi %get3A_139, %add3A_192 : vector<16xi32>
        %gather3A_194 = tpu.vector_load_idx %arg14[%add3A_193] : memref<20000xi32, #tpu.memory_space<vmem>>[vector<16xi32>], vector<16xi32>,
        %add3A_195 = arith.constant 0 : i32
        %add3A_196 = vector.broadcast %add3A_195 : i32 to vector<16xi32>
        %add3A_197 = arith.addi %get3A_151, %add3A_196 : vector<16xi32>
        %gather3A_198 = tpu.vector_load_idx %arg14[%add3A_197] : memref<20000xi32, #tpu.memory_space<vmem>>[vector<16xi32>], vector<16xi32>,
        %add3A_199 = arith.constant 10000 : i32
        %add3A_200 = vector.broadcast %add3A_199 : i32 to vector<16xi32>
        %add3A_201 = arith.addi %get3A_151, %add3A_200 : vector<16xi32>
        %gather3A_202 = tpu.vector_load_idx %arg14[%add3A_201] : memref<20000xi32, #tpu.memory_space<vmem>>[vector<16xi32>], vector<16xi32>,
        %add3A_203 = arith.constant 0 : i32
        %add3A_204 = vector.broadcast %add3A_203 : i32 to vector<16xi32>
        %add3A_205 = arith.addi %get3A_163, %add3A_204 : vector<16xi32>
        %gather3A_206 = tpu.vector_load_idx %arg14[%add3A_205] : memref<20000xi32, #tpu.memory_space<vmem>>[vector<16xi32>], vector<16xi32>,
        %add3A_207 = arith.constant 10000 : i32
        %add3A_208 = vector.broadcast %add3A_207 : i32 to vector<16xi32>
        %add3A_209 = arith.addi %get3A_163, %add3A_208 : vector<16xi32>
        %gather3A_210 = tpu.vector_load_idx %arg14[%add3A_209] : memref<20000xi32, #tpu.memory_space<vmem>>[vector<16xi32>], vector<16xi32>,
        %add3A_211 = arith.constant 0 : i32
        %add3A_212 = vector.broadcast %add3A_211 : i32 to vector<16xi32>
        %add3A_213 = arith.addi %get3A_175, %add3A_212 : vector<16xi32>
        %gather3A_214 = tpu.vector_load_idx %arg14[%add3A_213] : memref<20000xi32, #tpu.memory_space<vmem>>[vector<16xi32>], vector<16xi32>,
        %add3A_215 = arith.constant 10000 : i32
        %add3A_216 = vector.broadcast %add3A_215 : i32 to vector<16xi32>
        %add3A_217 = arith.addi %get3A_175, %add3A_216 : vector<16xi32>
        %gather3A_218 = tpu.vector_load_idx %arg14[%add3A_217] : memref<20000xi32, #tpu.memory_space<vmem>>[vector<16xi32>], vector<16xi32>,
        %shift_left3A = arith.constant 16 : i32
        %shift_left3A_219 = vector.broadcast %shift_left3A : i32 to vector<16xi32>
        %shift_left3A_220 = arith.shli %gather3A, %shift_left3A_219 : vector<16xi32>
        %bitcast3A = vector.bitcast %shift_left3A_220 : vector<16xi32> to vector<16xf32>
        %and3A = arith.andi %gather3A, %broadcast_in_dim3A_83 : vector<16xi32>
        %bitcast3A_221 = vector.bitcast %and3A : vector<16xi32> to vector<16xf32>
        %add3A_222 = arith.constant 0 : i32
        %add3A_223 = vector.broadcast %add3A_222 : i32 to vector<16xi32>
        %add3A_224 = arith.addi %get3A_129, %add3A_223 : vector<16xi32>
        %mul3A_225 = arith.mulf %bitcast3A, %get3A_131 : vector<16xf32>
        tpu.vector_store_idx %arg15[%add3A_224], %mul3A_225 {add = true} : memref<40000xf32, #tpu.memory_space<vmem>>[vector<16xi32>], vector<16xf32>,
        %add3A_226 = arith.constant 20000 : i32
        %add3A_227 = vector.broadcast %add3A_226 : i32 to vector<16xi32>
        %add3A_228 = arith.addi %get3A_129, %add3A_227 : vector<16xi32>
        %mul3A_229 = arith.mulf %bitcast3A_221, %get3A_131 : vector<16xf32>
        tpu.vector_store_idx %arg15[%add3A_228], %mul3A_229 {add = true} : memref<40000xf32, #tpu.memory_space<vmem>>[vector<16xi32>], vector<16xf32>,
        %shift_left3A_230 = arith.constant 16 : i32
        %shift_left3A_231 = vector.broadcast %shift_left3A_230 : i32 to vector<16xi32>
        %shift_left3A_232 = arith.shli %gather3A_186, %shift_left3A_231 : vector<16xi32>
        %bitcast3A_233 = vector.bitcast %shift_left3A_232 : vector<16xi32> to vector<16xf32>
        %and3A_234 = arith.andi %gather3A_186, %broadcast_in_dim3A_83 : vector<16xi32>
        %bitcast3A_235 = vector.bitcast %and3A_234 : vector<16xi32> to vector<16xf32>
        %add3A_236 = arith.constant 10000 : i32
        %add3A_237 = vector.broadcast %add3A_236 : i32 to vector<16xi32>
        %add3A_238 = arith.addi %get3A_129, %add3A_237 : vector<16xi32>
        %mul3A_239 = arith.mulf %bitcast3A_233, %get3A_131 : vector<16xf32>
        tpu.vector_store_idx %arg15[%add3A_238], %mul3A_239 {add = true} : memref<40000xf32, #tpu.memory_space<vmem>>[vector<16xi32>], vector<16xf32>,
        %add3A_240 = arith.constant 30000 : i32
        %add3A_241 = vector.broadcast %add3A_240 : i32 to vector<16xi32>
        %add3A_242 = arith.addi %get3A_129, %add3A_241 : vector<16xi32>
        %mul3A_243 = arith.mulf %bitcast3A_235, %get3A_131 : vector<16xf32>
        tpu.vector_store_idx %arg15[%add3A_242], %mul3A_243 {add = true} : memref<40000xf32, #tpu.memory_space<vmem>>[vector<16xi32>], vector<16xf32>,
        %shift_left3A_244 = arith.constant 16 : i32
        %shift_left3A_245 = vector.broadcast %shift_left3A_244 : i32 to vector<16xi32>
        %shift_left3A_246 = arith.shli %gather3A_190, %shift_left3A_245 : vector<16xi32>
        %bitcast3A_247 = vector.bitcast %shift_left3A_246 : vector<16xi32> to vector<16xf32>
        %and3A_248 = arith.andi %gather3A_190, %broadcast_in_dim3A_83 : vector<16xi32>
        %bitcast3A_249 = vector.bitcast %and3A_248 : vector<16xi32> to vector<16xf32>
        %add3A_250 = arith.constant 0 : i32
        %add3A_251 = vector.broadcast %add3A_250 : i32 to vector<16xi32>
        %add3A_252 = arith.addi %get3A_141, %add3A_251 : vector<16xi32>
        %mul3A_253 = arith.mulf %bitcast3A_247, %get3A_143 : vector<16xf32>
        tpu.vector_store_idx %arg15[%add3A_252], %mul3A_253 {add = true} : memref<40000xf32, #tpu.memory_space<vmem>>[vector<16xi32>], vector<16xf32>,
        %add3A_254 = arith.constant 20000 : i32
        %add3A_255 = vector.broadcast %add3A_254 : i32 to vector<16xi32>
        %add3A_256 = arith.addi %get3A_141, %add3A_255 : vector<16xi32>
        %mul3A_257 = arith.mulf %bitcast3A_249, %get3A_143 : vector<16xf32>
        tpu.vector_store_idx %arg15[%add3A_256], %mul3A_257 {add = true} : memref<40000xf32, #tpu.memory_space<vmem>>[vector<16xi32>], vector<16xf32>,
        %shift_left3A_258 = arith.constant 16 : i32
        %shift_left3A_259 = vector.broadcast %shift_left3A_258 : i32 to vector<16xi32>
        %shift_left3A_260 = arith.shli %gather3A_194, %shift_left3A_259 : vector<16xi32>
        %bitcast3A_261 = vector.bitcast %shift_left3A_260 : vector<16xi32> to vector<16xf32>
        %and3A_262 = arith.andi %gather3A_194, %broadcast_in_dim3A_83 : vector<16xi32>
        %bitcast3A_263 = vector.bitcast %and3A_262 : vector<16xi32> to vector<16xf32>
        %add3A_264 = arith.constant 10000 : i32
        %add3A_265 = vector.broadcast %add3A_264 : i32 to vector<16xi32>
        %add3A_266 = arith.addi %get3A_141, %add3A_265 : vector<16xi32>
        %mul3A_267 = arith.mulf %bitcast3A_261, %get3A_143 : vector<16xf32>
        tpu.vector_store_idx %arg15[%add3A_266], %mul3A_267 {add = true} : memref<40000xf32, #tpu.memory_space<vmem>>[vector<16xi32>], vector<16xf32>,
        %add3A_268 = arith.constant 30000 : i32
        %add3A_269 = vector.broadcast %add3A_268 : i32 to vector<16xi32>
        %add3A_270 = arith.addi %get3A_141, %add3A_269 : vector<16xi32>
        %mul3A_271 = arith.mulf %bitcast3A_263, %get3A_143 : vector<16xf32>
        tpu.vector_store_idx %arg15[%add3A_270], %mul3A_271 {add = true} : memref<40000xf32, #tpu.memory_space<vmem>>[vector<16xi32>], vector<16xf32>,
        %shift_left3A_272 = arith.constant 16 : i32
        %shift_left3A_273 = vector.broadcast %shift_left3A_272 : i32 to vector<16xi32>
        %shift_left3A_274 = arith.shli %gather3A_198, %shift_left3A_273 : vector<16xi32>
        %bitcast3A_275 = vector.bitcast %shift_left3A_274 : vector<16xi32> to vector<16xf32>
        %and3A_276 = arith.andi %gather3A_198, %broadcast_in_dim3A_83 : vector<16xi32>
        %bitcast3A_277 = vector.bitcast %and3A_276 : vector<16xi32> to vector<16xf32>
        %add3A_278 = arith.constant 0 : i32
        %add3A_279 = vector.broadcast %add3A_278 : i32 to vector<16xi32>
        %add3A_280 = arith.addi %get3A_153, %add3A_279 : vector<16xi32>
        %mul3A_281 = arith.mulf %bitcast3A_275, %get3A_155 : vector<16xf32>
        tpu.vector_store_idx %arg15[%add3A_280], %mul3A_281 {add = true} : memref<40000xf32, #tpu.memory_space<vmem>>[vector<16xi32>], vector<16xf32>,
        %add3A_282 = arith.constant 20000 : i32
        %add3A_283 = vector.broadcast %add3A_282 : i32 to vector<16xi32>
        %add3A_284 = arith.addi %get3A_153, %add3A_283 : vector<16xi32>
        %mul3A_285 = arith.mulf %bitcast3A_277, %get3A_155 : vector<16xf32>
        tpu.vector_store_idx %arg15[%add3A_284], %mul3A_285 {add = true} : memref<40000xf32, #tpu.memory_space<vmem>>[vector<16xi32>], vector<16xf32>,
        %shift_left3A_286 = arith.constant 16 : i32
        %shift_left3A_287 = vector.broadcast %shift_left3A_286 : i32 to vector<16xi32>
        %shift_left3A_288 = arith.shli %gather3A_202, %shift_left3A_287 : vector<16xi32>
        %bitcast3A_289 = vector.bitcast %shift_left3A_288 : vector<16xi32> to vector<16xf32>
        %and3A_290 = arith.andi %gather3A_202, %broadcast_in_dim3A_83 : vector<16xi32>
        %bitcast3A_291 = vector.bitcast %and3A_290 : vector<16xi32> to vector<16xf32>
        %add3A_292 = arith.constant 10000 : i32
        %add3A_293 = vector.broadcast %add3A_292 : i32 to vector<16xi32>
        %add3A_294 = arith.addi %get3A_153, %add3A_293 : vector<16xi32>
        %mul3A_295 = arith.mulf %bitcast3A_289, %get3A_155 : vector<16xf32>
        tpu.vector_store_idx %arg15[%add3A_294], %mul3A_295 {add = true} : memref<40000xf32, #tpu.memory_space<vmem>>[vector<16xi32>], vector<16xf32>,
        %add3A_296 = arith.constant 30000 : i32
        %add3A_297 = vector.broadcast %add3A_296 : i32 to vector<16xi32>
        %add3A_298 = arith.addi %get3A_153, %add3A_297 : vector<16xi32>
        %mul3A_299 = arith.mulf %bitcast3A_291, %get3A_155 : vector<16xf32>
        tpu.vector_store_idx %arg15[%add3A_298], %mul3A_299 {add = true} : memref<40000xf32, #tpu.memory_space<vmem>>[vector<16xi32>], vector<16xf32>,
        %shift_left3A_300 = arith.constant 16 : i32
        %shift_left3A_301 = vector.broadcast %shift_left3A_300 : i32 to vector<16xi32>
        %shift_left3A_302 = arith.shli %gather3A_206, %shift_left3A_301 : vector<16xi32>
        %bitcast3A_303 = vector.bitcast %shift_left3A_302 : vector<16xi32> to vector<16xf32>
        %and3A_304 = arith.andi %gather3A_206, %broadcast_in_dim3A_83 : vector<16xi32>
        %bitcast3A_305 = vector.bitcast %and3A_304 : vector<16xi32> to vector<16xf32>
        %add3A_306 = arith.constant 0 : i32
        %add3A_307 = vector.broadcast %add3A_306 : i32 to vector<16xi32>
        %add3A_308 = arith.addi %get3A_165, %add3A_307 : vector<16xi32>
        %mul3A_309 = arith.mulf %bitcast3A_303, %get3A_167 : vector<16xf32>
        tpu.vector_store_idx %arg15[%add3A_308], %mul3A_309 {add = true} : memref<40000xf32, #tpu.memory_space<vmem>>[vector<16xi32>], vector<16xf32>,
        %add3A_310 = arith.constant 20000 : i32
        %add3A_311 = vector.broadcast %add3A_310 : i32 to vector<16xi32>
        %add3A_312 = arith.addi %get3A_165, %add3A_311 : vector<16xi32>
        %mul3A_313 = arith.mulf %bitcast3A_305, %get3A_167 : vector<16xf32>
        tpu.vector_store_idx %arg15[%add3A_312], %mul3A_313 {add = true} : memref<40000xf32, #tpu.memory_space<vmem>>[vector<16xi32>], vector<16xf32>,
        %shift_left3A_314 = arith.constant 16 : i32
        %shift_left3A_315 = vector.broadcast %shift_left3A_314 : i32 to vector<16xi32>
        %shift_left3A_316 = arith.shli %gather3A_210, %shift_left3A_315 : vector<16xi32>
        %bitcast3A_317 = vector.bitcast %shift_left3A_316 : vector<16xi32> to vector<16xf32>
        %and3A_318 = arith.andi %gather3A_210, %broadcast_in_dim3A_83 : vector<16xi32>
        %bitcast3A_319 = vector.bitcast %and3A_318 : vector<16xi32> to vector<16xf32>
        %add3A_320 = arith.constant 10000 : i32
        %add3A_321 = vector.broadcast %add3A_320 : i32 to vector<16xi32>
        %add3A_322 = arith.addi %get3A_165, %add3A_321 : vector<16xi32>
        %mul3A_323 = arith.mulf %bitcast3A_317, %get3A_167 : vector<16xf32>
        tpu.vector_store_idx %arg15[%add3A_322], %mul3A_323 {add = true} : memref<40000xf32, #tpu.memory_space<vmem>>[vector<16xi32>], vector<16xf32>,
        %add3A_324 = arith.constant 30000 : i32
        %add3A_325 = vector.broadcast %add3A_324 : i32 to vector<16xi32>
        %add3A_326 = arith.addi %get3A_165, %add3A_325 : vector<16xi32>
        %mul3A_327 = arith.mulf %bitcast3A_319, %get3A_167 : vector<16xf32>
        tpu.vector_store_idx %arg15[%add3A_326], %mul3A_327 {add = true} : memref<40000xf32, #tpu.memory_space<vmem>>[vector<16xi32>], vector<16xf32>,
        %shift_left3A_328 = arith.constant 16 : i32
        %shift_left3A_329 = vector.broadcast %shift_left3A_328 : i32 to vector<16xi32>
        %shift_left3A_330 = arith.shli %gather3A_214, %shift_left3A_329 : vector<16xi32>
        %bitcast3A_331 = vector.bitcast %shift_left3A_330 : vector<16xi32> to vector<16xf32>
        %and3A_332 = arith.andi %gather3A_214, %broadcast_in_dim3A_83 : vector<16xi32>
        %bitcast3A_333 = vector.bitcast %and3A_332 : vector<16xi32> to vector<16xf32>
        %add3A_334 = arith.constant 0 : i32
        %add3A_335 = vector.broadcast %add3A_334 : i32 to vector<16xi32>
        %add3A_336 = arith.addi %get3A_177, %add3A_335 : vector<16xi32>
        %mul3A_337 = arith.mulf %bitcast3A_331, %get3A_179 : vector<16xf32>
        tpu.vector_store_idx %arg15[%add3A_336], %mul3A_337 {add = true} : memref<40000xf32, #tpu.memory_space<vmem>>[vector<16xi32>], vector<16xf32>,
        %add3A_338 = arith.constant 20000 : i32
        %add3A_339 = vector.broadcast %add3A_338 : i32 to vector<16xi32>
        %add3A_340 = arith.addi %get3A_177, %add3A_339 : vector<16xi32>
        %mul3A_341 = arith.mulf %bitcast3A_333, %get3A_179 : vector<16xf32>
        tpu.vector_store_idx %arg15[%add3A_340], %mul3A_341 {add = true} : memref<40000xf32, #tpu.memory_space<vmem>>[vector<16xi32>], vector<16xf32>,
        %shift_left3A_342 = arith.constant 16 : i32
        %shift_left3A_343 = vector.broadcast %shift_left3A_342 : i32 to vector<16xi32>
        %shift_left3A_344 = arith.shli %gather3A_218, %shift_left3A_343 : vector<16xi32>
        %bitcast3A_345 = vector.bitcast %shift_left3A_344 : vector<16xi32> to vector<16xf32>
        %and3A_346 = arith.andi %gather3A_218, %broadcast_in_dim3A_83 : vector<16xi32>
        %bitcast3A_347 = vector.bitcast %and3A_346 : vector<16xi32> to vector<16xf32>
        %add3A_348 = arith.constant 10000 : i32
        %add3A_349 = vector.broadcast %add3A_348 : i32 to vector<16xi32>
        %add3A_350 = arith.addi %get3A_177, %add3A_349 : vector<16xi32>
        %mul3A_351 = arith.mulf %bitcast3A_345, %get3A_179 : vector<16xf32>
        tpu.vector_store_idx %arg15[%add3A_350], %mul3A_351 {add = true} : memref<40000xf32, #tpu.memory_space<vmem>>[vector<16xi32>], vector<16xf32>,
        %add3A_352 = arith.constant 30000 : i32
        %add3A_353 = vector.broadcast %add3A_352 : i32 to vector<16xi32>
        %add3A_354 = arith.addi %get3A_177, %add3A_353 : vector<16xi32>
        %mul3A_355 = arith.mulf %bitcast3A_347, %get3A_179 : vector<16xf32>
        tpu.vector_store_idx %arg15[%add3A_354], %mul3A_355 {add = true} : memref<40000xf32, #tpu.memory_space<vmem>>[vector<16xi32>], vector<16xf32>,
        %scan3A_356 = arith.constant 0 : i32
        scf.yield %scan3A_356 : i32
      }
      %scan3A_90 = arith.constant 100 : i32
      %add3A_91 = arith.constant 2 : i32
      %add3A_92 = arith.addi %mul3A_56, %add3A_91 : i32
      %lt3A = arith.constant 40 : i32
      %lt3A_93 = arith.cmpi slt, %add3A_92, %lt3A : i32
      %convert_element_type3A = arith.extui %lt3A_93 : i1 to i32
      %cond3A = arith.constant 0 : i32
      %cond3A_94 = arith.cmpi ne, %convert_element_type3A, %cond3A : i32
      scf.if %cond3A_94 {
        %add3A_119 = arith.constant 2 : i32
        %add3A_120 = arith.addi %mul3A_56, %add3A_119 : i32
        %mul3A_121 = arith.constant 8000 : i32
        %mul3A_122 = arith.muli %add3A_120, %mul3A_121 : i32
        %dma_start3A_123 = tpu.memref_slice %arg4[%mul3A_122] : memref<320000xi32, #tpu.memory_space<hbm>> -> memref<8000xi32, #tpu.memory_space<hbm>>
        %dma_start3A_124 = tpu.memref_slice %arg4[%mul3A_122] : memref<320000xi32, #tpu.memory_space<hbm>> -> memref<8000xi32, #tpu.memory_space<hbm>>
        tpu.enqueue_dma source(%dma_start3A_124 : memref<8000xi32, #tpu.memory_space<hbm>>) target(%arg8 : memref<8000xi32, #tpu.memory_space<vmem>>) target_semaphore(%arg16 : memref<!tpu.dma_semaphore, #tpu.memory_space<semaphore_mem>>)
        %mul3A_125 = arith.constant 8000 : i32
        %mul3A_126 = arith.muli %add3A_120, %mul3A_125 : i32
        %dma_start3A_127 = tpu.memref_slice %arg5[%mul3A_126] : memref<320000xi32, #tpu.memory_space<hbm>> -> memref<8000xi32, #tpu.memory_space<hbm>>
        %dma_start3A_128 = tpu.memref_slice %arg5[%mul3A_126] : memref<320000xi32, #tpu.memory_space<hbm>> -> memref<8000xi32, #tpu.memory_space<hbm>>
        tpu.enqueue_dma source(%dma_start3A_128 : memref<8000xi32, #tpu.memory_space<hbm>>) target(%arg9 : memref<8000xi32, #tpu.memory_space<vmem>>) target_semaphore(%arg16 : memref<!tpu.dma_semaphore, #tpu.memory_space<semaphore_mem>>)
        %mul3A_129 = arith.constant 8000 : i32
        %mul3A_130 = arith.muli %add3A_120, %mul3A_129 : i32
        %dma_start3A_131 = tpu.memref_slice %arg6[%mul3A_130] : memref<320000xf32, #tpu.memory_space<hbm>> -> memref<8000xf32, #tpu.memory_space<hbm>>
        %dma_start3A_132 = tpu.memref_slice %arg6[%mul3A_130] : memref<320000xf32, #tpu.memory_space<hbm>> -> memref<8000xf32, #tpu.memory_space<hbm>>
        tpu.enqueue_dma source(%dma_start3A_132 : memref<8000xf32, #tpu.memory_space<hbm>>) target(%arg10 : memref<8000xf32, #tpu.memory_space<vmem>>) target_semaphore(%arg16 : memref<!tpu.dma_semaphore, #tpu.memory_space<semaphore_mem>>)
      } else {
      }
      %add3A_95 = arith.constant 1 : i32
      %add3A_96 = arith.addi %mul3A_56, %add3A_95 : i32
      %mul3A_97 = arith.constant 8000 : i32
      %mul3A_98 = arith.muli %add3A_96, %mul3A_97 : i32
      %dma_wait3A_99 = tpu.memref_slice %arg4[%mul3A_98] : memref<320000xi32, #tpu.memory_space<hbm>> -> memref<8000xi32, #tpu.memory_space<hbm>>
      %dma_wait3A_100 = tpu.memref_slice %arg4[%mul3A_98] : memref<320000xi32, #tpu.memory_space<hbm>> -> memref<8000xi32, #tpu.memory_space<hbm>>
      tpu.wait_dma2 semaphore(%arg17 : memref<!tpu.dma_semaphore, #tpu.memory_space<semaphore_mem>>) src(%dma_wait3A_100 : memref<8000xi32, #tpu.memory_space<hbm>>) dst(%arg11 : memref<8000xi32, #tpu.memory_space<vmem>>)
      %mul3A_101 = arith.constant 8000 : i32
      %mul3A_102 = arith.muli %add3A_96, %mul3A_101 : i32
      %dma_wait3A_103 = tpu.memref_slice %arg5[%mul3A_102] : memref<320000xi32, #tpu.memory_space<hbm>> -> memref<8000xi32, #tpu.memory_space<hbm>>
      %dma_wait3A_104 = tpu.memref_slice %arg5[%mul3A_102] : memref<320000xi32, #tpu.memory_space<hbm>> -> memref<8000xi32, #tpu.memory_space<hbm>>
      tpu.wait_dma2 semaphore(%arg17 : memref<!tpu.dma_semaphore, #tpu.memory_space<semaphore_mem>>) src(%dma_wait3A_104 : memref<8000xi32, #tpu.memory_space<hbm>>) dst(%arg12 : memref<8000xi32, #tpu.memory_space<vmem>>)
      %mul3A_105 = arith.constant 8000 : i32
      %mul3A_106 = arith.muli %add3A_96, %mul3A_105 : i32
      %dma_wait3A_107 = tpu.memref_slice %arg6[%mul3A_106] : memref<320000xf32, #tpu.memory_space<hbm>> -> memref<8000xf32, #tpu.memory_space<hbm>>
      %dma_wait3A_108 = tpu.memref_slice %arg6[%mul3A_106] : memref<320000xf32, #tpu.memory_space<hbm>> -> memref<8000xf32, #tpu.memory_space<hbm>>
      tpu.wait_dma2 semaphore(%arg17 : memref<!tpu.dma_semaphore, #tpu.memory_space<semaphore_mem>>) src(%dma_wait3A_108 : memref<8000xf32, #tpu.memory_space<hbm>>) dst(%arg13 : memref<8000xf32, #tpu.memory_space<vmem>>)
      %broadcast_in_dim3A_109 = arith.constant -65536 : i32
      %broadcast_in_dim3A_110 = vector.broadcast %broadcast_in_dim3A_109 : i32 to vector<16xi32>
      %scan3A_111 = arith.constant 0 : i32
      %scan3A_112 = arith.constant 0 : i32
      %scan3A_113 = arith.constant 100 : i32
      %scan3A_114 = arith.addi %scan3A_112, %scan3A_113 : i32
      %scan3A_115 = arith.constant 1 : i32
      %scan3A_116 = scf.for %scan3A_119 = %scan3A_112 to %scan3A_114 step %scan3A_115 iter_args(%scan3A_120 = %scan3A_111) -> (i32)  : i32 {
        %mul3A_121 = arith.constant 5 : i32
        %mul3A_122 = arith.muli %scan3A_119, %mul3A_121 : i32
        %add3A_123 = arith.constant 0 : i32
        %add3A_124 = arith.addi %mul3A_122, %add3A_123 : i32
        %mul3A_125 = arith.constant 16 : i32
        %mul3A_126 = arith.muli %add3A_124, %mul3A_125 : i32
        %get3A = arith.index_cast %mul3A_126 : i32 to index
        %get3A_127 = tpu.vector_load %arg11[%get3A] {strides = array<i32>} : memref<8000xi32, #tpu.memory_space<vmem>>, vector<16xi32>,
        %get3A_128 = arith.index_cast %mul3A_126 : i32 to index
        %get3A_129 = tpu.vector_load %arg12[%get3A_128] {strides = array<i32>} : memref<8000xi32, #tpu.memory_space<vmem>>, vector<16xi32>,
        %get3A_130 = arith.index_cast %mul3A_126 : i32 to index
        %get3A_131 = tpu.vector_load %arg13[%get3A_130] {strides = array<i32>} : memref<8000xf32, #tpu.memory_space<vmem>>, vector<16xf32>,
        %mul3A_132 = arith.constant 5 : i32
        %mul3A_133 = arith.muli %scan3A_119, %mul3A_132 : i32
        %add3A_134 = arith.constant 1 : i32
        %add3A_135 = arith.addi %mul3A_133, %add3A_134 : i32
        %mul3A_136 = arith.constant 16 : i32
        %mul3A_137 = arith.muli %add3A_135, %mul3A_136 : i32
        %get3A_138 = arith.index_cast %mul3A_137 : i32 to index
        %get3A_139 = tpu.vector_load %arg11[%get3A_138] {strides = array<i32>} : memref<8000xi32, #tpu.memory_space<vmem>>, vector<16xi32>,
        %get3A_140 = arith.index_cast %mul3A_137 : i32 to index
        %get3A_141 = tpu.vector_load %arg12[%get3A_140] {strides = array<i32>} : memref<8000xi32, #tpu.memory_space<vmem>>, vector<16xi32>,
        %get3A_142 = arith.index_cast %mul3A_137 : i32 to index
        %get3A_143 = tpu.vector_load %arg13[%get3A_142] {strides = array<i32>} : memref<8000xf32, #tpu.memory_space<vmem>>, vector<16xf32>,
        %mul3A_144 = arith.constant 5 : i32
        %mul3A_145 = arith.muli %scan3A_119, %mul3A_144 : i32
        %add3A_146 = arith.constant 2 : i32
        %add3A_147 = arith.addi %mul3A_145, %add3A_146 : i32
        %mul3A_148 = arith.constant 16 : i32
        %mul3A_149 = arith.muli %add3A_147, %mul3A_148 : i32
        %get3A_150 = arith.index_cast %mul3A_149 : i32 to index
        %get3A_151 = tpu.vector_load %arg11[%get3A_150] {strides = array<i32>} : memref<8000xi32, #tpu.memory_space<vmem>>, vector<16xi32>,
        %get3A_152 = arith.index_cast %mul3A_149 : i32 to index
        %get3A_153 = tpu.vector_load %arg12[%get3A_152] {strides = array<i32>} : memref<8000xi32, #tpu.memory_space<vmem>>, vector<16xi32>,
        %get3A_154 = arith.index_cast %mul3A_149 : i32 to index
        %get3A_155 = tpu.vector_load %arg13[%get3A_154] {strides = array<i32>} : memref<8000xf32, #tpu.memory_space<vmem>>, vector<16xf32>,
        %mul3A_156 = arith.constant 5 : i32
        %mul3A_157 = arith.muli %scan3A_119, %mul3A_156 : i32
        %add3A_158 = arith.constant 3 : i32
        %add3A_159 = arith.addi %mul3A_157, %add3A_158 : i32
        %mul3A_160 = arith.constant 16 : i32
        %mul3A_161 = arith.muli %add3A_159, %mul3A_160 : i32
        %get3A_162 = arith.index_cast %mul3A_161 : i32 to index
        %get3A_163 = tpu.vector_load %arg11[%get3A_162] {strides = array<i32>} : memref<8000xi32, #tpu.memory_space<vmem>>, vector<16xi32>,
        %get3A_164 = arith.index_cast %mul3A_161 : i32 to index
        %get3A_165 = tpu.vector_load %arg12[%get3A_164] {strides = array<i32>} : memref<8000xi32, #tpu.memory_space<vmem>>, vector<16xi32>,
        %get3A_166 = arith.index_cast %mul3A_161 : i32 to index
        %get3A_167 = tpu.vector_load %arg13[%get3A_166] {strides = array<i32>} : memref<8000xf32, #tpu.memory_space<vmem>>, vector<16xf32>,
        %mul3A_168 = arith.constant 5 : i32
        %mul3A_169 = arith.muli %scan3A_119, %mul3A_168 : i32
        %add3A_170 = arith.constant 4 : i32
        %add3A_171 = arith.addi %mul3A_169, %add3A_170 : i32
        %mul3A_172 = arith.constant 16 : i32
        %mul3A_173 = arith.muli %add3A_171, %mul3A_172 : i32
        %get3A_174 = arith.index_cast %mul3A_173 : i32 to index
        %get3A_175 = tpu.vector_load %arg11[%get3A_174] {strides = array<i32>} : memref<8000xi32, #tpu.memory_space<vmem>>, vector<16xi32>,
        %get3A_176 = arith.index_cast %mul3A_173 : i32 to index
        %get3A_177 = tpu.vector_load %arg12[%get3A_176] {strides = array<i32>} : memref<8000xi32, #tpu.memory_space<vmem>>, vector<16xi32>,
        %get3A_178 = arith.index_cast %mul3A_173 : i32 to index
        %get3A_179 = tpu.vector_load %arg13[%get3A_178] {strides = array<i32>} : memref<8000xf32, #tpu.memory_space<vmem>>, vector<16xf32>,
        %add3A_180 = arith.constant 0 : i32
        %add3A_181 = vector.broadcast %add3A_180 : i32 to vector<16xi32>
        %add3A_182 = arith.addi %get3A_127, %add3A_181 : vector<16xi32>
        %gather3A = tpu.vector_load_idx %arg14[%add3A_182] : memref<20000xi32, #tpu.memory_space<vmem>>[vector<16xi32>], vector<16xi32>,
        %add3A_183 = arith.constant 10000 : i32
        %add3A_184 = vector.broadcast %add3A_183 : i32 to vector<16xi32>
        %add3A_185 = arith.addi %get3A_127, %add3A_184 : vector<16xi32>
        %gather3A_186 = tpu.vector_load_idx %arg14[%add3A_185] : memref<20000xi32, #tpu.memory_space<vmem>>[vector<16xi32>], vector<16xi32>,
        %add3A_187 = arith.constant 0 : i32
        %add3A_188 = vector.broadcast %add3A_187 : i32 to vector<16xi32>
        %add3A_189 = arith.addi %get3A_139, %add3A_188 : vector<16xi32>
        %gather3A_190 = tpu.vector_load_idx %arg14[%add3A_189] : memref<20000xi32, #tpu.memory_space<vmem>>[vector<16xi32>], vector<16xi32>,
        %add3A_191 = arith.constant 10000 : i32
        %add3A_192 = vector.broadcast %add3A_191 : i32 to vector<16xi32>
        %add3A_193 = arith.addi %get3A_139, %add3A_192 : vector<16xi32>
        %gather3A_194 = tpu.vector_load_idx %arg14[%add3A_193] : memref<20000xi32, #tpu.memory_space<vmem>>[vector<16xi32>], vector<16xi32>,
        %add3A_195 = arith.constant 0 : i32
        %add3A_196 = vector.broadcast %add3A_195 : i32 to vector<16xi32>
        %add3A_197 = arith.addi %get3A_151, %add3A_196 : vector<16xi32>
        %gather3A_198 = tpu.vector_load_idx %arg14[%add3A_197] : memref<20000xi32, #tpu.memory_space<vmem>>[vector<16xi32>], vector<16xi32>,
        %add3A_199 = arith.constant 10000 : i32
        %add3A_200 = vector.broadcast %add3A_199 : i32 to vector<16xi32>
        %add3A_201 = arith.addi %get3A_151, %add3A_200 : vector<16xi32>
        %gather3A_202 = tpu.vector_load_idx %arg14[%add3A_201] : memref<20000xi32, #tpu.memory_space<vmem>>[vector<16xi32>], vector<16xi32>,
        %add3A_203 = arith.constant 0 : i32
        %add3A_204 = vector.broadcast %add3A_203 : i32 to vector<16xi32>
        %add3A_205 = arith.addi %get3A_163, %add3A_204 : vector<16xi32>
        %gather3A_206 = tpu.vector_load_idx %arg14[%add3A_205] : memref<20000xi32, #tpu.memory_space<vmem>>[vector<16xi32>], vector<16xi32>,
        %add3A_207 = arith.constant 10000 : i32
        %add3A_208 = vector.broadcast %add3A_207 : i32 to vector<16xi32>
        %add3A_209 = arith.addi %get3A_163, %add3A_208 : vector<16xi32>
        %gather3A_210 = tpu.vector_load_idx %arg14[%add3A_209] : memref<20000xi32, #tpu.memory_space<vmem>>[vector<16xi32>], vector<16xi32>,
        %add3A_211 = arith.constant 0 : i32
        %add3A_212 = vector.broadcast %add3A_211 : i32 to vector<16xi32>
        %add3A_213 = arith.addi %get3A_175, %add3A_212 : vector<16xi32>
        %gather3A_214 = tpu.vector_load_idx %arg14[%add3A_213] : memref<20000xi32, #tpu.memory_space<vmem>>[vector<16xi32>], vector<16xi32>,
        %add3A_215 = arith.constant 10000 : i32
        %add3A_216 = vector.broadcast %add3A_215 : i32 to vector<16xi32>
        %add3A_217 = arith.addi %get3A_175, %add3A_216 : vector<16xi32>
        %gather3A_218 = tpu.vector_load_idx %arg14[%add3A_217] : memref<20000xi32, #tpu.memory_space<vmem>>[vector<16xi32>], vector<16xi32>,
        %shift_left3A = arith.constant 16 : i32
        %shift_left3A_219 = vector.broadcast %shift_left3A : i32 to vector<16xi32>
        %shift_left3A_220 = arith.shli %gather3A, %shift_left3A_219 : vector<16xi32>
        %bitcast3A = vector.bitcast %shift_left3A_220 : vector<16xi32> to vector<16xf32>
        %and3A = arith.andi %gather3A, %broadcast_in_dim3A_110 : vector<16xi32>
        %bitcast3A_221 = vector.bitcast %and3A : vector<16xi32> to vector<16xf32>
        %add3A_222 = arith.constant 0 : i32
        %add3A_223 = vector.broadcast %add3A_222 : i32 to vector<16xi32>
        %add3A_224 = arith.addi %get3A_129, %add3A_223 : vector<16xi32>
        %mul3A_225 = arith.mulf %bitcast3A, %get3A_131 : vector<16xf32>
        tpu.vector_store_idx %arg15[%add3A_224], %mul3A_225 {add = true} : memref<40000xf32, #tpu.memory_space<vmem>>[vector<16xi32>], vector<16xf32>,
        %add3A_226 = arith.constant 20000 : i32
        %add3A_227 = vector.broadcast %add3A_226 : i32 to vector<16xi32>
        %add3A_228 = arith.addi %get3A_129, %add3A_227 : vector<16xi32>
        %mul3A_229 = arith.mulf %bitcast3A_221, %get3A_131 : vector<16xf32>
        tpu.vector_store_idx %arg15[%add3A_228], %mul3A_229 {add = true} : memref<40000xf32, #tpu.memory_space<vmem>>[vector<16xi32>], vector<16xf32>,
        %shift_left3A_230 = arith.constant 16 : i32
        %shift_left3A_231 = vector.broadcast %shift_left3A_230 : i32 to vector<16xi32>
        %shift_left3A_232 = arith.shli %gather3A_186, %shift_left3A_231 : vector<16xi32>
        %bitcast3A_233 = vector.bitcast %shift_left3A_232 : vector<16xi32> to vector<16xf32>
        %and3A_234 = arith.andi %gather3A_186, %broadcast_in_dim3A_110 : vector<16xi32>
        %bitcast3A_235 = vector.bitcast %and3A_234 : vector<16xi32> to vector<16xf32>
        %add3A_236 = arith.constant 10000 : i32
        %add3A_237 = vector.broadcast %add3A_236 : i32 to vector<16xi32>
        %add3A_238 = arith.addi %get3A_129, %add3A_237 : vector<16xi32>
        %mul3A_239 = arith.mulf %bitcast3A_233, %get3A_131 : vector<16xf32>
        tpu.vector_store_idx %arg15[%add3A_238], %mul3A_239 {add = true} : memref<40000xf32, #tpu.memory_space<vmem>>[vector<16xi32>], vector<16xf32>,
        %add3A_240 = arith.constant 30000 : i32
        %add3A_241 = vector.broadcast %add3A_240 : i32 to vector<16xi32>
        %add3A_242 = arith.addi %get3A_129, %add3A_241 : vector<16xi32>
        %mul3A_243 = arith.mulf %bitcast3A_235, %get3A_131 : vector<16xf32>
        tpu.vector_store_idx %arg15[%add3A_242], %mul3A_243 {add = true} : memref<40000xf32, #tpu.memory_space<vmem>>[vector<16xi32>], vector<16xf32>,
        %shift_left3A_244 = arith.constant 16 : i32
        %shift_left3A_245 = vector.broadcast %shift_left3A_244 : i32 to vector<16xi32>
        %shift_left3A_246 = arith.shli %gather3A_190, %shift_left3A_245 : vector<16xi32>
        %bitcast3A_247 = vector.bitcast %shift_left3A_246 : vector<16xi32> to vector<16xf32>
        %and3A_248 = arith.andi %gather3A_190, %broadcast_in_dim3A_110 : vector<16xi32>
        %bitcast3A_249 = vector.bitcast %and3A_248 : vector<16xi32> to vector<16xf32>
        %add3A_250 = arith.constant 0 : i32
        %add3A_251 = vector.broadcast %add3A_250 : i32 to vector<16xi32>
        %add3A_252 = arith.addi %get3A_141, %add3A_251 : vector<16xi32>
        %mul3A_253 = arith.mulf %bitcast3A_247, %get3A_143 : vector<16xf32>
        tpu.vector_store_idx %arg15[%add3A_252], %mul3A_253 {add = true} : memref<40000xf32, #tpu.memory_space<vmem>>[vector<16xi32>], vector<16xf32>,
        %add3A_254 = arith.constant 20000 : i32
        %add3A_255 = vector.broadcast %add3A_254 : i32 to vector<16xi32>
        %add3A_256 = arith.addi %get3A_141, %add3A_255 : vector<16xi32>
        %mul3A_257 = arith.mulf %bitcast3A_249, %get3A_143 : vector<16xf32>
        tpu.vector_store_idx %arg15[%add3A_256], %mul3A_257 {add = true} : memref<40000xf32, #tpu.memory_space<vmem>>[vector<16xi32>], vector<16xf32>,
        %shift_left3A_258 = arith.constant 16 : i32
        %shift_left3A_259 = vector.broadcast %shift_left3A_258 : i32 to vector<16xi32>
        %shift_left3A_260 = arith.shli %gather3A_194, %shift_left3A_259 : vector<16xi32>
        %bitcast3A_261 = vector.bitcast %shift_left3A_260 : vector<16xi32> to vector<16xf32>
        %and3A_262 = arith.andi %gather3A_194, %broadcast_in_dim3A_110 : vector<16xi32>
        %bitcast3A_263 = vector.bitcast %and3A_262 : vector<16xi32> to vector<16xf32>
        %add3A_264 = arith.constant 10000 : i32
        %add3A_265 = vector.broadcast %add3A_264 : i32 to vector<16xi32>
        %add3A_266 = arith.addi %get3A_141, %add3A_265 : vector<16xi32>
        %mul3A_267 = arith.mulf %bitcast3A_261, %get3A_143 : vector<16xf32>
        tpu.vector_store_idx %arg15[%add3A_266], %mul3A_267 {add = true} : memref<40000xf32, #tpu.memory_space<vmem>>[vector<16xi32>], vector<16xf32>,
        %add3A_268 = arith.constant 30000 : i32
        %add3A_269 = vector.broadcast %add3A_268 : i32 to vector<16xi32>
        %add3A_270 = arith.addi %get3A_141, %add3A_269 : vector<16xi32>
        %mul3A_271 = arith.mulf %bitcast3A_263, %get3A_143 : vector<16xf32>
        tpu.vector_store_idx %arg15[%add3A_270], %mul3A_271 {add = true} : memref<40000xf32, #tpu.memory_space<vmem>>[vector<16xi32>], vector<16xf32>,
        %shift_left3A_272 = arith.constant 16 : i32
        %shift_left3A_273 = vector.broadcast %shift_left3A_272 : i32 to vector<16xi32>
        %shift_left3A_274 = arith.shli %gather3A_198, %shift_left3A_273 : vector<16xi32>
        %bitcast3A_275 = vector.bitcast %shift_left3A_274 : vector<16xi32> to vector<16xf32>
        %and3A_276 = arith.andi %gather3A_198, %broadcast_in_dim3A_110 : vector<16xi32>
        %bitcast3A_277 = vector.bitcast %and3A_276 : vector<16xi32> to vector<16xf32>
        %add3A_278 = arith.constant 0 : i32
        %add3A_279 = vector.broadcast %add3A_278 : i32 to vector<16xi32>
        %add3A_280 = arith.addi %get3A_153, %add3A_279 : vector<16xi32>
        %mul3A_281 = arith.mulf %bitcast3A_275, %get3A_155 : vector<16xf32>
        tpu.vector_store_idx %arg15[%add3A_280], %mul3A_281 {add = true} : memref<40000xf32, #tpu.memory_space<vmem>>[vector<16xi32>], vector<16xf32>,
        %add3A_282 = arith.constant 20000 : i32
        %add3A_283 = vector.broadcast %add3A_282 : i32 to vector<16xi32>
        %add3A_284 = arith.addi %get3A_153, %add3A_283 : vector<16xi32>
        %mul3A_285 = arith.mulf %bitcast3A_277, %get3A_155 : vector<16xf32>
        tpu.vector_store_idx %arg15[%add3A_284], %mul3A_285 {add = true} : memref<40000xf32, #tpu.memory_space<vmem>>[vector<16xi32>], vector<16xf32>,
        %shift_left3A_286 = arith.constant 16 : i32
        %shift_left3A_287 = vector.broadcast %shift_left3A_286 : i32 to vector<16xi32>
        %shift_left3A_288 = arith.shli %gather3A_202, %shift_left3A_287 : vector<16xi32>
        %bitcast3A_289 = vector.bitcast %shift_left3A_288 : vector<16xi32> to vector<16xf32>
        %and3A_290 = arith.andi %gather3A_202, %broadcast_in_dim3A_110 : vector<16xi32>
        %bitcast3A_291 = vector.bitcast %and3A_290 : vector<16xi32> to vector<16xf32>
        %add3A_292 = arith.constant 10000 : i32
        %add3A_293 = vector.broadcast %add3A_292 : i32 to vector<16xi32>
        %add3A_294 = arith.addi %get3A_153, %add3A_293 : vector<16xi32>
        %mul3A_295 = arith.mulf %bitcast3A_289, %get3A_155 : vector<16xf32>
        tpu.vector_store_idx %arg15[%add3A_294], %mul3A_295 {add = true} : memref<40000xf32, #tpu.memory_space<vmem>>[vector<16xi32>], vector<16xf32>,
        %add3A_296 = arith.constant 30000 : i32
        %add3A_297 = vector.broadcast %add3A_296 : i32 to vector<16xi32>
        %add3A_298 = arith.addi %get3A_153, %add3A_297 : vector<16xi32>
        %mul3A_299 = arith.mulf %bitcast3A_291, %get3A_155 : vector<16xf32>
        tpu.vector_store_idx %arg15[%add3A_298], %mul3A_299 {add = true} : memref<40000xf32, #tpu.memory_space<vmem>>[vector<16xi32>], vector<16xf32>,
        %shift_left3A_300 = arith.constant 16 : i32
        %shift_left3A_301 = vector.broadcast %shift_left3A_300 : i32 to vector<16xi32>
        %shift_left3A_302 = arith.shli %gather3A_206, %shift_left3A_301 : vector<16xi32>
        %bitcast3A_303 = vector.bitcast %shift_left3A_302 : vector<16xi32> to vector<16xf32>
        %and3A_304 = arith.andi %gather3A_206, %broadcast_in_dim3A_110 : vector<16xi32>
        %bitcast3A_305 = vector.bitcast %and3A_304 : vector<16xi32> to vector<16xf32>
        %add3A_306 = arith.constant 0 : i32
        %add3A_307 = vector.broadcast %add3A_306 : i32 to vector<16xi32>
        %add3A_308 = arith.addi %get3A_165, %add3A_307 : vector<16xi32>
        %mul3A_309 = arith.mulf %bitcast3A_303, %get3A_167 : vector<16xf32>
        tpu.vector_store_idx %arg15[%add3A_308], %mul3A_309 {add = true} : memref<40000xf32, #tpu.memory_space<vmem>>[vector<16xi32>], vector<16xf32>,
        %add3A_310 = arith.constant 20000 : i32
        %add3A_311 = vector.broadcast %add3A_310 : i32 to vector<16xi32>
        %add3A_312 = arith.addi %get3A_165, %add3A_311 : vector<16xi32>
        %mul3A_313 = arith.mulf %bitcast3A_305, %get3A_167 : vector<16xf32>
        tpu.vector_store_idx %arg15[%add3A_312], %mul3A_313 {add = true} : memref<40000xf32, #tpu.memory_space<vmem>>[vector<16xi32>], vector<16xf32>,
        %shift_left3A_314 = arith.constant 16 : i32
        %shift_left3A_315 = vector.broadcast %shift_left3A_314 : i32 to vector<16xi32>
        %shift_left3A_316 = arith.shli %gather3A_210, %shift_left3A_315 : vector<16xi32>
        %bitcast3A_317 = vector.bitcast %shift_left3A_316 : vector<16xi32> to vector<16xf32>
        %and3A_318 = arith.andi %gather3A_210, %broadcast_in_dim3A_110 : vector<16xi32>
        %bitcast3A_319 = vector.bitcast %and3A_318 : vector<16xi32> to vector<16xf32>
        %add3A_320 = arith.constant 10000 : i32
        %add3A_321 = vector.broadcast %add3A_320 : i32 to vector<16xi32>
        %add3A_322 = arith.addi %get3A_165, %add3A_321 : vector<16xi32>
        %mul3A_323 = arith.mulf %bitcast3A_317, %get3A_167 : vector<16xf32>
        tpu.vector_store_idx %arg15[%add3A_322], %mul3A_323 {add = true} : memref<40000xf32, #tpu.memory_space<vmem>>[vector<16xi32>], vector<16xf32>,
        %add3A_324 = arith.constant 30000 : i32
        %add3A_325 = vector.broadcast %add3A_324 : i32 to vector<16xi32>
        %add3A_326 = arith.addi %get3A_165, %add3A_325 : vector<16xi32>
        %mul3A_327 = arith.mulf %bitcast3A_319, %get3A_167 : vector<16xf32>
        tpu.vector_store_idx %arg15[%add3A_326], %mul3A_327 {add = true} : memref<40000xf32, #tpu.memory_space<vmem>>[vector<16xi32>], vector<16xf32>,
        %shift_left3A_328 = arith.constant 16 : i32
        %shift_left3A_329 = vector.broadcast %shift_left3A_328 : i32 to vector<16xi32>
        %shift_left3A_330 = arith.shli %gather3A_214, %shift_left3A_329 : vector<16xi32>
        %bitcast3A_331 = vector.bitcast %shift_left3A_330 : vector<16xi32> to vector<16xf32>
        %and3A_332 = arith.andi %gather3A_214, %broadcast_in_dim3A_110 : vector<16xi32>
        %bitcast3A_333 = vector.bitcast %and3A_332 : vector<16xi32> to vector<16xf32>
        %add3A_334 = arith.constant 0 : i32
        %add3A_335 = vector.broadcast %add3A_334 : i32 to vector<16xi32>
        %add3A_336 = arith.addi %get3A_177, %add3A_335 : vector<16xi32>
        %mul3A_337 = arith.mulf %bitcast3A_331, %get3A_179 : vector<16xf32>
        tpu.vector_store_idx %arg15[%add3A_336], %mul3A_337 {add = true} : memref<40000xf32, #tpu.memory_space<vmem>>[vector<16xi32>], vector<16xf32>,
        %add3A_338 = arith.constant 20000 : i32
        %add3A_339 = vector.broadcast %add3A_338 : i32 to vector<16xi32>
        %add3A_340 = arith.addi %get3A_177, %add3A_339 : vector<16xi32>
        %mul3A_341 = arith.mulf %bitcast3A_333, %get3A_179 : vector<16xf32>
        tpu.vector_store_idx %arg15[%add3A_340], %mul3A_341 {add = true} : memref<40000xf32, #tpu.memory_space<vmem>>[vector<16xi32>], vector<16xf32>,
        %shift_left3A_342 = arith.constant 16 : i32
        %shift_left3A_343 = vector.broadcast %shift_left3A_342 : i32 to vector<16xi32>
        %shift_left3A_344 = arith.shli %gather3A_218, %shift_left3A_343 : vector<16xi32>
        %bitcast3A_345 = vector.bitcast %shift_left3A_344 : vector<16xi32> to vector<16xf32>
        %and3A_346 = arith.andi %gather3A_218, %broadcast_in_dim3A_110 : vector<16xi32>
        %bitcast3A_347 = vector.bitcast %and3A_346 : vector<16xi32> to vector<16xf32>
        %add3A_348 = arith.constant 10000 : i32
        %add3A_349 = vector.broadcast %add3A_348 : i32 to vector<16xi32>
        %add3A_350 = arith.addi %get3A_177, %add3A_349 : vector<16xi32>
        %mul3A_351 = arith.mulf %bitcast3A_345, %get3A_179 : vector<16xf32>
        tpu.vector_store_idx %arg15[%add3A_350], %mul3A_351 {add = true} : memref<40000xf32, #tpu.memory_space<vmem>>[vector<16xi32>], vector<16xf32>,
        %add3A_352 = arith.constant 30000 : i32
        %add3A_353 = vector.broadcast %add3A_352 : i32 to vector<16xi32>
        %add3A_354 = arith.addi %get3A_177, %add3A_353 : vector<16xi32>
        %mul3A_355 = arith.mulf %bitcast3A_347, %get3A_179 : vector<16xf32>
        tpu.vector_store_idx %arg15[%add3A_354], %mul3A_355 {add = true} : memref<40000xf32, #tpu.memory_space<vmem>>[vector<16xi32>], vector<16xf32>,
        %scan3A_356 = arith.constant 0 : i32
        scf.yield %scan3A_356 : i32
      }
      %scan3A_117 = arith.constant 100 : i32
      %scan3A_118 = arith.constant 0 : i32
      scf.yield %scan3A_118 : i32
    }
    %scan3A_50 = arith.constant 20 : i32
    "tpu.region"() ({
      %run_scoped3A = tpu.sem_alloc : memref<!tpu.dma_semaphore, #tpu.memory_space<semaphore_mem>>
      %dma_start3A_53 = arith.constant 0 : i32
      %dma_start3A_54 = tpu.memref_slice %arg15[%dma_start3A_53] : memref<40000xf32, #tpu.memory_space<vmem>> -> memref<20000xf32, #tpu.memory_space<vmem>>
      %dma_start3A_55 = tpu.memref_slice %arg7[%mul3A_2] : memref<1280000xf32, #tpu.memory_space<hbm>> -> memref<20000xf32, #tpu.memory_space<hbm>>
      %dma_start3A_56 = tpu.memref_slice %arg7[%mul3A_2] : memref<1280000xf32, #tpu.memory_space<hbm>> -> memref<20000xf32, #tpu.memory_space<hbm>>
      %dma_start3A_57 = arith.constant 0 : i32
      %dma_start3A_58 = tpu.memref_slice %arg15[%dma_start3A_57] : memref<40000xf32, #tpu.memory_space<vmem>> -> memref<20000xf32, #tpu.memory_space<vmem>>
      tpu.enqueue_dma source(%dma_start3A_58 : memref<20000xf32, #tpu.memory_space<vmem>>) target(%dma_start3A_56 : memref<20000xf32, #tpu.memory_space<hbm>>) target_semaphore(%run_scoped3A : memref<!tpu.dma_semaphore, #tpu.memory_space<semaphore_mem>>)
      %dma_wait3A_59 = arith.constant 0 : i32
      %dma_wait3A_60 = tpu.memref_slice %arg15[%dma_wait3A_59] : memref<40000xf32, #tpu.memory_space<vmem>> -> memref<20000xf32, #tpu.memory_space<vmem>>
      %dma_wait3A_61 = tpu.memref_slice %arg7[%mul3A_2] : memref<1280000xf32, #tpu.memory_space<hbm>> -> memref<20000xf32, #tpu.memory_space<hbm>>
      %dma_wait3A_62 = tpu.memref_slice %arg7[%mul3A_2] : memref<1280000xf32, #tpu.memory_space<hbm>> -> memref<20000xf32, #tpu.memory_space<hbm>>
      %dma_wait3A_63 = arith.constant 0 : i32
      %dma_wait3A_64 = tpu.memref_slice %arg15[%dma_wait3A_63] : memref<40000xf32, #tpu.memory_space<vmem>> -> memref<20000xf32, #tpu.memory_space<vmem>>
      tpu.wait_dma2 semaphore(%run_scoped3A : memref<!tpu.dma_semaphore, #tpu.memory_space<semaphore_mem>>) src(%dma_wait3A_64 : memref<20000xf32, #tpu.memory_space<vmem>>) dst(%dma_wait3A_62 : memref<20000xf32, #tpu.memory_space<hbm>>)
      tpu.yield
    }) : () -> ()
    %add3A_51 = arith.constant 640000 : i32
    %add3A_52 = arith.addi %mul3A_2, %add3A_51 : i32
    "tpu.region"() ({
      %run_scoped3A = tpu.sem_alloc : memref<!tpu.dma_semaphore, #tpu.memory_space<semaphore_mem>>
      %dma_start3A_53 = arith.constant 20000 : i32
      %dma_start3A_54 = tpu.memref_slice %arg15[%dma_start3A_53] : memref<40000xf32, #tpu.memory_space<vmem>> -> memref<20000xf32, #tpu.memory_space<vmem>>
      %dma_start3A_55 = tpu.memref_slice %arg7[%add3A_52] : memref<1280000xf32, #tpu.memory_space<hbm>> -> memref<20000xf32, #tpu.memory_space<hbm>>
      %dma_start3A_56 = tpu.memref_slice %arg7[%add3A_52] : memref<1280000xf32, #tpu.memory_space<hbm>> -> memref<20000xf32, #tpu.memory_space<hbm>>
      %dma_start3A_57 = arith.constant 20000 : i32
      %dma_start3A_58 = tpu.memref_slice %arg15[%dma_start3A_57] : memref<40000xf32, #tpu.memory_space<vmem>> -> memref<20000xf32, #tpu.memory_space<vmem>>
      tpu.enqueue_dma source(%dma_start3A_58 : memref<20000xf32, #tpu.memory_space<vmem>>) target(%dma_start3A_56 : memref<20000xf32, #tpu.memory_space<hbm>>) target_semaphore(%run_scoped3A : memref<!tpu.dma_semaphore, #tpu.memory_space<semaphore_mem>>)
      %dma_wait3A_59 = arith.constant 20000 : i32
      %dma_wait3A_60 = tpu.memref_slice %arg15[%dma_wait3A_59] : memref<40000xf32, #tpu.memory_space<vmem>> -> memref<20000xf32, #tpu.memory_space<vmem>>
      %dma_wait3A_61 = tpu.memref_slice %arg7[%add3A_52] : memref<1280000xf32, #tpu.memory_space<hbm>> -> memref<20000xf32, #tpu.memory_space<hbm>>
      %dma_wait3A_62 = tpu.memref_slice %arg7[%add3A_52] : memref<1280000xf32, #tpu.memory_space<hbm>> -> memref<20000xf32, #tpu.memory_space<hbm>>
      %dma_wait3A_63 = arith.constant 20000 : i32
      %dma_wait3A_64 = tpu.memref_slice %arg15[%dma_wait3A_63] : memref<40000xf32, #tpu.memory_space<vmem>> -> memref<20000xf32, #tpu.memory_space<vmem>>
      tpu.wait_dma2 semaphore(%run_scoped3A : memref<!tpu.dma_semaphore, #tpu.memory_space<semaphore_mem>>) src(%dma_wait3A_64 : memref<20000xf32, #tpu.memory_space<vmem>>) dst(%dma_wait3A_62 : memref<20000xf32, #tpu.memory_space<hbm>>)
      tpu.yield
    }) : () -> ()
    return
  }
}

#map = affine_map<(d0, d1) -> (0)>
module attributes {stable_mosaic.version = 14 : i64} {
  func.func @_sc_edges_body(%arg0: i32, %arg1: i32, %arg2: memref<640000xi32, #tpu.memory_space<hbm>>, %arg3: memref<1280000xf32, #tpu.memory_space<hbm>>, %arg4: memref<320000xi32, #tpu.memory_space<hbm>>, %arg5: memref<320000xi32, #tpu.memory_space<hbm>>, %arg6: memref<320000xf32, #tpu.memory_space<hbm>>, %arg7: memref<1280000xf32, #tpu.memory_space<hbm>>, %arg8: memref<8000xi32, #tpu.memory_space<vmem>>, %arg9: memref<8000xi32, #tpu.memory_space<vmem>>, %arg10: memref<8000xf32, #tpu.memory_space<vmem>>, %arg11: memref<8000xi32, #tpu.memory_space<vmem>>, %arg12: memref<8000xi32, #tpu.memory_space<vmem>>, %arg13: memref<8000xf32, #tpu.memory_space<vmem>>, %arg14: memref<20000xi32, #tpu.memory_space<vmem>>, %arg15: memref<40000xf32, #tpu.memory_space<vmem>>, %arg16: memref<!tpu.dma_semaphore, #tpu.memory_space<semaphore_mem>>, %arg17: memref<!tpu.dma_semaphore, #tpu.memory_space<semaphore_mem>>) attributes {dimension_semantics = [#tpu.dimension_semantics<core_parallel>, #tpu.dimension_semantics<subcore_parallel>], iteration_bounds = array<i64: 2, 16>, scalar_prefetch = 0 : i64, scratch_operands = 10 : i64, tpu.core_type = #tpu.core_type<sc_vector_subcore>, window_params = [{transform_indices = #map}, {transform_indices = #map}, {transform_indices = #map}, {transform_indices = #map}, {transform_indices = #map}, {transform_indices = #map}]} {
    %mul3A = arith.constant 2 : i32
    %mul3A_0 = arith.muli %arg1, %mul3A : i32
    %add3A = arith.addi %mul3A_0, %arg0 : i32
    %mul3A_1 = arith.constant 20000 : i32
    %mul3A_2 = arith.muli %add3A, %mul3A_1 : i32
    %dma_start3A = tpu.memref_slice %arg2[%mul3A_2] : memref<640000xi32, #tpu.memory_space<hbm>> -> memref<20000xi32, #tpu.memory_space<hbm>>
    %dma_start3A_3 = tpu.memref_slice %arg2[%mul3A_2] : memref<640000xi32, #tpu.memory_space<hbm>> -> memref<20000xi32, #tpu.memory_space<hbm>>
    tpu.enqueue_dma source(%dma_start3A_3 : memref<20000xi32, #tpu.memory_space<hbm>>) target(%arg14 : memref<20000xi32, #tpu.memory_space<vmem>>) target_semaphore(%arg17 : memref<!tpu.dma_semaphore, #tpu.memory_space<semaphore_mem>>)
    %dma_start3A_4 = arith.constant 0 : i32
    %dma_start3A_5 = tpu.memref_slice %arg15[%dma_start3A_4] : memref<40000xf32, #tpu.memory_space<vmem>> -> memref<20000xf32, #tpu.memory_space<vmem>>
    %dma_start3A_6 = tpu.memref_slice %arg3[%mul3A_2] : memref<1280000xf32, #tpu.memory_space<hbm>> -> memref<20000xf32, #tpu.memory_space<hbm>>
    %dma_start3A_7 = arith.constant 0 : i32
    %dma_start3A_8 = tpu.memref_slice %arg15[%dma_start3A_7] : memref<40000xf32, #tpu.memory_space<vmem>> -> memref<20000xf32, #tpu.memory_space<vmem>>
    %dma_start3A_9 = tpu.memref_slice %arg3[%mul3A_2] : memref<1280000xf32, #tpu.memory_space<hbm>> -> memref<20000xf32, #tpu.memory_space<hbm>>
    tpu.enqueue_dma source(%dma_start3A_9 : memref<20000xf32, #tpu.memory_space<hbm>>) target(%dma_start3A_8 : memref<20000xf32, #tpu.memory_space<vmem>>) target_semaphore(%arg17 : memref<!tpu.dma_semaphore, #tpu.memory_space<semaphore_mem>>)
    %add3A_10 = arith.constant 640000 : i32
    %add3A_11 = arith.addi %mul3A_2, %add3A_10 : i32
    %dma_start3A_12 = arith.constant 20000 : i32
    %dma_start3A_13 = tpu.memref_slice %arg15[%dma_start3A_12] : memref<40000xf32, #tpu.memory_space<vmem>> -> memref<20000xf32, #tpu.memory_space<vmem>>
    %dma_start3A_14 = tpu.memref_slice %arg3[%add3A_11] : memref<1280000xf32, #tpu.memory_space<hbm>> -> memref<20000xf32, #tpu.memory_space<hbm>>
    %dma_start3A_15 = arith.constant 20000 : i32
    %dma_start3A_16 = tpu.memref_slice %arg15[%dma_start3A_15] : memref<40000xf32, #tpu.memory_space<vmem>> -> memref<20000xf32, #tpu.memory_space<vmem>>
    %dma_start3A_17 = tpu.memref_slice %arg3[%add3A_11] : memref<1280000xf32, #tpu.memory_space<hbm>> -> memref<20000xf32, #tpu.memory_space<hbm>>
    tpu.enqueue_dma source(%dma_start3A_17 : memref<20000xf32, #tpu.memory_space<hbm>>) target(%dma_start3A_16 : memref<20000xf32, #tpu.memory_space<vmem>>) target_semaphore(%arg17 : memref<!tpu.dma_semaphore, #tpu.memory_space<semaphore_mem>>)
    %dma_start3A_18 = arith.constant 0 : i32
    %dma_start3A_19 = tpu.memref_slice %arg4[%dma_start3A_18] : memref<320000xi32, #tpu.memory_space<hbm>> -> memref<8000xi32, #tpu.memory_space<hbm>>
    %dma_start3A_20 = arith.constant 0 : i32
    %dma_start3A_21 = tpu.memref_slice %arg4[%dma_start3A_20] : memref<320000xi32, #tpu.memory_space<hbm>> -> memref<8000xi32, #tpu.memory_space<hbm>>
    tpu.enqueue_dma source(%dma_start3A_21 : memref<8000xi32, #tpu.memory_space<hbm>>) target(%arg8 : memref<8000xi32, #tpu.memory_space<vmem>>) target_semaphore(%arg16 : memref<!tpu.dma_semaphore, #tpu.memory_space<semaphore_mem>>)
    %dma_start3A_22 = arith.constant 0 : i32
    %dma_start3A_23 = tpu.memref_slice %arg5[%dma_start3A_22] : memref<320000xi32, #tpu.memory_space<hbm>> -> memref<8000xi32, #tpu.memory_space<hbm>>
    %dma_start3A_24 = arith.constant 0 : i32
    %dma_start3A_25 = tpu.memref_slice %arg5[%dma_start3A_24] : memref<320000xi32, #tpu.memory_space<hbm>> -> memref<8000xi32, #tpu.memory_space<hbm>>
    tpu.enqueue_dma source(%dma_start3A_25 : memref<8000xi32, #tpu.memory_space<hbm>>) target(%arg9 : memref<8000xi32, #tpu.memory_space<vmem>>) target_semaphore(%arg16 : memref<!tpu.dma_semaphore, #tpu.memory_space<semaphore_mem>>)
    %dma_start3A_26 = arith.constant 0 : i32
    %dma_start3A_27 = tpu.memref_slice %arg6[%dma_start3A_26] : memref<320000xf32, #tpu.memory_space<hbm>> -> memref<8000xf32, #tpu.memory_space<hbm>>
    %dma_start3A_28 = arith.constant 0 : i32
    %dma_start3A_29 = tpu.memref_slice %arg6[%dma_start3A_28] : memref<320000xf32, #tpu.memory_space<hbm>> -> memref<8000xf32, #tpu.memory_space<hbm>>
    tpu.enqueue_dma source(%dma_start3A_29 : memref<8000xf32, #tpu.memory_space<hbm>>) target(%arg10 : memref<8000xf32, #tpu.memory_space<vmem>>) target_semaphore(%arg16 : memref<!tpu.dma_semaphore, #tpu.memory_space<semaphore_mem>>)
    %dma_wait3A = tpu.memref_slice %arg2[%mul3A_2] : memref<640000xi32, #tpu.memory_space<hbm>> -> memref<20000xi32, #tpu.memory_space<hbm>>
    %dma_wait3A_30 = tpu.memref_slice %arg2[%mul3A_2] : memref<640000xi32, #tpu.memory_space<hbm>> -> memref<20000xi32, #tpu.memory_space<hbm>>
    tpu.wait_dma2 semaphore(%arg17 : memref<!tpu.dma_semaphore, #tpu.memory_space<semaphore_mem>>) src(%dma_wait3A_30 : memref<20000xi32, #tpu.memory_space<hbm>>) dst(%arg14 : memref<20000xi32, #tpu.memory_space<vmem>>)
    %dma_wait3A_31 = arith.constant 0 : i32
    %dma_wait3A_32 = tpu.memref_slice %arg15[%dma_wait3A_31] : memref<40000xf32, #tpu.memory_space<vmem>> -> memref<20000xf32, #tpu.memory_space<vmem>>
    %dma_wait3A_33 = tpu.memref_slice %arg3[%mul3A_2] : memref<1280000xf32, #tpu.memory_space<hbm>> -> memref<20000xf32, #tpu.memory_space<hbm>>
    %dma_wait3A_34 = arith.constant 0 : i32
    %dma_wait3A_35 = tpu.memref_slice %arg15[%dma_wait3A_34] : memref<40000xf32, #tpu.memory_space<vmem>> -> memref<20000xf32, #tpu.memory_space<vmem>>
    %dma_wait3A_36 = tpu.memref_slice %arg3[%mul3A_2] : memref<1280000xf32, #tpu.memory_space<hbm>> -> memref<20000xf32, #tpu.memory_space<hbm>>
    tpu.wait_dma2 semaphore(%arg17 : memref<!tpu.dma_semaphore, #tpu.memory_space<semaphore_mem>>) src(%dma_wait3A_36 : memref<20000xf32, #tpu.memory_space<hbm>>) dst(%dma_wait3A_35 : memref<20000xf32, #tpu.memory_space<vmem>>)
    %add3A_37 = arith.constant 640000 : i32
    %add3A_38 = arith.addi %mul3A_2, %add3A_37 : i32
    %dma_wait3A_39 = arith.constant 20000 : i32
    %dma_wait3A_40 = tpu.memref_slice %arg15[%dma_wait3A_39] : memref<40000xf32, #tpu.memory_space<vmem>> -> memref<20000xf32, #tpu.memory_space<vmem>>
    %dma_wait3A_41 = tpu.memref_slice %arg3[%add3A_38] : memref<1280000xf32, #tpu.memory_space<hbm>> -> memref<20000xf32, #tpu.memory_space<hbm>>
    %dma_wait3A_42 = arith.constant 20000 : i32
    %dma_wait3A_43 = tpu.memref_slice %arg15[%dma_wait3A_42] : memref<40000xf32, #tpu.memory_space<vmem>> -> memref<20000xf32, #tpu.memory_space<vmem>>
    %dma_wait3A_44 = tpu.memref_slice %arg3[%add3A_38] : memref<1280000xf32, #tpu.memory_space<hbm>> -> memref<20000xf32, #tpu.memory_space<hbm>>
    tpu.wait_dma2 semaphore(%arg17 : memref<!tpu.dma_semaphore, #tpu.memory_space<semaphore_mem>>) src(%dma_wait3A_44 : memref<20000xf32, #tpu.memory_space<hbm>>) dst(%dma_wait3A_43 : memref<20000xf32, #tpu.memory_space<vmem>>)
    %scan3A = arith.constant 0 : i32
    %scan3A_45 = arith.constant 0 : i32
    %scan3A_46 = arith.constant 20 : i32
    %scan3A_47 = arith.addi %scan3A_45, %scan3A_46 : i32
    %scan3A_48 = arith.constant 1 : i32
    %scan3A_49 = scf.for %scan3A_53 = %scan3A_45 to %scan3A_47 step %scan3A_48 iter_args(%scan3A_54 = %scan3A) -> (i32)  : i32 {
      %mul3A_55 = arith.constant 2 : i32
      %mul3A_56 = arith.muli %scan3A_53, %mul3A_55 : i32
      %add3A_57 = arith.constant 1 : i32
      %add3A_58 = arith.addi %mul3A_56, %add3A_57 : i32
      %mul3A_59 = arith.constant 8000 : i32
      %mul3A_60 = arith.muli %add3A_58, %mul3A_59 : i32
      %dma_start3A_61 = tpu.memref_slice %arg4[%mul3A_60] : memref<320000xi32, #tpu.memory_space<hbm>> -> memref<8000xi32, #tpu.memory_space<hbm>>
      %dma_start3A_62 = tpu.memref_slice %arg4[%mul3A_60] : memref<320000xi32, #tpu.memory_space<hbm>> -> memref<8000xi32, #tpu.memory_space<hbm>>
      tpu.enqueue_dma source(%dma_start3A_62 : memref<8000xi32, #tpu.memory_space<hbm>>) target(%arg11 : memref<8000xi32, #tpu.memory_space<vmem>>) target_semaphore(%arg17 : memref<!tpu.dma_semaphore, #tpu.memory_space<semaphore_mem>>)
      %mul3A_63 = arith.constant 8000 : i32
      %mul3A_64 = arith.muli %add3A_58, %mul3A_63 : i32
      %dma_start3A_65 = tpu.memref_slice %arg5[%mul3A_64] : memref<320000xi32, #tpu.memory_space<hbm>> -> memref<8000xi32, #tpu.memory_space<hbm>>
      %dma_start3A_66 = tpu.memref_slice %arg5[%mul3A_64] : memref<320000xi32, #tpu.memory_space<hbm>> -> memref<8000xi32, #tpu.memory_space<hbm>>
      tpu.enqueue_dma source(%dma_start3A_66 : memref<8000xi32, #tpu.memory_space<hbm>>) target(%arg12 : memref<8000xi32, #tpu.memory_space<vmem>>) target_semaphore(%arg17 : memref<!tpu.dma_semaphore, #tpu.memory_space<semaphore_mem>>)
      %mul3A_67 = arith.constant 8000 : i32
      %mul3A_68 = arith.muli %add3A_58, %mul3A_67 : i32
      %dma_start3A_69 = tpu.memref_slice %arg6[%mul3A_68] : memref<320000xf32, #tpu.memory_space<hbm>> -> memref<8000xf32, #tpu.memory_space<hbm>>
      %dma_start3A_70 = tpu.memref_slice %arg6[%mul3A_68] : memref<320000xf32, #tpu.memory_space<hbm>> -> memref<8000xf32, #tpu.memory_space<hbm>>
      tpu.enqueue_dma source(%dma_start3A_70 : memref<8000xf32, #tpu.memory_space<hbm>>) target(%arg13 : memref<8000xf32, #tpu.memory_space<vmem>>) target_semaphore(%arg17 : memref<!tpu.dma_semaphore, #tpu.memory_space<semaphore_mem>>)
      %mul3A_71 = arith.constant 8000 : i32
      %mul3A_72 = arith.muli %mul3A_56, %mul3A_71 : i32
      %dma_wait3A_73 = tpu.memref_slice %arg4[%mul3A_72] : memref<320000xi32, #tpu.memory_space<hbm>> -> memref<8000xi32, #tpu.memory_space<hbm>>
      %dma_wait3A_74 = tpu.memref_slice %arg4[%mul3A_72] : memref<320000xi32, #tpu.memory_space<hbm>> -> memref<8000xi32, #tpu.memory_space<hbm>>
      tpu.wait_dma2 semaphore(%arg16 : memref<!tpu.dma_semaphore, #tpu.memory_space<semaphore_mem>>) src(%dma_wait3A_74 : memref<8000xi32, #tpu.memory_space<hbm>>) dst(%arg8 : memref<8000xi32, #tpu.memory_space<vmem>>)
      %mul3A_75 = arith.constant 8000 : i32
      %mul3A_76 = arith.muli %mul3A_56, %mul3A_75 : i32
      %dma_wait3A_77 = tpu.memref_slice %arg5[%mul3A_76] : memref<320000xi32, #tpu.memory_space<hbm>> -> memref<8000xi32, #tpu.memory_space<hbm>>
      %dma_wait3A_78 = tpu.memref_slice %arg5[%mul3A_76] : memref<320000xi32, #tpu.memory_space<hbm>> -> memref<8000xi32, #tpu.memory_space<hbm>>
      tpu.wait_dma2 semaphore(%arg16 : memref<!tpu.dma_semaphore, #tpu.memory_space<semaphore_mem>>) src(%dma_wait3A_78 : memref<8000xi32, #tpu.memory_space<hbm>>) dst(%arg9 : memref<8000xi32, #tpu.memory_space<vmem>>)
      %mul3A_79 = arith.constant 8000 : i32
      %mul3A_80 = arith.muli %mul3A_56, %mul3A_79 : i32
      %dma_wait3A_81 = tpu.memref_slice %arg6[%mul3A_80] : memref<320000xf32, #tpu.memory_space<hbm>> -> memref<8000xf32, #tpu.memory_space<hbm>>
      %dma_wait3A_82 = tpu.memref_slice %arg6[%mul3A_80] : memref<320000xf32, #tpu.memory_space<hbm>> -> memref<8000xf32, #tpu.memory_space<hbm>>
      tpu.wait_dma2 semaphore(%arg16 : memref<!tpu.dma_semaphore, #tpu.memory_space<semaphore_mem>>) src(%dma_wait3A_82 : memref<8000xf32, #tpu.memory_space<hbm>>) dst(%arg10 : memref<8000xf32, #tpu.memory_space<vmem>>)
      %broadcast_in_dim3A = arith.constant -65536 : i32
      %broadcast_in_dim3A_83 = vector.broadcast %broadcast_in_dim3A : i32 to vector<16xi32>
      %scan3A_84 = arith.constant 0 : i32
      %scan3A_85 = arith.constant 0 : i32
      %scan3A_86 = arith.constant 100 : i32
      %scan3A_87 = arith.addi %scan3A_85, %scan3A_86 : i32
      %scan3A_88 = arith.constant 1 : i32
      %scan3A_89 = scf.for %scan3A_119 = %scan3A_85 to %scan3A_87 step %scan3A_88 iter_args(%scan3A_120 = %scan3A_84) -> (i32)  : i32 {
        %mul3A_121 = arith.constant 5 : i32
        %mul3A_122 = arith.muli %scan3A_119, %mul3A_121 : i32
        %add3A_123 = arith.constant 0 : i32
        %add3A_124 = arith.addi %mul3A_122, %add3A_123 : i32
        %mul3A_125 = arith.constant 16 : i32
        %mul3A_126 = arith.muli %add3A_124, %mul3A_125 : i32
        %get3A = arith.index_cast %mul3A_126 : i32 to index
        %get3A_127 = tpu.vector_load %arg8[%get3A] {strides = array<i32>} : memref<8000xi32, #tpu.memory_space<vmem>>, vector<16xi32>,
        %get3A_128 = arith.index_cast %mul3A_126 : i32 to index
        %get3A_129 = tpu.vector_load %arg9[%get3A_128] {strides = array<i32>} : memref<8000xi32, #tpu.memory_space<vmem>>, vector<16xi32>,
        %get3A_130 = arith.index_cast %mul3A_126 : i32 to index
        %get3A_131 = tpu.vector_load %arg10[%get3A_130] {strides = array<i32>} : memref<8000xf32, #tpu.memory_space<vmem>>, vector<16xf32>,
        %mul3A_132 = arith.constant 5 : i32
        %mul3A_133 = arith.muli %scan3A_119, %mul3A_132 : i32
        %add3A_134 = arith.constant 1 : i32
        %add3A_135 = arith.addi %mul3A_133, %add3A_134 : i32
        %mul3A_136 = arith.constant 16 : i32
        %mul3A_137 = arith.muli %add3A_135, %mul3A_136 : i32
        %get3A_138 = arith.index_cast %mul3A_137 : i32 to index
        %get3A_139 = tpu.vector_load %arg8[%get3A_138] {strides = array<i32>} : memref<8000xi32, #tpu.memory_space<vmem>>, vector<16xi32>,
        %get3A_140 = arith.index_cast %mul3A_137 : i32 to index
        %get3A_141 = tpu.vector_load %arg9[%get3A_140] {strides = array<i32>} : memref<8000xi32, #tpu.memory_space<vmem>>, vector<16xi32>,
        %get3A_142 = arith.index_cast %mul3A_137 : i32 to index
        %get3A_143 = tpu.vector_load %arg10[%get3A_142] {strides = array<i32>} : memref<8000xf32, #tpu.memory_space<vmem>>, vector<16xf32>,
        %mul3A_144 = arith.constant 5 : i32
        %mul3A_145 = arith.muli %scan3A_119, %mul3A_144 : i32
        %add3A_146 = arith.constant 2 : i32
        %add3A_147 = arith.addi %mul3A_145, %add3A_146 : i32
        %mul3A_148 = arith.constant 16 : i32
        %mul3A_149 = arith.muli %add3A_147, %mul3A_148 : i32
        %get3A_150 = arith.index_cast %mul3A_149 : i32 to index
        %get3A_151 = tpu.vector_load %arg8[%get3A_150] {strides = array<i32>} : memref<8000xi32, #tpu.memory_space<vmem>>, vector<16xi32>,
        %get3A_152 = arith.index_cast %mul3A_149 : i32 to index
        %get3A_153 = tpu.vector_load %arg9[%get3A_152] {strides = array<i32>} : memref<8000xi32, #tpu.memory_space<vmem>>, vector<16xi32>,
        %get3A_154 = arith.index_cast %mul3A_149 : i32 to index
        %get3A_155 = tpu.vector_load %arg10[%get3A_154] {strides = array<i32>} : memref<8000xf32, #tpu.memory_space<vmem>>, vector<16xf32>,
        %mul3A_156 = arith.constant 5 : i32
        %mul3A_157 = arith.muli %scan3A_119, %mul3A_156 : i32
        %add3A_158 = arith.constant 3 : i32
        %add3A_159 = arith.addi %mul3A_157, %add3A_158 : i32
        %mul3A_160 = arith.constant 16 : i32
        %mul3A_161 = arith.muli %add3A_159, %mul3A_160 : i32
        %get3A_162 = arith.index_cast %mul3A_161 : i32 to index
        %get3A_163 = tpu.vector_load %arg8[%get3A_162] {strides = array<i32>} : memref<8000xi32, #tpu.memory_space<vmem>>, vector<16xi32>,
        %get3A_164 = arith.index_cast %mul3A_161 : i32 to index
        %get3A_165 = tpu.vector_load %arg9[%get3A_164] {strides = array<i32>} : memref<8000xi32, #tpu.memory_space<vmem>>, vector<16xi32>,
        %get3A_166 = arith.index_cast %mul3A_161 : i32 to index
        %get3A_167 = tpu.vector_load %arg10[%get3A_166] {strides = array<i32>} : memref<8000xf32, #tpu.memory_space<vmem>>, vector<16xf32>,
        %mul3A_168 = arith.constant 5 : i32
        %mul3A_169 = arith.muli %scan3A_119, %mul3A_168 : i32
        %add3A_170 = arith.constant 4 : i32
        %add3A_171 = arith.addi %mul3A_169, %add3A_170 : i32
        %mul3A_172 = arith.constant 16 : i32
        %mul3A_173 = arith.muli %add3A_171, %mul3A_172 : i32
        %get3A_174 = arith.index_cast %mul3A_173 : i32 to index
        %get3A_175 = tpu.vector_load %arg8[%get3A_174] {strides = array<i32>} : memref<8000xi32, #tpu.memory_space<vmem>>, vector<16xi32>,
        %get3A_176 = arith.index_cast %mul3A_173 : i32 to index
        %get3A_177 = tpu.vector_load %arg9[%get3A_176] {strides = array<i32>} : memref<8000xi32, #tpu.memory_space<vmem>>, vector<16xi32>,
        %get3A_178 = arith.index_cast %mul3A_173 : i32 to index
        %get3A_179 = tpu.vector_load %arg10[%get3A_178] {strides = array<i32>} : memref<8000xf32, #tpu.memory_space<vmem>>, vector<16xf32>,
        %add3A_180 = arith.constant 0 : i32
        %add3A_181 = vector.broadcast %add3A_180 : i32 to vector<16xi32>
        %add3A_182 = arith.addi %get3A_127, %add3A_181 : vector<16xi32>
        %gather3A = tpu.vector_load_idx %arg14[%add3A_182] : memref<20000xi32, #tpu.memory_space<vmem>>[vector<16xi32>], vector<16xi32>,
        %add3A_183 = arith.constant 10000 : i32
        %add3A_184 = vector.broadcast %add3A_183 : i32 to vector<16xi32>
        %add3A_185 = arith.addi %get3A_127, %add3A_184 : vector<16xi32>
        %gather3A_186 = tpu.vector_load_idx %arg14[%add3A_185] : memref<20000xi32, #tpu.memory_space<vmem>>[vector<16xi32>], vector<16xi32>,
        %add3A_187 = arith.constant 0 : i32
        %add3A_188 = vector.broadcast %add3A_187 : i32 to vector<16xi32>
        %add3A_189 = arith.addi %get3A_139, %add3A_188 : vector<16xi32>
        %gather3A_190 = tpu.vector_load_idx %arg14[%add3A_189] : memref<20000xi32, #tpu.memory_space<vmem>>[vector<16xi32>], vector<16xi32>,
        %add3A_191 = arith.constant 10000 : i32
        %add3A_192 = vector.broadcast %add3A_191 : i32 to vector<16xi32>
        %add3A_193 = arith.addi %get3A_139, %add3A_192 : vector<16xi32>
        %gather3A_194 = tpu.vector_load_idx %arg14[%add3A_193] : memref<20000xi32, #tpu.memory_space<vmem>>[vector<16xi32>], vector<16xi32>,
        %add3A_195 = arith.constant 0 : i32
        %add3A_196 = vector.broadcast %add3A_195 : i32 to vector<16xi32>
        %add3A_197 = arith.addi %get3A_151, %add3A_196 : vector<16xi32>
        %gather3A_198 = tpu.vector_load_idx %arg14[%add3A_197] : memref<20000xi32, #tpu.memory_space<vmem>>[vector<16xi32>], vector<16xi32>,
        %add3A_199 = arith.constant 10000 : i32
        %add3A_200 = vector.broadcast %add3A_199 : i32 to vector<16xi32>
        %add3A_201 = arith.addi %get3A_151, %add3A_200 : vector<16xi32>
        %gather3A_202 = tpu.vector_load_idx %arg14[%add3A_201] : memref<20000xi32, #tpu.memory_space<vmem>>[vector<16xi32>], vector<16xi32>,
        %add3A_203 = arith.constant 0 : i32
        %add3A_204 = vector.broadcast %add3A_203 : i32 to vector<16xi32>
        %add3A_205 = arith.addi %get3A_163, %add3A_204 : vector<16xi32>
        %gather3A_206 = tpu.vector_load_idx %arg14[%add3A_205] : memref<20000xi32, #tpu.memory_space<vmem>>[vector<16xi32>], vector<16xi32>,
        %add3A_207 = arith.constant 10000 : i32
        %add3A_208 = vector.broadcast %add3A_207 : i32 to vector<16xi32>
        %add3A_209 = arith.addi %get3A_163, %add3A_208 : vector<16xi32>
        %gather3A_210 = tpu.vector_load_idx %arg14[%add3A_209] : memref<20000xi32, #tpu.memory_space<vmem>>[vector<16xi32>], vector<16xi32>,
        %add3A_211 = arith.constant 0 : i32
        %add3A_212 = vector.broadcast %add3A_211 : i32 to vector<16xi32>
        %add3A_213 = arith.addi %get3A_175, %add3A_212 : vector<16xi32>
        %gather3A_214 = tpu.vector_load_idx %arg14[%add3A_213] : memref<20000xi32, #tpu.memory_space<vmem>>[vector<16xi32>], vector<16xi32>,
        %add3A_215 = arith.constant 10000 : i32
        %add3A_216 = vector.broadcast %add3A_215 : i32 to vector<16xi32>
        %add3A_217 = arith.addi %get3A_175, %add3A_216 : vector<16xi32>
        %gather3A_218 = tpu.vector_load_idx %arg14[%add3A_217] : memref<20000xi32, #tpu.memory_space<vmem>>[vector<16xi32>], vector<16xi32>,
        %shift_left3A = arith.constant 16 : i32
        %shift_left3A_219 = vector.broadcast %shift_left3A : i32 to vector<16xi32>
        %shift_left3A_220 = arith.shli %gather3A, %shift_left3A_219 : vector<16xi32>
        %bitcast3A = vector.bitcast %shift_left3A_220 : vector<16xi32> to vector<16xf32>
        %and3A = arith.andi %gather3A, %broadcast_in_dim3A_83 : vector<16xi32>
        %bitcast3A_221 = vector.bitcast %and3A : vector<16xi32> to vector<16xf32>
        %add3A_222 = arith.constant 0 : i32
        %add3A_223 = vector.broadcast %add3A_222 : i32 to vector<16xi32>
        %add3A_224 = arith.addi %get3A_129, %add3A_223 : vector<16xi32>
        %mul3A_225 = arith.mulf %bitcast3A, %get3A_131 : vector<16xf32>
        tpu.vector_store_idx %arg15[%add3A_224], %mul3A_225 {add = true} : memref<40000xf32, #tpu.memory_space<vmem>>[vector<16xi32>], vector<16xf32>,
        %add3A_226 = arith.constant 20000 : i32
        %add3A_227 = vector.broadcast %add3A_226 : i32 to vector<16xi32>
        %add3A_228 = arith.addi %get3A_129, %add3A_227 : vector<16xi32>
        %mul3A_229 = arith.mulf %bitcast3A_221, %get3A_131 : vector<16xf32>
        tpu.vector_store_idx %arg15[%add3A_228], %mul3A_229 {add = true} : memref<40000xf32, #tpu.memory_space<vmem>>[vector<16xi32>], vector<16xf32>,
        %shift_left3A_230 = arith.constant 16 : i32
        %shift_left3A_231 = vector.broadcast %shift_left3A_230 : i32 to vector<16xi32>
        %shift_left3A_232 = arith.shli %gather3A_186, %shift_left3A_231 : vector<16xi32>
        %bitcast3A_233 = vector.bitcast %shift_left3A_232 : vector<16xi32> to vector<16xf32>
        %and3A_234 = arith.andi %gather3A_186, %broadcast_in_dim3A_83 : vector<16xi32>
        %bitcast3A_235 = vector.bitcast %and3A_234 : vector<16xi32> to vector<16xf32>
        %add3A_236 = arith.constant 10000 : i32
        %add3A_237 = vector.broadcast %add3A_236 : i32 to vector<16xi32>
        %add3A_238 = arith.addi %get3A_129, %add3A_237 : vector<16xi32>
        %mul3A_239 = arith.mulf %bitcast3A_233, %get3A_131 : vector<16xf32>
        tpu.vector_store_idx %arg15[%add3A_238], %mul3A_239 {add = true} : memref<40000xf32, #tpu.memory_space<vmem>>[vector<16xi32>], vector<16xf32>,
        %add3A_240 = arith.constant 30000 : i32
        %add3A_241 = vector.broadcast %add3A_240 : i32 to vector<16xi32>
        %add3A_242 = arith.addi %get3A_129, %add3A_241 : vector<16xi32>
        %mul3A_243 = arith.mulf %bitcast3A_235, %get3A_131 : vector<16xf32>
        tpu.vector_store_idx %arg15[%add3A_242], %mul3A_243 {add = true} : memref<40000xf32, #tpu.memory_space<vmem>>[vector<16xi32>], vector<16xf32>,
        %shift_left3A_244 = arith.constant 16 : i32
        %shift_left3A_245 = vector.broadcast %shift_left3A_244 : i32 to vector<16xi32>
        %shift_left3A_246 = arith.shli %gather3A_190, %shift_left3A_245 : vector<16xi32>
        %bitcast3A_247 = vector.bitcast %shift_left3A_246 : vector<16xi32> to vector<16xf32>
        %and3A_248 = arith.andi %gather3A_190, %broadcast_in_dim3A_83 : vector<16xi32>
        %bitcast3A_249 = vector.bitcast %and3A_248 : vector<16xi32> to vector<16xf32>
        %add3A_250 = arith.constant 0 : i32
        %add3A_251 = vector.broadcast %add3A_250 : i32 to vector<16xi32>
        %add3A_252 = arith.addi %get3A_141, %add3A_251 : vector<16xi32>
        %mul3A_253 = arith.mulf %bitcast3A_247, %get3A_143 : vector<16xf32>
        tpu.vector_store_idx %arg15[%add3A_252], %mul3A_253 {add = true} : memref<40000xf32, #tpu.memory_space<vmem>>[vector<16xi32>], vector<16xf32>,
        %add3A_254 = arith.constant 20000 : i32
        %add3A_255 = vector.broadcast %add3A_254 : i32 to vector<16xi32>
        %add3A_256 = arith.addi %get3A_141, %add3A_255 : vector<16xi32>
        %mul3A_257 = arith.mulf %bitcast3A_249, %get3A_143 : vector<16xf32>
        tpu.vector_store_idx %arg15[%add3A_256], %mul3A_257 {add = true} : memref<40000xf32, #tpu.memory_space<vmem>>[vector<16xi32>], vector<16xf32>,
        %shift_left3A_258 = arith.constant 16 : i32
        %shift_left3A_259 = vector.broadcast %shift_left3A_258 : i32 to vector<16xi32>
        %shift_left3A_260 = arith.shli %gather3A_194, %shift_left3A_259 : vector<16xi32>
        %bitcast3A_261 = vector.bitcast %shift_left3A_260 : vector<16xi32> to vector<16xf32>
        %and3A_262 = arith.andi %gather3A_194, %broadcast_in_dim3A_83 : vector<16xi32>
        %bitcast3A_263 = vector.bitcast %and3A_262 : vector<16xi32> to vector<16xf32>
        %add3A_264 = arith.constant 10000 : i32
        %add3A_265 = vector.broadcast %add3A_264 : i32 to vector<16xi32>
        %add3A_266 = arith.addi %get3A_141, %add3A_265 : vector<16xi32>
        %mul3A_267 = arith.mulf %bitcast3A_261, %get3A_143 : vector<16xf32>
        tpu.vector_store_idx %arg15[%add3A_266], %mul3A_267 {add = true} : memref<40000xf32, #tpu.memory_space<vmem>>[vector<16xi32>], vector<16xf32>,
        %add3A_268 = arith.constant 30000 : i32
        %add3A_269 = vector.broadcast %add3A_268 : i32 to vector<16xi32>
        %add3A_270 = arith.addi %get3A_141, %add3A_269 : vector<16xi32>
        %mul3A_271 = arith.mulf %bitcast3A_263, %get3A_143 : vector<16xf32>
        tpu.vector_store_idx %arg15[%add3A_270], %mul3A_271 {add = true} : memref<40000xf32, #tpu.memory_space<vmem>>[vector<16xi32>], vector<16xf32>,
        %shift_left3A_272 = arith.constant 16 : i32
        %shift_left3A_273 = vector.broadcast %shift_left3A_272 : i32 to vector<16xi32>
        %shift_left3A_274 = arith.shli %gather3A_198, %shift_left3A_273 : vector<16xi32>
        %bitcast3A_275 = vector.bitcast %shift_left3A_274 : vector<16xi32> to vector<16xf32>
        %and3A_276 = arith.andi %gather3A_198, %broadcast_in_dim3A_83 : vector<16xi32>
        %bitcast3A_277 = vector.bitcast %and3A_276 : vector<16xi32> to vector<16xf32>
        %add3A_278 = arith.constant 0 : i32
        %add3A_279 = vector.broadcast %add3A_278 : i32 to vector<16xi32>
        %add3A_280 = arith.addi %get3A_153, %add3A_279 : vector<16xi32>
        %mul3A_281 = arith.mulf %bitcast3A_275, %get3A_155 : vector<16xf32>
        tpu.vector_store_idx %arg15[%add3A_280], %mul3A_281 {add = true} : memref<40000xf32, #tpu.memory_space<vmem>>[vector<16xi32>], vector<16xf32>,
        %add3A_282 = arith.constant 20000 : i32
        %add3A_283 = vector.broadcast %add3A_282 : i32 to vector<16xi32>
        %add3A_284 = arith.addi %get3A_153, %add3A_283 : vector<16xi32>
        %mul3A_285 = arith.mulf %bitcast3A_277, %get3A_155 : vector<16xf32>
        tpu.vector_store_idx %arg15[%add3A_284], %mul3A_285 {add = true} : memref<40000xf32, #tpu.memory_space<vmem>>[vector<16xi32>], vector<16xf32>,
        %shift_left3A_286 = arith.constant 16 : i32
        %shift_left3A_287 = vector.broadcast %shift_left3A_286 : i32 to vector<16xi32>
        %shift_left3A_288 = arith.shli %gather3A_202, %shift_left3A_287 : vector<16xi32>
        %bitcast3A_289 = vector.bitcast %shift_left3A_288 : vector<16xi32> to vector<16xf32>
        %and3A_290 = arith.andi %gather3A_202, %broadcast_in_dim3A_83 : vector<16xi32>
        %bitcast3A_291 = vector.bitcast %and3A_290 : vector<16xi32> to vector<16xf32>
        %add3A_292 = arith.constant 10000 : i32
        %add3A_293 = vector.broadcast %add3A_292 : i32 to vector<16xi32>
        %add3A_294 = arith.addi %get3A_153, %add3A_293 : vector<16xi32>
        %mul3A_295 = arith.mulf %bitcast3A_289, %get3A_155 : vector<16xf32>
        tpu.vector_store_idx %arg15[%add3A_294], %mul3A_295 {add = true} : memref<40000xf32, #tpu.memory_space<vmem>>[vector<16xi32>], vector<16xf32>,
        %add3A_296 = arith.constant 30000 : i32
        %add3A_297 = vector.broadcast %add3A_296 : i32 to vector<16xi32>
        %add3A_298 = arith.addi %get3A_153, %add3A_297 : vector<16xi32>
        %mul3A_299 = arith.mulf %bitcast3A_291, %get3A_155 : vector<16xf32>
        tpu.vector_store_idx %arg15[%add3A_298], %mul3A_299 {add = true} : memref<40000xf32, #tpu.memory_space<vmem>>[vector<16xi32>], vector<16xf32>,
        %shift_left3A_300 = arith.constant 16 : i32
        %shift_left3A_301 = vector.broadcast %shift_left3A_300 : i32 to vector<16xi32>
        %shift_left3A_302 = arith.shli %gather3A_206, %shift_left3A_301 : vector<16xi32>
        %bitcast3A_303 = vector.bitcast %shift_left3A_302 : vector<16xi32> to vector<16xf32>
        %and3A_304 = arith.andi %gather3A_206, %broadcast_in_dim3A_83 : vector<16xi32>
        %bitcast3A_305 = vector.bitcast %and3A_304 : vector<16xi32> to vector<16xf32>
        %add3A_306 = arith.constant 0 : i32
        %add3A_307 = vector.broadcast %add3A_306 : i32 to vector<16xi32>
        %add3A_308 = arith.addi %get3A_165, %add3A_307 : vector<16xi32>
        %mul3A_309 = arith.mulf %bitcast3A_303, %get3A_167 : vector<16xf32>
        tpu.vector_store_idx %arg15[%add3A_308], %mul3A_309 {add = true} : memref<40000xf32, #tpu.memory_space<vmem>>[vector<16xi32>], vector<16xf32>,
        %add3A_310 = arith.constant 20000 : i32
        %add3A_311 = vector.broadcast %add3A_310 : i32 to vector<16xi32>
        %add3A_312 = arith.addi %get3A_165, %add3A_311 : vector<16xi32>
        %mul3A_313 = arith.mulf %bitcast3A_305, %get3A_167 : vector<16xf32>
        tpu.vector_store_idx %arg15[%add3A_312], %mul3A_313 {add = true} : memref<40000xf32, #tpu.memory_space<vmem>>[vector<16xi32>], vector<16xf32>,
        %shift_left3A_314 = arith.constant 16 : i32
        %shift_left3A_315 = vector.broadcast %shift_left3A_314 : i32 to vector<16xi32>
        %shift_left3A_316 = arith.shli %gather3A_210, %shift_left3A_315 : vector<16xi32>
        %bitcast3A_317 = vector.bitcast %shift_left3A_316 : vector<16xi32> to vector<16xf32>
        %and3A_318 = arith.andi %gather3A_210, %broadcast_in_dim3A_83 : vector<16xi32>
        %bitcast3A_319 = vector.bitcast %and3A_318 : vector<16xi32> to vector<16xf32>
        %add3A_320 = arith.constant 10000 : i32
        %add3A_321 = vector.broadcast %add3A_320 : i32 to vector<16xi32>
        %add3A_322 = arith.addi %get3A_165, %add3A_321 : vector<16xi32>
        %mul3A_323 = arith.mulf %bitcast3A_317, %get3A_167 : vector<16xf32>
        tpu.vector_store_idx %arg15[%add3A_322], %mul3A_323 {add = true} : memref<40000xf32, #tpu.memory_space<vmem>>[vector<16xi32>], vector<16xf32>,
        %add3A_324 = arith.constant 30000 : i32
        %add3A_325 = vector.broadcast %add3A_324 : i32 to vector<16xi32>
        %add3A_326 = arith.addi %get3A_165, %add3A_325 : vector<16xi32>
        %mul3A_327 = arith.mulf %bitcast3A_319, %get3A_167 : vector<16xf32>
        tpu.vector_store_idx %arg15[%add3A_326], %mul3A_327 {add = true} : memref<40000xf32, #tpu.memory_space<vmem>>[vector<16xi32>], vector<16xf32>,
        %shift_left3A_328 = arith.constant 16 : i32
        %shift_left3A_329 = vector.broadcast %shift_left3A_328 : i32 to vector<16xi32>
        %shift_left3A_330 = arith.shli %gather3A_214, %shift_left3A_329 : vector<16xi32>
        %bitcast3A_331 = vector.bitcast %shift_left3A_330 : vector<16xi32> to vector<16xf32>
        %and3A_332 = arith.andi %gather3A_214, %broadcast_in_dim3A_83 : vector<16xi32>
        %bitcast3A_333 = vector.bitcast %and3A_332 : vector<16xi32> to vector<16xf32>
        %add3A_334 = arith.constant 0 : i32
        %add3A_335 = vector.broadcast %add3A_334 : i32 to vector<16xi32>
        %add3A_336 = arith.addi %get3A_177, %add3A_335 : vector<16xi32>
        %mul3A_337 = arith.mulf %bitcast3A_331, %get3A_179 : vector<16xf32>
        tpu.vector_store_idx %arg15[%add3A_336], %mul3A_337 {add = true} : memref<40000xf32, #tpu.memory_space<vmem>>[vector<16xi32>], vector<16xf32>,
        %add3A_338 = arith.constant 20000 : i32
        %add3A_339 = vector.broadcast %add3A_338 : i32 to vector<16xi32>
        %add3A_340 = arith.addi %get3A_177, %add3A_339 : vector<16xi32>
        %mul3A_341 = arith.mulf %bitcast3A_333, %get3A_179 : vector<16xf32>
        tpu.vector_store_idx %arg15[%add3A_340], %mul3A_341 {add = true} : memref<40000xf32, #tpu.memory_space<vmem>>[vector<16xi32>], vector<16xf32>,
        %shift_left3A_342 = arith.constant 16 : i32
        %shift_left3A_343 = vector.broadcast %shift_left3A_342 : i32 to vector<16xi32>
        %shift_left3A_344 = arith.shli %gather3A_218, %shift_left3A_343 : vector<16xi32>
        %bitcast3A_345 = vector.bitcast %shift_left3A_344 : vector<16xi32> to vector<16xf32>
        %and3A_346 = arith.andi %gather3A_218, %broadcast_in_dim3A_83 : vector<16xi32>
        %bitcast3A_347 = vector.bitcast %and3A_346 : vector<16xi32> to vector<16xf32>
        %add3A_348 = arith.constant 10000 : i32
        %add3A_349 = vector.broadcast %add3A_348 : i32 to vector<16xi32>
        %add3A_350 = arith.addi %get3A_177, %add3A_349 : vector<16xi32>
        %mul3A_351 = arith.mulf %bitcast3A_345, %get3A_179 : vector<16xf32>
        tpu.vector_store_idx %arg15[%add3A_350], %mul3A_351 {add = true} : memref<40000xf32, #tpu.memory_space<vmem>>[vector<16xi32>], vector<16xf32>,
        %add3A_352 = arith.constant 30000 : i32
        %add3A_353 = vector.broadcast %add3A_352 : i32 to vector<16xi32>
        %add3A_354 = arith.addi %get3A_177, %add3A_353 : vector<16xi32>
        %mul3A_355 = arith.mulf %bitcast3A_347, %get3A_179 : vector<16xf32>
        tpu.vector_store_idx %arg15[%add3A_354], %mul3A_355 {add = true} : memref<40000xf32, #tpu.memory_space<vmem>>[vector<16xi32>], vector<16xf32>,
        %scan3A_356 = arith.constant 0 : i32
        scf.yield %scan3A_356 : i32
      }
      %scan3A_90 = arith.constant 100 : i32
      %add3A_91 = arith.constant 2 : i32
      %add3A_92 = arith.addi %mul3A_56, %add3A_91 : i32
      %lt3A = arith.constant 40 : i32
      %lt3A_93 = arith.cmpi slt, %add3A_92, %lt3A : i32
      %convert_element_type3A = arith.extui %lt3A_93 : i1 to i32
      %cond3A = arith.constant 0 : i32
      %cond3A_94 = arith.cmpi ne, %convert_element_type3A, %cond3A : i32
      scf.if %cond3A_94 {
        %add3A_119 = arith.constant 2 : i32
        %add3A_120 = arith.addi %mul3A_56, %add3A_119 : i32
        %mul3A_121 = arith.constant 8000 : i32
        %mul3A_122 = arith.muli %add3A_120, %mul3A_121 : i32
        %dma_start3A_123 = tpu.memref_slice %arg4[%mul3A_122] : memref<320000xi32, #tpu.memory_space<hbm>> -> memref<8000xi32, #tpu.memory_space<hbm>>
        %dma_start3A_124 = tpu.memref_slice %arg4[%mul3A_122] : memref<320000xi32, #tpu.memory_space<hbm>> -> memref<8000xi32, #tpu.memory_space<hbm>>
        tpu.enqueue_dma source(%dma_start3A_124 : memref<8000xi32, #tpu.memory_space<hbm>>) target(%arg8 : memref<8000xi32, #tpu.memory_space<vmem>>) target_semaphore(%arg16 : memref<!tpu.dma_semaphore, #tpu.memory_space<semaphore_mem>>)
        %mul3A_125 = arith.constant 8000 : i32
        %mul3A_126 = arith.muli %add3A_120, %mul3A_125 : i32
        %dma_start3A_127 = tpu.memref_slice %arg5[%mul3A_126] : memref<320000xi32, #tpu.memory_space<hbm>> -> memref<8000xi32, #tpu.memory_space<hbm>>
        %dma_start3A_128 = tpu.memref_slice %arg5[%mul3A_126] : memref<320000xi32, #tpu.memory_space<hbm>> -> memref<8000xi32, #tpu.memory_space<hbm>>
        tpu.enqueue_dma source(%dma_start3A_128 : memref<8000xi32, #tpu.memory_space<hbm>>) target(%arg9 : memref<8000xi32, #tpu.memory_space<vmem>>) target_semaphore(%arg16 : memref<!tpu.dma_semaphore, #tpu.memory_space<semaphore_mem>>)
        %mul3A_129 = arith.constant 8000 : i32
        %mul3A_130 = arith.muli %add3A_120, %mul3A_129 : i32
        %dma_start3A_131 = tpu.memref_slice %arg6[%mul3A_130] : memref<320000xf32, #tpu.memory_space<hbm>> -> memref<8000xf32, #tpu.memory_space<hbm>>
        %dma_start3A_132 = tpu.memref_slice %arg6[%mul3A_130] : memref<320000xf32, #tpu.memory_space<hbm>> -> memref<8000xf32, #tpu.memory_space<hbm>>
        tpu.enqueue_dma source(%dma_start3A_132 : memref<8000xf32, #tpu.memory_space<hbm>>) target(%arg10 : memref<8000xf32, #tpu.memory_space<vmem>>) target_semaphore(%arg16 : memref<!tpu.dma_semaphore, #tpu.memory_space<semaphore_mem>>)
      } else {
      }
      %add3A_95 = arith.constant 1 : i32
      %add3A_96 = arith.addi %mul3A_56, %add3A_95 : i32
      %mul3A_97 = arith.constant 8000 : i32
      %mul3A_98 = arith.muli %add3A_96, %mul3A_97 : i32
      %dma_wait3A_99 = tpu.memref_slice %arg4[%mul3A_98] : memref<320000xi32, #tpu.memory_space<hbm>> -> memref<8000xi32, #tpu.memory_space<hbm>>
      %dma_wait3A_100 = tpu.memref_slice %arg4[%mul3A_98] : memref<320000xi32, #tpu.memory_space<hbm>> -> memref<8000xi32, #tpu.memory_space<hbm>>
      tpu.wait_dma2 semaphore(%arg17 : memref<!tpu.dma_semaphore, #tpu.memory_space<semaphore_mem>>) src(%dma_wait3A_100 : memref<8000xi32, #tpu.memory_space<hbm>>) dst(%arg11 : memref<8000xi32, #tpu.memory_space<vmem>>)
      %mul3A_101 = arith.constant 8000 : i32
      %mul3A_102 = arith.muli %add3A_96, %mul3A_101 : i32
      %dma_wait3A_103 = tpu.memref_slice %arg5[%mul3A_102] : memref<320000xi32, #tpu.memory_space<hbm>> -> memref<8000xi32, #tpu.memory_space<hbm>>
      %dma_wait3A_104 = tpu.memref_slice %arg5[%mul3A_102] : memref<320000xi32, #tpu.memory_space<hbm>> -> memref<8000xi32, #tpu.memory_space<hbm>>
      tpu.wait_dma2 semaphore(%arg17 : memref<!tpu.dma_semaphore, #tpu.memory_space<semaphore_mem>>) src(%dma_wait3A_104 : memref<8000xi32, #tpu.memory_space<hbm>>) dst(%arg12 : memref<8000xi32, #tpu.memory_space<vmem>>)
      %mul3A_105 = arith.constant 8000 : i32
      %mul3A_106 = arith.muli %add3A_96, %mul3A_105 : i32
      %dma_wait3A_107 = tpu.memref_slice %arg6[%mul3A_106] : memref<320000xf32, #tpu.memory_space<hbm>> -> memref<8000xf32, #tpu.memory_space<hbm>>
      %dma_wait3A_108 = tpu.memref_slice %arg6[%mul3A_106] : memref<320000xf32, #tpu.memory_space<hbm>> -> memref<8000xf32, #tpu.memory_space<hbm>>
      tpu.wait_dma2 semaphore(%arg17 : memref<!tpu.dma_semaphore, #tpu.memory_space<semaphore_mem>>) src(%dma_wait3A_108 : memref<8000xf32, #tpu.memory_space<hbm>>) dst(%arg13 : memref<8000xf32, #tpu.memory_space<vmem>>)
      %broadcast_in_dim3A_109 = arith.constant -65536 : i32
      %broadcast_in_dim3A_110 = vector.broadcast %broadcast_in_dim3A_109 : i32 to vector<16xi32>
      %scan3A_111 = arith.constant 0 : i32
      %scan3A_112 = arith.constant 0 : i32
      %scan3A_113 = arith.constant 100 : i32
      %scan3A_114 = arith.addi %scan3A_112, %scan3A_113 : i32
      %scan3A_115 = arith.constant 1 : i32
      %scan3A_116 = scf.for %scan3A_119 = %scan3A_112 to %scan3A_114 step %scan3A_115 iter_args(%scan3A_120 = %scan3A_111) -> (i32)  : i32 {
        %mul3A_121 = arith.constant 5 : i32
        %mul3A_122 = arith.muli %scan3A_119, %mul3A_121 : i32
        %add3A_123 = arith.constant 0 : i32
        %add3A_124 = arith.addi %mul3A_122, %add3A_123 : i32
        %mul3A_125 = arith.constant 16 : i32
        %mul3A_126 = arith.muli %add3A_124, %mul3A_125 : i32
        %get3A = arith.index_cast %mul3A_126 : i32 to index
        %get3A_127 = tpu.vector_load %arg11[%get3A] {strides = array<i32>} : memref<8000xi32, #tpu.memory_space<vmem>>, vector<16xi32>,
        %get3A_128 = arith.index_cast %mul3A_126 : i32 to index
        %get3A_129 = tpu.vector_load %arg12[%get3A_128] {strides = array<i32>} : memref<8000xi32, #tpu.memory_space<vmem>>, vector<16xi32>,
        %get3A_130 = arith.index_cast %mul3A_126 : i32 to index
        %get3A_131 = tpu.vector_load %arg13[%get3A_130] {strides = array<i32>} : memref<8000xf32, #tpu.memory_space<vmem>>, vector<16xf32>,
        %mul3A_132 = arith.constant 5 : i32
        %mul3A_133 = arith.muli %scan3A_119, %mul3A_132 : i32
        %add3A_134 = arith.constant 1 : i32
        %add3A_135 = arith.addi %mul3A_133, %add3A_134 : i32
        %mul3A_136 = arith.constant 16 : i32
        %mul3A_137 = arith.muli %add3A_135, %mul3A_136 : i32
        %get3A_138 = arith.index_cast %mul3A_137 : i32 to index
        %get3A_139 = tpu.vector_load %arg11[%get3A_138] {strides = array<i32>} : memref<8000xi32, #tpu.memory_space<vmem>>, vector<16xi32>,
        %get3A_140 = arith.index_cast %mul3A_137 : i32 to index
        %get3A_141 = tpu.vector_load %arg12[%get3A_140] {strides = array<i32>} : memref<8000xi32, #tpu.memory_space<vmem>>, vector<16xi32>,
        %get3A_142 = arith.index_cast %mul3A_137 : i32 to index
        %get3A_143 = tpu.vector_load %arg13[%get3A_142] {strides = array<i32>} : memref<8000xf32, #tpu.memory_space<vmem>>, vector<16xf32>,
        %mul3A_144 = arith.constant 5 : i32
        %mul3A_145 = arith.muli %scan3A_119, %mul3A_144 : i32
        %add3A_146 = arith.constant 2 : i32
        %add3A_147 = arith.addi %mul3A_145, %add3A_146 : i32
        %mul3A_148 = arith.constant 16 : i32
        %mul3A_149 = arith.muli %add3A_147, %mul3A_148 : i32
        %get3A_150 = arith.index_cast %mul3A_149 : i32 to index
        %get3A_151 = tpu.vector_load %arg11[%get3A_150] {strides = array<i32>} : memref<8000xi32, #tpu.memory_space<vmem>>, vector<16xi32>,
        %get3A_152 = arith.index_cast %mul3A_149 : i32 to index
        %get3A_153 = tpu.vector_load %arg12[%get3A_152] {strides = array<i32>} : memref<8000xi32, #tpu.memory_space<vmem>>, vector<16xi32>,
        %get3A_154 = arith.index_cast %mul3A_149 : i32 to index
        %get3A_155 = tpu.vector_load %arg13[%get3A_154] {strides = array<i32>} : memref<8000xf32, #tpu.memory_space<vmem>>, vector<16xf32>,
        %mul3A_156 = arith.constant 5 : i32
        %mul3A_157 = arith.muli %scan3A_119, %mul3A_156 : i32
        %add3A_158 = arith.constant 3 : i32
        %add3A_159 = arith.addi %mul3A_157, %add3A_158 : i32
        %mul3A_160 = arith.constant 16 : i32
        %mul3A_161 = arith.muli %add3A_159, %mul3A_160 : i32
        %get3A_162 = arith.index_cast %mul3A_161 : i32 to index
        %get3A_163 = tpu.vector_load %arg11[%get3A_162] {strides = array<i32>} : memref<8000xi32, #tpu.memory_space<vmem>>, vector<16xi32>,
        %get3A_164 = arith.index_cast %mul3A_161 : i32 to index
        %get3A_165 = tpu.vector_load %arg12[%get3A_164] {strides = array<i32>} : memref<8000xi32, #tpu.memory_space<vmem>>, vector<16xi32>,
        %get3A_166 = arith.index_cast %mul3A_161 : i32 to index
        %get3A_167 = tpu.vector_load %arg13[%get3A_166] {strides = array<i32>} : memref<8000xf32, #tpu.memory_space<vmem>>, vector<16xf32>,
        %mul3A_168 = arith.constant 5 : i32
        %mul3A_169 = arith.muli %scan3A_119, %mul3A_168 : i32
        %add3A_170 = arith.constant 4 : i32
        %add3A_171 = arith.addi %mul3A_169, %add3A_170 : i32
        %mul3A_172 = arith.constant 16 : i32
        %mul3A_173 = arith.muli %add3A_171, %mul3A_172 : i32
        %get3A_174 = arith.index_cast %mul3A_173 : i32 to index
        %get3A_175 = tpu.vector_load %arg11[%get3A_174] {strides = array<i32>} : memref<8000xi32, #tpu.memory_space<vmem>>, vector<16xi32>,
        %get3A_176 = arith.index_cast %mul3A_173 : i32 to index
        %get3A_177 = tpu.vector_load %arg12[%get3A_176] {strides = array<i32>} : memref<8000xi32, #tpu.memory_space<vmem>>, vector<16xi32>,
        %get3A_178 = arith.index_cast %mul3A_173 : i32 to index
        %get3A_179 = tpu.vector_load %arg13[%get3A_178] {strides = array<i32>} : memref<8000xf32, #tpu.memory_space<vmem>>, vector<16xf32>,
        %add3A_180 = arith.constant 0 : i32
        %add3A_181 = vector.broadcast %add3A_180 : i32 to vector<16xi32>
        %add3A_182 = arith.addi %get3A_127, %add3A_181 : vector<16xi32>
        %gather3A = tpu.vector_load_idx %arg14[%add3A_182] : memref<20000xi32, #tpu.memory_space<vmem>>[vector<16xi32>], vector<16xi32>,
        %add3A_183 = arith.constant 10000 : i32
        %add3A_184 = vector.broadcast %add3A_183 : i32 to vector<16xi32>
        %add3A_185 = arith.addi %get3A_127, %add3A_184 : vector<16xi32>
        %gather3A_186 = tpu.vector_load_idx %arg14[%add3A_185] : memref<20000xi32, #tpu.memory_space<vmem>>[vector<16xi32>], vector<16xi32>,
        %add3A_187 = arith.constant 0 : i32
        %add3A_188 = vector.broadcast %add3A_187 : i32 to vector<16xi32>
        %add3A_189 = arith.addi %get3A_139, %add3A_188 : vector<16xi32>
        %gather3A_190 = tpu.vector_load_idx %arg14[%add3A_189] : memref<20000xi32, #tpu.memory_space<vmem>>[vector<16xi32>], vector<16xi32>,
        %add3A_191 = arith.constant 10000 : i32
        %add3A_192 = vector.broadcast %add3A_191 : i32 to vector<16xi32>
        %add3A_193 = arith.addi %get3A_139, %add3A_192 : vector<16xi32>
        %gather3A_194 = tpu.vector_load_idx %arg14[%add3A_193] : memref<20000xi32, #tpu.memory_space<vmem>>[vector<16xi32>], vector<16xi32>,
        %add3A_195 = arith.constant 0 : i32
        %add3A_196 = vector.broadcast %add3A_195 : i32 to vector<16xi32>
        %add3A_197 = arith.addi %get3A_151, %add3A_196 : vector<16xi32>
        %gather3A_198 = tpu.vector_load_idx %arg14[%add3A_197] : memref<20000xi32, #tpu.memory_space<vmem>>[vector<16xi32>], vector<16xi32>,
        %add3A_199 = arith.constant 10000 : i32
        %add3A_200 = vector.broadcast %add3A_199 : i32 to vector<16xi32>
        %add3A_201 = arith.addi %get3A_151, %add3A_200 : vector<16xi32>
        %gather3A_202 = tpu.vector_load_idx %arg14[%add3A_201] : memref<20000xi32, #tpu.memory_space<vmem>>[vector<16xi32>], vector<16xi32>,
        %add3A_203 = arith.constant 0 : i32
        %add3A_204 = vector.broadcast %add3A_203 : i32 to vector<16xi32>
        %add3A_205 = arith.addi %get3A_163, %add3A_204 : vector<16xi32>
        %gather3A_206 = tpu.vector_load_idx %arg14[%add3A_205] : memref<20000xi32, #tpu.memory_space<vmem>>[vector<16xi32>], vector<16xi32>,
        %add3A_207 = arith.constant 10000 : i32
        %add3A_208 = vector.broadcast %add3A_207 : i32 to vector<16xi32>
        %add3A_209 = arith.addi %get3A_163, %add3A_208 : vector<16xi32>
        %gather3A_210 = tpu.vector_load_idx %arg14[%add3A_209] : memref<20000xi32, #tpu.memory_space<vmem>>[vector<16xi32>], vector<16xi32>,
        %add3A_211 = arith.constant 0 : i32
        %add3A_212 = vector.broadcast %add3A_211 : i32 to vector<16xi32>
        %add3A_213 = arith.addi %get3A_175, %add3A_212 : vector<16xi32>
        %gather3A_214 = tpu.vector_load_idx %arg14[%add3A_213] : memref<20000xi32, #tpu.memory_space<vmem>>[vector<16xi32>], vector<16xi32>,
        %add3A_215 = arith.constant 10000 : i32
        %add3A_216 = vector.broadcast %add3A_215 : i32 to vector<16xi32>
        %add3A_217 = arith.addi %get3A_175, %add3A_216 : vector<16xi32>
        %gather3A_218 = tpu.vector_load_idx %arg14[%add3A_217] : memref<20000xi32, #tpu.memory_space<vmem>>[vector<16xi32>], vector<16xi32>,
        %shift_left3A = arith.constant 16 : i32
        %shift_left3A_219 = vector.broadcast %shift_left3A : i32 to vector<16xi32>
        %shift_left3A_220 = arith.shli %gather3A, %shift_left3A_219 : vector<16xi32>
        %bitcast3A = vector.bitcast %shift_left3A_220 : vector<16xi32> to vector<16xf32>
        %and3A = arith.andi %gather3A, %broadcast_in_dim3A_110 : vector<16xi32>
        %bitcast3A_221 = vector.bitcast %and3A : vector<16xi32> to vector<16xf32>
        %add3A_222 = arith.constant 0 : i32
        %add3A_223 = vector.broadcast %add3A_222 : i32 to vector<16xi32>
        %add3A_224 = arith.addi %get3A_129, %add3A_223 : vector<16xi32>
        %mul3A_225 = arith.mulf %bitcast3A, %get3A_131 : vector<16xf32>
        tpu.vector_store_idx %arg15[%add3A_224], %mul3A_225 {add = true} : memref<40000xf32, #tpu.memory_space<vmem>>[vector<16xi32>], vector<16xf32>,
        %add3A_226 = arith.constant 20000 : i32
        %add3A_227 = vector.broadcast %add3A_226 : i32 to vector<16xi32>
        %add3A_228 = arith.addi %get3A_129, %add3A_227 : vector<16xi32>
        %mul3A_229 = arith.mulf %bitcast3A_221, %get3A_131 : vector<16xf32>
        tpu.vector_store_idx %arg15[%add3A_228], %mul3A_229 {add = true} : memref<40000xf32, #tpu.memory_space<vmem>>[vector<16xi32>], vector<16xf32>,
        %shift_left3A_230 = arith.constant 16 : i32
        %shift_left3A_231 = vector.broadcast %shift_left3A_230 : i32 to vector<16xi32>
        %shift_left3A_232 = arith.shli %gather3A_186, %shift_left3A_231 : vector<16xi32>
        %bitcast3A_233 = vector.bitcast %shift_left3A_232 : vector<16xi32> to vector<16xf32>
        %and3A_234 = arith.andi %gather3A_186, %broadcast_in_dim3A_110 : vector<16xi32>
        %bitcast3A_235 = vector.bitcast %and3A_234 : vector<16xi32> to vector<16xf32>
        %add3A_236 = arith.constant 10000 : i32
        %add3A_237 = vector.broadcast %add3A_236 : i32 to vector<16xi32>
        %add3A_238 = arith.addi %get3A_129, %add3A_237 : vector<16xi32>
        %mul3A_239 = arith.mulf %bitcast3A_233, %get3A_131 : vector<16xf32>
        tpu.vector_store_idx %arg15[%add3A_238], %mul3A_239 {add = true} : memref<40000xf32, #tpu.memory_space<vmem>>[vector<16xi32>], vector<16xf32>,
        %add3A_240 = arith.constant 30000 : i32
        %add3A_241 = vector.broadcast %add3A_240 : i32 to vector<16xi32>
        %add3A_242 = arith.addi %get3A_129, %add3A_241 : vector<16xi32>
        %mul3A_243 = arith.mulf %bitcast3A_235, %get3A_131 : vector<16xf32>
        tpu.vector_store_idx %arg15[%add3A_242], %mul3A_243 {add = true} : memref<40000xf32, #tpu.memory_space<vmem>>[vector<16xi32>], vector<16xf32>,
        %shift_left3A_244 = arith.constant 16 : i32
        %shift_left3A_245 = vector.broadcast %shift_left3A_244 : i32 to vector<16xi32>
        %shift_left3A_246 = arith.shli %gather3A_190, %shift_left3A_245 : vector<16xi32>
        %bitcast3A_247 = vector.bitcast %shift_left3A_246 : vector<16xi32> to vector<16xf32>
        %and3A_248 = arith.andi %gather3A_190, %broadcast_in_dim3A_110 : vector<16xi32>
        %bitcast3A_249 = vector.bitcast %and3A_248 : vector<16xi32> to vector<16xf32>
        %add3A_250 = arith.constant 0 : i32
        %add3A_251 = vector.broadcast %add3A_250 : i32 to vector<16xi32>
        %add3A_252 = arith.addi %get3A_141, %add3A_251 : vector<16xi32>
        %mul3A_253 = arith.mulf %bitcast3A_247, %get3A_143 : vector<16xf32>
        tpu.vector_store_idx %arg15[%add3A_252], %mul3A_253 {add = true} : memref<40000xf32, #tpu.memory_space<vmem>>[vector<16xi32>], vector<16xf32>,
        %add3A_254 = arith.constant 20000 : i32
        %add3A_255 = vector.broadcast %add3A_254 : i32 to vector<16xi32>
        %add3A_256 = arith.addi %get3A_141, %add3A_255 : vector<16xi32>
        %mul3A_257 = arith.mulf %bitcast3A_249, %get3A_143 : vector<16xf32>
        tpu.vector_store_idx %arg15[%add3A_256], %mul3A_257 {add = true} : memref<40000xf32, #tpu.memory_space<vmem>>[vector<16xi32>], vector<16xf32>,
        %shift_left3A_258 = arith.constant 16 : i32
        %shift_left3A_259 = vector.broadcast %shift_left3A_258 : i32 to vector<16xi32>
        %shift_left3A_260 = arith.shli %gather3A_194, %shift_left3A_259 : vector<16xi32>
        %bitcast3A_261 = vector.bitcast %shift_left3A_260 : vector<16xi32> to vector<16xf32>
        %and3A_262 = arith.andi %gather3A_194, %broadcast_in_dim3A_110 : vector<16xi32>
        %bitcast3A_263 = vector.bitcast %and3A_262 : vector<16xi32> to vector<16xf32>
        %add3A_264 = arith.constant 10000 : i32
        %add3A_265 = vector.broadcast %add3A_264 : i32 to vector<16xi32>
        %add3A_266 = arith.addi %get3A_141, %add3A_265 : vector<16xi32>
        %mul3A_267 = arith.mulf %bitcast3A_261, %get3A_143 : vector<16xf32>
        tpu.vector_store_idx %arg15[%add3A_266], %mul3A_267 {add = true} : memref<40000xf32, #tpu.memory_space<vmem>>[vector<16xi32>], vector<16xf32>,
        %add3A_268 = arith.constant 30000 : i32
        %add3A_269 = vector.broadcast %add3A_268 : i32 to vector<16xi32>
        %add3A_270 = arith.addi %get3A_141, %add3A_269 : vector<16xi32>
        %mul3A_271 = arith.mulf %bitcast3A_263, %get3A_143 : vector<16xf32>
        tpu.vector_store_idx %arg15[%add3A_270], %mul3A_271 {add = true} : memref<40000xf32, #tpu.memory_space<vmem>>[vector<16xi32>], vector<16xf32>,
        %shift_left3A_272 = arith.constant 16 : i32
        %shift_left3A_273 = vector.broadcast %shift_left3A_272 : i32 to vector<16xi32>
        %shift_left3A_274 = arith.shli %gather3A_198, %shift_left3A_273 : vector<16xi32>
        %bitcast3A_275 = vector.bitcast %shift_left3A_274 : vector<16xi32> to vector<16xf32>
        %and3A_276 = arith.andi %gather3A_198, %broadcast_in_dim3A_110 : vector<16xi32>
        %bitcast3A_277 = vector.bitcast %and3A_276 : vector<16xi32> to vector<16xf32>
        %add3A_278 = arith.constant 0 : i32
        %add3A_279 = vector.broadcast %add3A_278 : i32 to vector<16xi32>
        %add3A_280 = arith.addi %get3A_153, %add3A_279 : vector<16xi32>
        %mul3A_281 = arith.mulf %bitcast3A_275, %get3A_155 : vector<16xf32>
        tpu.vector_store_idx %arg15[%add3A_280], %mul3A_281 {add = true} : memref<40000xf32, #tpu.memory_space<vmem>>[vector<16xi32>], vector<16xf32>,
        %add3A_282 = arith.constant 20000 : i32
        %add3A_283 = vector.broadcast %add3A_282 : i32 to vector<16xi32>
        %add3A_284 = arith.addi %get3A_153, %add3A_283 : vector<16xi32>
        %mul3A_285 = arith.mulf %bitcast3A_277, %get3A_155 : vector<16xf32>
        tpu.vector_store_idx %arg15[%add3A_284], %mul3A_285 {add = true} : memref<40000xf32, #tpu.memory_space<vmem>>[vector<16xi32>], vector<16xf32>,
        %shift_left3A_286 = arith.constant 16 : i32
        %shift_left3A_287 = vector.broadcast %shift_left3A_286 : i32 to vector<16xi32>
        %shift_left3A_288 = arith.shli %gather3A_202, %shift_left3A_287 : vector<16xi32>
        %bitcast3A_289 = vector.bitcast %shift_left3A_288 : vector<16xi32> to vector<16xf32>
        %and3A_290 = arith.andi %gather3A_202, %broadcast_in_dim3A_110 : vector<16xi32>
        %bitcast3A_291 = vector.bitcast %and3A_290 : vector<16xi32> to vector<16xf32>
        %add3A_292 = arith.constant 10000 : i32
        %add3A_293 = vector.broadcast %add3A_292 : i32 to vector<16xi32>
        %add3A_294 = arith.addi %get3A_153, %add3A_293 : vector<16xi32>
        %mul3A_295 = arith.mulf %bitcast3A_289, %get3A_155 : vector<16xf32>
        tpu.vector_store_idx %arg15[%add3A_294], %mul3A_295 {add = true} : memref<40000xf32, #tpu.memory_space<vmem>>[vector<16xi32>], vector<16xf32>,
        %add3A_296 = arith.constant 30000 : i32
        %add3A_297 = vector.broadcast %add3A_296 : i32 to vector<16xi32>
        %add3A_298 = arith.addi %get3A_153, %add3A_297 : vector<16xi32>
        %mul3A_299 = arith.mulf %bitcast3A_291, %get3A_155 : vector<16xf32>
        tpu.vector_store_idx %arg15[%add3A_298], %mul3A_299 {add = true} : memref<40000xf32, #tpu.memory_space<vmem>>[vector<16xi32>], vector<16xf32>,
        %shift_left3A_300 = arith.constant 16 : i32
        %shift_left3A_301 = vector.broadcast %shift_left3A_300 : i32 to vector<16xi32>
        %shift_left3A_302 = arith.shli %gather3A_206, %shift_left3A_301 : vector<16xi32>
        %bitcast3A_303 = vector.bitcast %shift_left3A_302 : vector<16xi32> to vector<16xf32>
        %and3A_304 = arith.andi %gather3A_206, %broadcast_in_dim3A_110 : vector<16xi32>
        %bitcast3A_305 = vector.bitcast %and3A_304 : vector<16xi32> to vector<16xf32>
        %add3A_306 = arith.constant 0 : i32
        %add3A_307 = vector.broadcast %add3A_306 : i32 to vector<16xi32>
        %add3A_308 = arith.addi %get3A_165, %add3A_307 : vector<16xi32>
        %mul3A_309 = arith.mulf %bitcast3A_303, %get3A_167 : vector<16xf32>
        tpu.vector_store_idx %arg15[%add3A_308], %mul3A_309 {add = true} : memref<40000xf32, #tpu.memory_space<vmem>>[vector<16xi32>], vector<16xf32>,
        %add3A_310 = arith.constant 20000 : i32
        %add3A_311 = vector.broadcast %add3A_310 : i32 to vector<16xi32>
        %add3A_312 = arith.addi %get3A_165, %add3A_311 : vector<16xi32>
        %mul3A_313 = arith.mulf %bitcast3A_305, %get3A_167 : vector<16xf32>
        tpu.vector_store_idx %arg15[%add3A_312], %mul3A_313 {add = true} : memref<40000xf32, #tpu.memory_space<vmem>>[vector<16xi32>], vector<16xf32>,
        %shift_left3A_314 = arith.constant 16 : i32
        %shift_left3A_315 = vector.broadcast %shift_left3A_314 : i32 to vector<16xi32>
        %shift_left3A_316 = arith.shli %gather3A_210, %shift_left3A_315 : vector<16xi32>
        %bitcast3A_317 = vector.bitcast %shift_left3A_316 : vector<16xi32> to vector<16xf32>
        %and3A_318 = arith.andi %gather3A_210, %broadcast_in_dim3A_110 : vector<16xi32>
        %bitcast3A_319 = vector.bitcast %and3A_318 : vector<16xi32> to vector<16xf32>
        %add3A_320 = arith.constant 10000 : i32
        %add3A_321 = vector.broadcast %add3A_320 : i32 to vector<16xi32>
        %add3A_322 = arith.addi %get3A_165, %add3A_321 : vector<16xi32>
        %mul3A_323 = arith.mulf %bitcast3A_317, %get3A_167 : vector<16xf32>
        tpu.vector_store_idx %arg15[%add3A_322], %mul3A_323 {add = true} : memref<40000xf32, #tpu.memory_space<vmem>>[vector<16xi32>], vector<16xf32>,
        %add3A_324 = arith.constant 30000 : i32
        %add3A_325 = vector.broadcast %add3A_324 : i32 to vector<16xi32>
        %add3A_326 = arith.addi %get3A_165, %add3A_325 : vector<16xi32>
        %mul3A_327 = arith.mulf %bitcast3A_319, %get3A_167 : vector<16xf32>
        tpu.vector_store_idx %arg15[%add3A_326], %mul3A_327 {add = true} : memref<40000xf32, #tpu.memory_space<vmem>>[vector<16xi32>], vector<16xf32>,
        %shift_left3A_328 = arith.constant 16 : i32
        %shift_left3A_329 = vector.broadcast %shift_left3A_328 : i32 to vector<16xi32>
        %shift_left3A_330 = arith.shli %gather3A_214, %shift_left3A_329 : vector<16xi32>
        %bitcast3A_331 = vector.bitcast %shift_left3A_330 : vector<16xi32> to vector<16xf32>
        %and3A_332 = arith.andi %gather3A_214, %broadcast_in_dim3A_110 : vector<16xi32>
        %bitcast3A_333 = vector.bitcast %and3A_332 : vector<16xi32> to vector<16xf32>
        %add3A_334 = arith.constant 0 : i32
        %add3A_335 = vector.broadcast %add3A_334 : i32 to vector<16xi32>
        %add3A_336 = arith.addi %get3A_177, %add3A_335 : vector<16xi32>
        %mul3A_337 = arith.mulf %bitcast3A_331, %get3A_179 : vector<16xf32>
        tpu.vector_store_idx %arg15[%add3A_336], %mul3A_337 {add = true} : memref<40000xf32, #tpu.memory_space<vmem>>[vector<16xi32>], vector<16xf32>,
        %add3A_338 = arith.constant 20000 : i32
        %add3A_339 = vector.broadcast %add3A_338 : i32 to vector<16xi32>
        %add3A_340 = arith.addi %get3A_177, %add3A_339 : vector<16xi32>
        %mul3A_341 = arith.mulf %bitcast3A_333, %get3A_179 : vector<16xf32>
        tpu.vector_store_idx %arg15[%add3A_340], %mul3A_341 {add = true} : memref<40000xf32, #tpu.memory_space<vmem>>[vector<16xi32>], vector<16xf32>,
        %shift_left3A_342 = arith.constant 16 : i32
        %shift_left3A_343 = vector.broadcast %shift_left3A_342 : i32 to vector<16xi32>
        %shift_left3A_344 = arith.shli %gather3A_218, %shift_left3A_343 : vector<16xi32>
        %bitcast3A_345 = vector.bitcast %shift_left3A_344 : vector<16xi32> to vector<16xf32>
        %and3A_346 = arith.andi %gather3A_218, %broadcast_in_dim3A_110 : vector<16xi32>
        %bitcast3A_347 = vector.bitcast %and3A_346 : vector<16xi32> to vector<16xf32>
        %add3A_348 = arith.constant 10000 : i32
        %add3A_349 = vector.broadcast %add3A_348 : i32 to vector<16xi32>
        %add3A_350 = arith.addi %get3A_177, %add3A_349 : vector<16xi32>
        %mul3A_351 = arith.mulf %bitcast3A_345, %get3A_179 : vector<16xf32>
        tpu.vector_store_idx %arg15[%add3A_350], %mul3A_351 {add = true} : memref<40000xf32, #tpu.memory_space<vmem>>[vector<16xi32>], vector<16xf32>,
        %add3A_352 = arith.constant 30000 : i32
        %add3A_353 = vector.broadcast %add3A_352 : i32 to vector<16xi32>
        %add3A_354 = arith.addi %get3A_177, %add3A_353 : vector<16xi32>
        %mul3A_355 = arith.mulf %bitcast3A_347, %get3A_179 : vector<16xf32>
        tpu.vector_store_idx %arg15[%add3A_354], %mul3A_355 {add = true} : memref<40000xf32, #tpu.memory_space<vmem>>[vector<16xi32>], vector<16xf32>,
        %scan3A_356 = arith.constant 0 : i32
        scf.yield %scan3A_356 : i32
      }
      %scan3A_117 = arith.constant 100 : i32
      %scan3A_118 = arith.constant 0 : i32
      scf.yield %scan3A_118 : i32
    }
    %scan3A_50 = arith.constant 20 : i32
    "tpu.region"() ({
      %run_scoped3A = tpu.sem_alloc : memref<!tpu.dma_semaphore, #tpu.memory_space<semaphore_mem>>
      %dma_start3A_53 = arith.constant 0 : i32
      %dma_start3A_54 = tpu.memref_slice %arg15[%dma_start3A_53] : memref<40000xf32, #tpu.memory_space<vmem>> -> memref<20000xf32, #tpu.memory_space<vmem>>
      %dma_start3A_55 = tpu.memref_slice %arg7[%mul3A_2] : memref<1280000xf32, #tpu.memory_space<hbm>> -> memref<20000xf32, #tpu.memory_space<hbm>>
      %dma_start3A_56 = tpu.memref_slice %arg7[%mul3A_2] : memref<1280000xf32, #tpu.memory_space<hbm>> -> memref<20000xf32, #tpu.memory_space<hbm>>
      %dma_start3A_57 = arith.constant 0 : i32
      %dma_start3A_58 = tpu.memref_slice %arg15[%dma_start3A_57] : memref<40000xf32, #tpu.memory_space<vmem>> -> memref<20000xf32, #tpu.memory_space<vmem>>
      tpu.enqueue_dma source(%dma_start3A_58 : memref<20000xf32, #tpu.memory_space<vmem>>) target(%dma_start3A_56 : memref<20000xf32, #tpu.memory_space<hbm>>) target_semaphore(%run_scoped3A : memref<!tpu.dma_semaphore, #tpu.memory_space<semaphore_mem>>)
      %dma_wait3A_59 = arith.constant 0 : i32
      %dma_wait3A_60 = tpu.memref_slice %arg15[%dma_wait3A_59] : memref<40000xf32, #tpu.memory_space<vmem>> -> memref<20000xf32, #tpu.memory_space<vmem>>
      %dma_wait3A_61 = tpu.memref_slice %arg7[%mul3A_2] : memref<1280000xf32, #tpu.memory_space<hbm>> -> memref<20000xf32, #tpu.memory_space<hbm>>
      %dma_wait3A_62 = tpu.memref_slice %arg7[%mul3A_2] : memref<1280000xf32, #tpu.memory_space<hbm>> -> memref<20000xf32, #tpu.memory_space<hbm>>
      %dma_wait3A_63 = arith.constant 0 : i32
      %dma_wait3A_64 = tpu.memref_slice %arg15[%dma_wait3A_63] : memref<40000xf32, #tpu.memory_space<vmem>> -> memref<20000xf32, #tpu.memory_space<vmem>>
      tpu.wait_dma2 semaphore(%run_scoped3A : memref<!tpu.dma_semaphore, #tpu.memory_space<semaphore_mem>>) src(%dma_wait3A_64 : memref<20000xf32, #tpu.memory_space<vmem>>) dst(%dma_wait3A_62 : memref<20000xf32, #tpu.memory_space<hbm>>)
      tpu.yield
    }) : () -> ()
    %add3A_51 = arith.constant 640000 : i32
    %add3A_52 = arith.addi %mul3A_2, %add3A_51 : i32
    "tpu.region"() ({
      %run_scoped3A = tpu.sem_alloc : memref<!tpu.dma_semaphore, #tpu.memory_space<semaphore_mem>>
      %dma_start3A_53 = arith.constant 20000 : i32
      %dma_start3A_54 = tpu.memref_slice %arg15[%dma_start3A_53] : memref<40000xf32, #tpu.memory_space<vmem>> -> memref<20000xf32, #tpu.memory_space<vmem>>
      %dma_start3A_55 = tpu.memref_slice %arg7[%add3A_52] : memref<1280000xf32, #tpu.memory_space<hbm>> -> memref<20000xf32, #tpu.memory_space<hbm>>
      %dma_start3A_56 = tpu.memref_slice %arg7[%add3A_52] : memref<1280000xf32, #tpu.memory_space<hbm>> -> memref<20000xf32, #tpu.memory_space<hbm>>
      %dma_start3A_57 = arith.constant 20000 : i32
      %dma_start3A_58 = tpu.memref_slice %arg15[%dma_start3A_57] : memref<40000xf32, #tpu.memory_space<vmem>> -> memref<20000xf32, #tpu.memory_space<vmem>>
      tpu.enqueue_dma source(%dma_start3A_58 : memref<20000xf32, #tpu.memory_space<vmem>>) target(%dma_start3A_56 : memref<20000xf32, #tpu.memory_space<hbm>>) target_semaphore(%run_scoped3A : memref<!tpu.dma_semaphore, #tpu.memory_space<semaphore_mem>>)
      %dma_wait3A_59 = arith.constant 20000 : i32
      %dma_wait3A_60 = tpu.memref_slice %arg15[%dma_wait3A_59] : memref<40000xf32, #tpu.memory_space<vmem>> -> memref<20000xf32, #tpu.memory_space<vmem>>
      %dma_wait3A_61 = tpu.memref_slice %arg7[%add3A_52] : memref<1280000xf32, #tpu.memory_space<hbm>> -> memref<20000xf32, #tpu.memory_space<hbm>>
      %dma_wait3A_62 = tpu.memref_slice %arg7[%add3A_52] : memref<1280000xf32, #tpu.memory_space<hbm>> -> memref<20000xf32, #tpu.memory_space<hbm>>
      %dma_wait3A_63 = arith.constant 20000 : i32
      %dma_wait3A_64 = tpu.memref_slice %arg15[%dma_wait3A_63] : memref<40000xf32, #tpu.memory_space<vmem>> -> memref<20000xf32, #tpu.memory_space<vmem>>
      tpu.wait_dma2 semaphore(%run_scoped3A : memref<!tpu.dma_semaphore, #tpu.memory_space<semaphore_mem>>) src(%dma_wait3A_64 : memref<20000xf32, #tpu.memory_space<vmem>>) dst(%dma_wait3A_62 : memref<20000xf32, #tpu.memory_space<hbm>>)
      tpu.yield
    }) : () -> ()
    return
  }
}

module attributes {stable_mosaic.version = 14 : i64} {
  func.func @_tc1_body(%arg0: memref<32x10000xf32, #tpu.memory_space<vmem>>, %arg1: memref<10000x128xf32, #tpu.memory_space<vmem>>, %arg2: memref<128x128xf32, #tpu.memory_space<vmem>>, %arg3: memref<128x10000xf32, #tpu.memory_space<vmem>>, %arg4: memref<64x10000xi32, #tpu.memory_space<vmem>>, %arg5: memref<1x10000xf32, #tpu.memory_space<vmem>>) attributes {dimension_semantics = [], scalar_prefetch = 0 : i64, scratch_operands = 0 : i64, tpu.core_type = #tpu.core_type<tc>} {
    %get3A = arith.constant 0 : index
    %get3A_0 = arith.constant 0 : index
    %get3A_1 = vector.load %arg0[%get3A, %get3A_0] : memref<32x10000xf32, #tpu.memory_space<vmem>>, vector<32x10000xf32>
    %reduce_sum3A = arith.constant dense<0.000000e+00> : vector<10000xf32>
    %reduce_sum3A_2 = vector.multi_reduction <add>, %get3A_1, %reduce_sum3A [0] : vector<32x10000xf32> to vector<10000xf32>
    %broadcast_in_dim3A = vector.shape_cast %reduce_sum3A_2 : vector<10000xf32> to vector<1x10000xf32>
    %add3A = arith.constant 1.000000e+00 : f32
    %add3A_3 = vector.broadcast %add3A : f32 to vector<1x10000xf32>
    %add3A_4 = arith.addf %broadcast_in_dim3A, %add3A_3 : vector<1x10000xf32>
    %max3A = arith.constant 1.000000e-30 : f32
    %max3A_5 = vector.broadcast %max3A : f32 to vector<1x10000xf32>
    %max3A_6 = arith.maximumf %add3A_4, %max3A_5 : vector<1x10000xf32>
    %gt3A = arith.constant 0.000000e+00 : f32
    %gt3A_7 = vector.broadcast %gt3A : f32 to vector<1x10000xf32>
    %gt3A_8 = arith.cmpf ogt, %add3A_4, %gt3A_7 : vector<1x10000xf32>
    %rsqrt3A = math.rsqrt %max3A_6 : vector<1x10000xf32>
    %jit3A = arith.constant 0.000000e+00 : f32
    %broadcast_in_dim3A_9 = vector.broadcast %jit3A : f32 to vector<1x10000xf32>
    %select_n3A = arith.select %gt3A_8, %rsqrt3A, %broadcast_in_dim3A_9 : vector<1x10000xi1>, vector<1x10000xf32>
    %get3A_10 = arith.constant 0 : index
    %get3A_11 = arith.constant 0 : index
    %get3A_12 = vector.load %arg2[%get3A_10, %get3A_11] : memref<128x128xf32, #tpu.memory_space<vmem>>, vector<128x128xf32>
    %get3A_13 = arith.constant 0 : index
    %get3A_14 = arith.constant 0 : index
    %get3A_15 = vector.load %arg1[%get3A_13, %get3A_14] : memref<10000x128xf32, #tpu.memory_space<vmem>>, vector<10000x128xf32>
    %dot_general3A = arith.constant dense<0.000000e+00> : vector<128x10000xf32>
    %dot_general3A_16 = tpu.matmul %get3A_12, %get3A_15, %dot_general3A {dimension_numbers = #tpu.dot_dimension_numbers<[0], [1], [1], [0], [0, 1, 1, 0], [], []>, transpose_lhs_hint = false} : vector<128x128xf32>, vector<10000x128xf32>, vector<128x10000xf32> -> vector<128x10000xf32>
    %mul3A = vector.broadcast %select_n3A : vector<1x10000xf32> to vector<128x10000xf32>
    %mul3A_17 = arith.mulf %mul3A, %dot_general3A_16 : vector<128x10000xf32>
    %swap3A = arith.constant 0 : index
    %swap3A_18 = arith.constant 0 : index
    %swap3A_19 = vector.load %arg3[%swap3A, %swap3A_18] : memref<128x10000xf32, #tpu.memory_space<vmem>>, vector<128x10000xf32>
    tpu.vector_store %arg3[%swap3A, %swap3A_18], %mul3A_17 {strides = array<i32>} : memref<128x10000xf32, #tpu.memory_space<vmem>>, vector<128x10000xf32>,
    %convert_element_type3A = arith.truncf %mul3A_17 : vector<128x10000xf32> to vector<128x10000xbf16>
    %slice3A = vector.extract_strided_slice %convert_element_type3A {offsets = [0, 0], sizes = [64, 10000], strides = [1, 1]} : vector<128x10000xbf16> to vector<64x10000xbf16>
    %bitcast_convert_type3A = tpu.bitcast %slice3A : vector<64x10000xbf16> -> vector<64x10000xi16>
    %convert_element_type3A_20 = arith.extui %bitcast_convert_type3A : vector<64x10000xi16> to vector<64x10000xi32>
    %slice3A_21 = vector.extract_strided_slice %convert_element_type3A {offsets = [64, 0], sizes = [64, 10000], strides = [1, 1]} : vector<128x10000xbf16> to vector<64x10000xbf16>
    %bitcast_convert_type3A_22 = tpu.bitcast %slice3A_21 : vector<64x10000xbf16> -> vector<64x10000xi16>
    %convert_element_type3A_23 = arith.extui %bitcast_convert_type3A_22 : vector<64x10000xi16> to vector<64x10000xi32>
    %shift_left3A = arith.constant 16 : i32
    %shift_left3A_24 = vector.broadcast %shift_left3A : i32 to vector<64x10000xi32>
    %shift_left3A_25 = arith.shli %convert_element_type3A_23, %shift_left3A_24 : vector<64x10000xi32>
    %or3A = arith.ori %convert_element_type3A_20, %shift_left3A_25 : vector<64x10000xi32>
    %swap3A_26 = arith.constant 0 : index
    %swap3A_27 = arith.constant 0 : index
    %swap3A_28 = vector.load %arg4[%swap3A_26, %swap3A_27] : memref<64x10000xi32, #tpu.memory_space<vmem>>, vector<64x10000xi32>
    tpu.vector_store %arg4[%swap3A_26, %swap3A_27], %or3A {strides = array<i32>} : memref<64x10000xi32, #tpu.memory_space<vmem>>, vector<64x10000xi32>,
    %swap3A_29 = arith.constant 0 : index
    %swap3A_30 = arith.constant 0 : index
    %swap3A_31 = vector.load %arg5[%swap3A_29, %swap3A_30] : memref<1x10000xf32, #tpu.memory_space<vmem>>, vector<1x10000xf32>
    tpu.vector_store %arg5[%swap3A_29, %swap3A_30], %select_n3A {strides = array<i32>} : memref<1x10000xf32, #tpu.memory_space<vmem>>, vector<1x10000xf32>,
    return
  }
}

module attributes {stable_mosaic.version = 14 : i64} {
  func.func @_tc2_body(%arg0: memref<128x10000xf32, #tpu.memory_space<vmem>>, %arg1: memref<1x10000xf32, #tpu.memory_space<vmem>>, %arg2: memref<128x1xf32, #tpu.memory_space<vmem>>, %arg3: memref<128x128xf32, #tpu.memory_space<vmem>>, %arg4: memref<128x10000xf32, #tpu.memory_space<vmem>>, %arg5: memref<64x10000xi32, #tpu.memory_space<vmem>>) attributes {dimension_semantics = [], scalar_prefetch = 0 : i64, scratch_operands = 0 : i64, tpu.core_type = #tpu.core_type<tc>} {
    %get3A = arith.constant 0 : index
    %get3A_0 = arith.constant 0 : index
    %get3A_1 = vector.load %arg1[%get3A, %get3A_0] : memref<1x10000xf32, #tpu.memory_space<vmem>>, vector<1x10000xf32>
    %get3A_2 = arith.constant 0 : index
    %get3A_3 = arith.constant 0 : index
    %get3A_4 = vector.load %arg0[%get3A_2, %get3A_3] : memref<128x10000xf32, #tpu.memory_space<vmem>>, vector<128x10000xf32>
    %mul3A = vector.broadcast %get3A_1 : vector<1x10000xf32> to vector<128x10000xf32>
    %mul3A_5 = arith.mulf %mul3A, %get3A_4 : vector<128x10000xf32>
    %get3A_6 = arith.constant 0 : index
    %get3A_7 = arith.constant 0 : index
    %get3A_8 = vector.load %arg2[%get3A_6, %get3A_7] : memref<128x1xf32, #tpu.memory_space<vmem>>, vector<128x1xf32>
    %add3A = vector.broadcast %get3A_8 : vector<128x1xf32> to vector<128x10000xf32>
    %add3A_9 = arith.addf %mul3A_5, %add3A : vector<128x10000xf32>
    %max3A = arith.constant 0.000000e+00 : f32
    %max3A_10 = vector.broadcast %max3A : f32 to vector<128x10000xf32>
    %max3A_11 = arith.maximumf %add3A_9, %max3A_10 : vector<128x10000xf32>
    %get3A_12 = arith.constant 0 : index
    %get3A_13 = arith.constant 0 : index
    %get3A_14 = vector.load %arg3[%get3A_12, %get3A_13] : memref<128x128xf32, #tpu.memory_space<vmem>>, vector<128x128xf32>
    %dot_general3A = arith.constant dense<0.000000e+00> : vector<128x10000xf32>
    %dot_general3A_15 = tpu.matmul %get3A_14, %max3A_11, %dot_general3A {dimension_numbers = #tpu.dot_dimension_numbers<[0], [0], [1], [1], [0, 1, 1, 1], [], []>, transpose_lhs_hint = false} : vector<128x128xf32>, vector<128x10000xf32>, vector<128x10000xf32> -> vector<128x10000xf32>
    %mul3A_16 = vector.broadcast %get3A_1 : vector<1x10000xf32> to vector<128x10000xf32>
    %mul3A_17 = arith.mulf %mul3A_16, %dot_general3A_15 : vector<128x10000xf32>
    %swap3A = arith.constant 0 : index
    %swap3A_18 = arith.constant 0 : index
    %swap3A_19 = vector.load %arg4[%swap3A, %swap3A_18] : memref<128x10000xf32, #tpu.memory_space<vmem>>, vector<128x10000xf32>
    tpu.vector_store %arg4[%swap3A, %swap3A_18], %mul3A_17 {strides = array<i32>} : memref<128x10000xf32, #tpu.memory_space<vmem>>, vector<128x10000xf32>,
    %convert_element_type3A = arith.truncf %mul3A_17 : vector<128x10000xf32> to vector<128x10000xbf16>
    %slice3A = vector.extract_strided_slice %convert_element_type3A {offsets = [0, 0], sizes = [64, 10000], strides = [1, 1]} : vector<128x10000xbf16> to vector<64x10000xbf16>
    %bitcast_convert_type3A = tpu.bitcast %slice3A : vector<64x10000xbf16> -> vector<64x10000xi16>
    %convert_element_type3A_20 = arith.extui %bitcast_convert_type3A : vector<64x10000xi16> to vector<64x10000xi32>
    %slice3A_21 = vector.extract_strided_slice %convert_element_type3A {offsets = [64, 0], sizes = [64, 10000], strides = [1, 1]} : vector<128x10000xbf16> to vector<64x10000xbf16>
    %bitcast_convert_type3A_22 = tpu.bitcast %slice3A_21 : vector<64x10000xbf16> -> vector<64x10000xi16>
    %convert_element_type3A_23 = arith.extui %bitcast_convert_type3A_22 : vector<64x10000xi16> to vector<64x10000xi32>
    %shift_left3A = arith.constant 16 : i32
    %shift_left3A_24 = vector.broadcast %shift_left3A : i32 to vector<64x10000xi32>
    %shift_left3A_25 = arith.shli %convert_element_type3A_23, %shift_left3A_24 : vector<64x10000xi32>
    %or3A = arith.ori %convert_element_type3A_20, %shift_left3A_25 : vector<64x10000xi32>
    %swap3A_26 = arith.constant 0 : index
    %swap3A_27 = arith.constant 0 : index
    %swap3A_28 = vector.load %arg5[%swap3A_26, %swap3A_27] : memref<64x10000xi32, #tpu.memory_space<vmem>>, vector<64x10000xi32>
    tpu.vector_store %arg5[%swap3A_26, %swap3A_27], %or3A {strides = array<i32>} : memref<64x10000xi32, #tpu.memory_space<vmem>>, vector<64x10000xi32>,
    return
  }
}

module attributes {stable_mosaic.version = 14 : i64} {
  func.func @_tc3_body(%arg0: memref<128x10000xf32, #tpu.memory_space<vmem>>, %arg1: memref<1x10000xf32, #tpu.memory_space<vmem>>, %arg2: memref<128x1xf32, #tpu.memory_space<vmem>>, %arg3: memref<10000x128xf32, #tpu.memory_space<vmem>>, %arg4: memref<128x128xf32, #tpu.memory_space<vmem>>, %arg5: memref<10000x128xf32, #tpu.memory_space<vmem>>) attributes {dimension_semantics = [], scalar_prefetch = 0 : i64, scratch_operands = 0 : i64, tpu.core_type = #tpu.core_type<tc>} {
    %get3A = arith.constant 0 : index
    %get3A_0 = arith.constant 0 : index
    %get3A_1 = vector.load %arg1[%get3A, %get3A_0] : memref<1x10000xf32, #tpu.memory_space<vmem>>, vector<1x10000xf32>
    %get3A_2 = arith.constant 0 : index
    %get3A_3 = arith.constant 0 : index
    %get3A_4 = vector.load %arg0[%get3A_2, %get3A_3] : memref<128x10000xf32, #tpu.memory_space<vmem>>, vector<128x10000xf32>
    %mul3A = vector.broadcast %get3A_1 : vector<1x10000xf32> to vector<128x10000xf32>
    %mul3A_5 = arith.mulf %mul3A, %get3A_4 : vector<128x10000xf32>
    %get3A_6 = arith.constant 0 : index
    %get3A_7 = arith.constant 0 : index
    %get3A_8 = vector.load %arg2[%get3A_6, %get3A_7] : memref<128x1xf32, #tpu.memory_space<vmem>>, vector<128x1xf32>
    %add3A = vector.broadcast %get3A_8 : vector<128x1xf32> to vector<128x10000xf32>
    %add3A_9 = arith.addf %mul3A_5, %add3A : vector<128x10000xf32>
    %max3A = arith.constant 0.000000e+00 : f32
    %max3A_10 = vector.broadcast %max3A : f32 to vector<128x10000xf32>
    %max3A_11 = arith.maximumf %add3A_9, %max3A_10 : vector<128x10000xf32>
    %mul3A_12 = arith.mulf %max3A_11, %max3A_11 : vector<128x10000xf32>
    %reduce_sum3A = arith.constant dense<0.000000e+00> : vector<10000xf32>
    %reduce_sum3A_13 = vector.multi_reduction <add>, %mul3A_12, %reduce_sum3A [0] : vector<128x10000xf32> to vector<10000xf32>
    %broadcast_in_dim3A = vector.shape_cast %reduce_sum3A_13 : vector<10000xf32> to vector<1x10000xf32>
    %sqrt3A = math.sqrt %broadcast_in_dim3A : vector<1x10000xf32>
    %max3A_14 = arith.constant 9.99999996E-13 : f32
    %max3A_15 = vector.broadcast %max3A_14 : f32 to vector<1x10000xf32>
    %max3A_16 = arith.maximumf %sqrt3A, %max3A_15 : vector<1x10000xf32>
    %div3A = vector.broadcast %max3A_16 : vector<1x10000xf32> to vector<128x10000xf32>
    %div3A_17 = arith.divf %max3A_11, %div3A : vector<128x10000xf32>
    %get3A_18 = arith.constant 0 : index
    %get3A_19 = arith.constant 0 : index
    %get3A_20 = vector.load %arg4[%get3A_18, %get3A_19] : memref<128x128xf32, #tpu.memory_space<vmem>>, vector<128x128xf32>
    %dot_general3A = arith.constant dense<0.000000e+00> : vector<10000x128xf32>
    %dot_general3A_21 = tpu.matmul %div3A_17, %get3A_20, %dot_general3A {dimension_numbers = #tpu.dot_dimension_numbers<[0], [0], [1], [1], [0, 1, 1, 1], [], []>, transpose_lhs_hint = false} : vector<128x10000xf32>, vector<128x128xf32>, vector<10000x128xf32> -> vector<10000x128xf32>
    %get3A_22 = arith.constant 0 : index
    %get3A_23 = arith.constant 0 : index
    %get3A_24 = vector.load %arg3[%get3A_22, %get3A_23] : memref<10000x128xf32, #tpu.memory_space<vmem>>, vector<10000x128xf32>
    %add3A_25 = arith.addf %dot_general3A_21, %get3A_24 : vector<10000x128xf32>
    %mul3A_26 = arith.constant 5.000000e-01 : f32
    %mul3A_27 = vector.broadcast %mul3A_26 : f32 to vector<10000x128xf32>
    %mul3A_28 = arith.mulf %add3A_25, %mul3A_27 : vector<10000x128xf32>
    %swap3A = arith.constant 0 : index
    %swap3A_29 = arith.constant 0 : index
    %swap3A_30 = vector.load %arg5[%swap3A, %swap3A_29] : memref<10000x128xf32, #tpu.memory_space<vmem>>, vector<10000x128xf32>
    tpu.vector_store %arg5[%swap3A, %swap3A_29], %mul3A_28 {strides = array<i32>} : memref<10000x128xf32, #tpu.memory_space<vmem>>, vector<10000x128xf32>,
    return
  }
}

</mosaic_0001>

<sc_bundles>
// kernel: kernel.11.cloned.1.call-start
scs
__scs_entry_jumppad:
0x0: {  	(pc) =	sbr.rel $0x88, $3  }
0x1: {  	(tag) =	ssettag $0x0;
	lr =	simm.s32 $0x1  }
0x2: {  	[smem:$0x3F9A] =	sst lr;
	_ =	strace $0xD0000000  }
0x3: {  	_ = 	snop  }
0x4: {  	_ = 	snop  }
0x5: {  	_ = 	snop  }
0x6: {  	_ = 	snop  }
0x7: {  	_ = 	snop  }
__scs_overlays_trampoline_lowered:
0x8: {  	[smem:$0x3FA9] =	sst s0  }
0x9: {  	[smem:$0x3FAA] =	sst s1  }
0xa: {  	[smem:$0x3FAB] =	sst s2  }
0xb: {  	[smem:$0x3FAC] =	sst s3  }
0xc: {  	[smem:$0x3FAD] =	sst s4  }
0xd: {  	[smem:$0x3FAE] =	sst s5  }
0xe: {  	[smem:$0x3FAF] =	sst s6  }
0xf: {  	[smem:$0x3FB0] =	sst s7  }
0x10: {  	[smem:$0x3FB1] =	sst s8  }
0x11: {  	[smem:$0x3FB2] =	sst s9;
	s0 =	simm.s32 @!p0 $0x0  }
0x12: {  	s1 =	sld [smem:$0x3F98];
	s0 =	simm.s32 @p0 $0x1  }
0x13: {  	[smem:$0x3FB3] =	sst s0;
	s0 =	simm.s32 @!p1 $0x0  }
0x14: {  	s2 =	sld [smem:$0x3F97];
	s0 =	simm.s32 @p1 $0x1  }
0x15: {  	[smem:$0x3FB4] =	sst s0;
	s0 =	simm.s32 @!p2 $0x0  }
0x16: {  	s3 =	sld [smem:$0x3FDB];
	s0 =	simm.s32 @p2 $0x1  }
0x17: {  	s4 =	simm.s32 $0x1BF5;
	[smem:$0x3FB6] =	sst s0  }
0x18: {  	s0 =	sld [smem:$0x3F99];
	_ =	swait.ge [sflag:s4], $0x0  }
0x19: {  	s7 =	sld [smem:$0x3F9A]  }
0x1a: {  	s8 =	sadd.s32 $0xFFFFE003, lr  }
0x1b: {  	s9 =	sadd.s32 $0xFFFFFEF7, lr;
	s5 =	simm.s32 $0xFFFFFFFF;
	p2 =	slt.u32 s8, $0xFFFFF086  }
0x1c: {  	p1 =	slt.u32 s9, $0xF7A;
	s5 =	simm.s32 @!p2 $0x0  }
0x1d: {  	s5 =	simm.s32 @p1 $0x1;
	p0 =	seq.s32 s7, s2  }
0x1e: {  	s7 =	smul.u32 @!p0 $0xF7A, s2;
	p2 =	seq.s32 @!p0 s5, $0x0  }
0x1f: {  	s9 =	smul.u32 $0xF7A, s1;
	s8 =	simm.s32 @!p0 $0x1BF5;
	p2 =	por !p2, p0  }
0x20: {  	[sflag:s8] =	ssyncset.s32 @!p0 $0xFFFFF086;
	s6 =	sadd.s32 @!p0 s3, s7;
	s7 =	simm.s32 @!p0 $0x108  }
0x21: {  	s3 =	sadd.s32 s3, s9;
	s6 =	sadd.s32 @!p0 $0x88, s6;
	s7 =	simm.s32 @p2 $0x1082  }
0x22: {  	[simem:s7], [sflag:s8] =	dma.local @!p0 [hbm:s6], $0xF7A  }
0x23: {  	s9 =	sor.u32 $0xD0000000, s2;
	s6 =	simm.s32 $0x108;
	_ =	swait.ge @!p0 [sflag:s8], $0x0  }
0x24: {  	s3 =	sadd.s32 $0x88, s3;
	s6 =	simm.s32 @!p1 $0x1082;
	[sflag:s4] =	ssyncset.s32 $0xFFFFF086  }
0x25: {  	[simem:s6], [sflag:s4] =	dma.local [hbm:s3], $0xF7A  }
0x26: {  	[smem:$0x3F9A] =	sst s1;
	(tag) =	ssettag s2;
	_ =	strace s9  }
0x27: {  	s1 =	sld [smem:$0x3FAA]  }
0x28: {  	s2 =	sld [smem:$0x3FAB]  }
0x29: {  	s4 =	sld [smem:$0x3FAD]  }
0x2a: {  	p0 =	seq.s32 s5, $0x0;
	s5 =	sld [smem:$0x3FAE]  }
0x2b: {  	s6 =	sld [smem:$0x3FAF]  }
0x2c: {  	s7 =	sld [smem:$0x3FB0]  }
0x2d: {  	s3 =	simm.s32 $0x108;
	s8 =	sld [smem:$0x3FB1]  }
0x2e: {  	s3 =	simm.s32 @!p0 $0x1082;
	s9 =	sld [smem:$0x3FB2]  }
0x2f: {  	lr =	sadd.s32 s0, s3;
	s0 =	sld [smem:$0x3FA9]  }
0x30: {  	s3 =	sld [smem:$0x3FAC]  }
0x31: {  	[smem:$0x3FB5] =	sst s10  }
0x32: {  	s10 =	sld [smem:$0x3FB3];
	_ =	sdelay $0x3  }
0x33: {  	p0 =	seq.s32 s10, $0x1;
	s10 =	sld [smem:$0x3FB5];
	_ =	sdelay $0x3  }
0x34: {  	[smem:$0x3FB5] =	sst s10  }
0x35: {  	s10 =	sld [smem:$0x3FB4];
	_ =	sdelay $0x3  }
0x36: {  	p1 =	seq.s32 s10, $0x1;
	s10 =	sld [smem:$0x3FB5];
	_ =	sdelay $0x3  }
0x37: {  	[smem:$0x3FB5] =	sst s10  }
0x38: {  	s10 =	sld [smem:$0x3FB6]  }
0x39: {  	_ = 	snop;
	(pc) =	sbr.ind lr, $3  }
0x3a: {  	_ = 	snop  }
0x3b: {  	_ = 	snop  }
0x3c: {  	p2 =	seq.s32 s10, $0x1;
	s10 =	sld [smem:$0x3FB5]  }
0x3d: {  	_ =	shalt  }
0x3e: {  	_ =	shalt  }
0x3f: {  	_ =	shalt  }
0x40: {  	_ =	shalt  }
0x41: {  	_ =	shalt  }
0x42: {  	_ =	shalt  }
0x43: {  	_ =	shalt  }
0x44: {  	_ =	shalt  }
0x45: {  	_ =	shalt  }
0x46: {  	_ =	shalt  }
0x47: {  	_ =	shalt  }
0x48: {  	_ =	shalt  }
0x49: {  	_ =	shalt  }
0x4a: {  	_ =	shalt  }
0x4b: {  	_ =	shalt  }
0x4c: {  	_ =	shalt  }
0x4d: {  	_ =	shalt  }
0x4e: {  	_ =	shalt  }
0x4f: {  	_ =	shalt  }
0x50: {  	_ =	shalt  }
0x51: {  	_ =	shalt  }
0x52: {  	_ =	shalt  }
0x53: {  	_ =	shalt  }
0x54: {  	_ =	shalt  }
0x55: {  	_ =	shalt  }
0x56: {  	_ =	shalt  }
0x57: {  	_ =	shalt  }
0x58: {  	_ =	shalt  }
0x59: {  	_ =	shalt  }
0x5a: {  	_ =	shalt  }
0x5b: {  	_ =	shalt  }
0x5c: {  	_ =	shalt  }
0x5d: {  	_ =	shalt  }
0x5e: {  	_ =	shalt  }
0x5f: {  	_ =	shalt  }
0x60: {  	_ =	shalt  }
0x61: {  	_ =	shalt  }
0x62: {  	_ =	shalt  }
0x63: {  	_ =	shalt  }
0x64: {  	_ =	shalt  }
0x65: {  	_ =	shalt  }
0x66: {  	_ =	shalt  }
0x67: {  	_ =	shalt  }
0x68: {  	_ =	shalt  }
0x69: {  	_ =	shalt  }
0x6a: {  	_ =	shalt  }
0x6b: {  	_ =	shalt  }
0x6c: {  	_ =	shalt  }
0x6d: {  	_ =	shalt  }
0x6e: {  	_ =	shalt  }
0x6f: {  	_ =	shalt  }
0x70: {  	_ =	shalt  }
0x71: {  	_ =	shalt  }
0x72: {  	_ =	shalt  }
0x73: {  	_ =	shalt  }
0x74: {  	_ =	shalt  }
0x75: {  	_ =	shalt  }
0x76: {  	_ =	shalt  }
0x77: {  	_ =	shalt  }
0x78: {  	_ =	shalt  }
0x79: {  	_ =	shalt  }
0x7a: {  	_ =	shalt  }
0x7b: {  	_ =	shalt  }
0x7c: {  	_ =	shalt  }
0x7d: {  	_ =	shalt  }
0x7e: {  	_ =	shalt  }
0x7f: {  	_ =	shalt  }
0x80: {  	_ =	shalt  }
0x81: {  	_ =	shalt  }
0x82: {  	_ =	shalt  }
0x83: {  	_ =	shalt  }
0x84: {  	_ =	shalt  }
0x85: {  	_ =	shalt  }
0x86: {  	_ =	shalt  }
0x87: {  	_ =	shalt  }
.Lfunc_end0:
.L_simem_size_0:
called_computation.1_lowered:
.L_overlay_start_0:
0x88: {  	s2 =	sld [smem:$0x3FD9]  }
0x89: {  	s3 =	sld [smem:$0x3FFE];
	_ =	sdelay $0x1  }
0x8a: {  	s1 =	srdreg.scid  }
0x8b: {  	s0 =	sand.u32 $0x1, s1  }
0x8c: {  	s17 =	sshll.u32 s0, $0xA;
	s2 =	sadd.s32 s3, s2  }
0x8d: {  	s2 =	sadd.s32 s2, s17  }
0x8e: {  	[smem:$0x3FC1] =	sst s2  }
0x8f: {  	_ = 	snop  }
0x90: {  	s2 =	sld [smem:$0x3FC7]  }
0x91: {  	s18 =	sld [smem:$0x3FD0];
	(tm) =	ssettm $0x1  }
0x92: {  	s4 =	sld [smem:$0x3FFB];
	_ =	sdelay $0x3  }
0x93: {  	_ =	strace s4  }
0x94: {  	s4 =	sld [smem:$0x3FFC];
	_ =	sdelay $0x3  }
0x95: {  	_ =	strace s4  }
0x96: {  	s4 =	sld [smem:$0x3FFD];
	_ =	sdelay $0x3  }
0x97: {  	_ =	strace s4  }
0x98: {  	_ =	strace $0x8FFFFFFF  }
0x99: {  	s19 =	sld [smem:$0x3FDB];
	_ =	sdelay $0x1  }
0x9a: {  	s5 =	simm.s32 $_scs_section_size  }
0x9b: {  	s6 =	simm.s32 $_size__tile_overlayer_lowered;
	s7 =	simm.s32 $_tile_overlayer_lowered  }
0x9c: {  	s22 =	simm.s32 $0x1BFF;
	s21 =	sshll.u32 s7, $0x1;
	s4 =	sadd.s32 s5, s19  }
0x9d: {  	s8 =	simm.s32 $0x0;
	s20 =	sshll.u32 s6, $0x1;
	s6 =	sadd.s32 s21, s4  }
0x9e: {  	[timem:s8], [sflag:s22] =	dma.local [hbm:s6], s20  }
0x9f: {  	_ =	swait.ge [sflag:s22], s20  }
0xa0: {  	s5 =	ssub.s32 $0x0, s20;
	[sflag:s22] =	ssyncset.done $0x0  }
0xa1: {  	[sflag:s22] =	ssyncadd.s32 s5;
	_ =	sdelay $0x1  }
0xa2: {  	s23 =	simm.s32 $0x1B8B  }
0xa3: {  	_ =	swait.ge [sflag:s23], $0x1  }
0xa4: {  	[sflag:s23] =	ssyncset.done $0x0  }
0xa5: {  	s25 =	simm.s32 $0x1B8E;
	s24 =	sld [smem:$0x3FFE];
	[sflag:s23] =	ssyncadd.s32 $0xFFFFFFFF  }
0xa6: {  	s26 =	simm.s32 $execute0_lowered;
	[smem:$0x3FD2] =	sst s25  }
0xa7: {  	s6 =	sshll.u32 s26, $0x1;
	_ =	strace $0x80000049;
	[dreg:$0x1] =	wrdreg $0xFFFFFFFF  }
0xa8: {  	s28 =	simm.s32 $_size_execute0_lowered;
	s4 =	sadd.s32 s4, s6;
	[dreg:$0x0] =	wrdreg $0x0  }
0xa9: {  	s6 =	sshll.u32 s28, $0x1;
	[dreg:$0x2] =	wrdreg s4  }
0xaa: {  	[dreg:$0x3] =	wrdreg s6  }
0xab: {  	[dreg:$0x4] =	wrdreg $0xC0  }
0xac: {  	_ =	task [dreg:s8], $0x5FFFF  }
0xad: {  	[dreg:$0x1] =	wrdreg $0xFFFFFFFF  }
0xae: {  	[dreg:$0x0] =	wrdreg $0x60  }
0xaf: {  	[dreg:$0x2] =	wrdreg s24  }
0xb0: {  	[dreg:$0x3] =	wrdreg s18  }
0xb1: {  	[dreg:$0x4] =	wrdreg s2  }
0xb2: {  	[dreg:$0x5] =	wrdreg $0x9  }
0xb3: {  	_ =	task.clear_ibuf [dreg:s8], $0x6FFFF;
	_ =	strace $0x90000049  }
0xb4: {  	s29 =	simm.s32 $0x9;
	_ =	strace $0x8000004B  }
0xb5: {  	_ =	swait.ge [sflag:s29], $0x1  }
0xb6: {  	[sflag:s29] =	ssyncadd.s32 $0xFFFFFFFF  }
0xb7: {  	_ =	strace $0x9000004B  }
0xb8: {  	_ =	sfence  }
0xb9: {  	s30 =	sld [smem:$0x0];
	_ =	sdelay $0x2  }
0xba: {  	s31 =	sshll.u32 s1, $0xD;
	s1 =	sshrl.u32 s1, $0x2  }
0xbb: {  	s3 =	sand.u32 $0x4000, s31;
	s1 =	sadd.s32 s1, s30  }
0xbc: {  	s0 =	sor.u32 s3, s0;
	s1 =	sshll.u32 s1, $0x11  }
0xbd: {  	s0 =	sor.u32 s1, s0  }
0xbe: {  	s0 =	sadd.s32 $0x8F2B, s0  }
0xbf: {  	[sflag:s0] =	ssyncadd.remote.s32 $0x1  }
0xc0: {  	_ =	sfence.sel $0xFFFF  }
0xc1: {  	[dreg:$0x0] =	wrdreg $0xFFFFFFFF;
	(pc) =	sbr.abs _section_cstart, $3  }
0xc2: {  	[dreg:$0x1] =	wrdreg $0xFFFFFFFF  }
0xc3: {  	_ =	task.clear_ibuf [dreg:s8], $0x2FFFF;
	_ =	strace $0x9FFFFFFF  }
0xc4: {  	(tm) =	ssettm $0x7FFFFFFF  }
0xc5: {  	_ =	shalt  }
tec
execute0_lowered:
.L_overlay_start_1:
0x0: {  	(tag) =	ssettag $0x1  }
0x1: {  	s1 =	srdreg.scid;
	s6 =	rddreg [dreg:$0x0]  }
0x2: {  	s0 =	stileid.u32;
	s8 =	rddreg [dreg:$0x1]  }
0x3: {  	s2 =	rddreg [dreg:$0x2];
	s3 =	simm.s32 $0x0;
	s13 =	simm.s32 $0x10B80  }
0x4: {  	s14 =	simm.s32 $0x159A0;
	s15 =	simm.s32 $0x1F80;
	s16 =	simm.s32 $0x3F00  }
0x5: {  	s17 =	simm.s32 $0x2;
	s18 =	simm.s32 $0x5E80;
	s19 =	simm.s32 $0x7E00  }
0x6: {  	s20 =	simm.s32 $0x9D80;
	s21 =	simm.s32 $0x1;
	s22 =	simm.s32 $0x3  }
0x7: {  	s23 =	simm.s32 $0x0;
	s4 =	sand.u32 $0x1, s1;
	s30 =	sshll.u32 s0, $0x1  }
0x8: {  	[smem:$0x7FF] =	sst s3;
	s12 =	sadd.s32 $0x29000, s6;
	s1 =	sor.u32 s4, s30  }
0x9: {  	s10 =	ssub.s32 $0x2, s4;
	s4 =	sadd.s32 $0x1A00, s6;
	s5 =	smul.u32 $0x4E20, s1  }
0xa: {  	s1 =	rddreg [dreg:$0x3];
	_ =	strace $0x8000004A;
	s11 =	sshrl.u32 s10, $0x1  }
0xb: {  	s11 =	ssub.s32 s10, s11;
	s9 =	sshrl.u32 s5, $0x3;
	s5 =	sadd.s32 $0xB800, s6  }
0xc: {  	s11 =	smax.u32 s11, $0x1;
	s7 =	sadd.s32 s9, s6;
	s31 =	sadd.s32 $0x13880, s9  }
0xd: {  	s6 =	sadd.s32 $0x15600, s7;
	s7 =	sadd.s32 s8, s9;
	s8 =	sadd.s32 s8, s31  }
0xe: {  	s9 =	sadd.s32 s12, s9;
	s10 =	sadd.s32 s12, s31;
	s12 =	simm.s32 $0xBD00  }
.LBB2_1:
0xf: {  	[tilespmem:s12], [sflag:$0x2] =	stream.linear.gather [hbm4b:s6+s3], $0x4E20, $0x38;
	[tilespmem:$0x1A800] =	vst v63  }
0x10: {  	_ = 	snop  }
0x11: {  	[tilespmem:s13], [sflag:$0x2] =	stream.linear.gather [hbm4b:s7+s3], $0x4E20, $0x38;
	[tilespmem:$0x1A800] =	vst v63  }
0x12: {  	_ = 	snop  }
0x13: {  	[tilespmem:s14], [sflag:$0x2] =	stream.linear.gather [hbm4b:s8+s3], $0x4E20, $0x38;
	[tilespmem:$0x1A800] =	vst v63  }
0x14: {  	_ = 	snop  }
0x15: {  	[tilespmem:s3], [sflag:$0x1] =	stream.linear.gather [hbm4b:s4+s3], $0x1F40, $0x38;
	[tilespmem:$0x1A800] =	vst v63  }
0x16: {  	_ = 	snop  }
0x17: {  	[tilespmem:s15], [sflag:$0x1] =	stream.linear.gather [hbm4b:s5+s3], $0x1F40, $0x38;
	[tilespmem:$0x1A800] =	vst v63  }
0x18: {  	_ = 	snop  }
0x19: {  	[tilespmem:s16], [sflag:$0x1] =	stream.linear.gather [hbm4b:s2+s3], $0x1F40, $0x38;
	[tilespmem:$0x1A800] =	vst v63  }
0x1a: {  	_ =	swait.ge [sflag:s17], $0x4E20  }
0x1b: {  	[sflag:s17] =	ssyncset.done $0x0  }
0x1c: {  	[sflag:s17] =	ssyncadd.s32 $0xFFFFB1E0  }
0x1d: {  	_ =	swait.ge [sflag:s17], $0x4E20  }
0x1e: {  	[sflag:s17] =	ssyncset.done $0x0  }
0x1f: {  	[sflag:s17] =	ssyncadd.s32 $0xFFFFB1E0  }
0x20: {  	_ =	swait.ge [sflag:s17], $0x4E20  }
0x21: {  	[sflag:s17] =	ssyncset.done $0x0  }
0x22: {  	s24 =	simm.s32 $0x0;
	[sflag:s17] =	ssyncadd.s32 $0xFFFFB1E0  }
.LBB2_2:
0x23: {  	s25 =	smul.u32 $0x3E80, s24;
	_ =	sdelay $0x1  }
0x24: {  	s26 =	sshrl.u32 s25, $0x3  }
0x25: {  	s26 =	sadd.s32 $0x3E8, s26  }
0x26: {  	s29 =	simm.s32 $0x0;
	s28 =	sadd.s32 s4, s26  }
0x27: {  	[tilespmem:s18], [sflag:$0x2] =	stream.linear.gather [hbm4b:s28+s29], $0x1F40, $0x38;
	[tilespmem:$0x1A800] =	vst v63  }
0x28: {  	s30 =	sadd.s32 s5, s26  }
0x29: {  	[tilespmem:s19], [sflag:$0x2] =	stream.linear.gather [hbm4b:s30+s29], $0x1F40, $0x38;
	[tilespmem:$0x1A800] =	vst v63  }
0x2a: {  	s26 =	sadd.s32 s2, s26  }
0x2b: {  	[tilespmem:s20], [sflag:$0x2] =	stream.linear.gather [hbm4b:s26+s29], $0x1F40, $0x38;
	[tilespmem:$0x1A800] =	vst v63  }
0x2c: {  	_ =	swait.ge [sflag:s21], $0x1F40  }
0x2d: {  	[sflag:s21] =	ssyncset.done $0x0  }
0x2e: {  	[sflag:s21] =	ssyncadd.s32 $0xFFFFE0C0  }
0x2f: {  	_ =	swait.ge [sflag:s21], $0x1F40  }
0x30: {  	[sflag:s21] =	ssyncset.done $0x0  }
0x31: {  	[sflag:s21] =	ssyncadd.s32 $0xFFFFE0C0  }
0x32: {  	_ =	swait.ge [sflag:s21], $0x1F40  }
0x33: {  	[sflag:s21] =	ssyncset.done $0x0  }
0x34: {  	s31 =	simm.s32 $0x0;
	[sflag:s21] =	ssyncadd.s32 $0xFFFFE0C0  }
0x35: {  	v0 =	vld [tilespmem:s31+$0x3F40]  }
0x36: {  	v1 =	vld [tilespmem:s31+$0x1F80]  }
0x37: {  	v2 =	vld [tilespmem:s31+$0x20]  }
0x38: {  	v3 =	vld [tilespmem:s31+$0x30]  }
0x39: {  	v4 =	vld [tilespmem:s31+$0x10]  }
0x3a: {  	v5 =	vld [tilespmem:s31+$0x40]  }
0x3b: {  	v6 =	vld [tilespmem:s31+$0x3F20]  }
0x3c: {  	v7 =	vld [tilespmem:s31+$0x3F10]  }
0x3d: {  	v8 =	vld [tilespmem:s31+$0x0]  }
0x3e: {  	v9 =	vld [tilespmem:s31+$0x3F00]  }
0x3f: {  	v10 =	vld [tilespmem:s31+$0x1FB0]  }
0x40: {  	v11 =	vld [tilespmem:s31+$0x1F90]  }
0x41: {  	v12 =	vld [tilespmem:s31+$0x3F30]  }
0x42: {  	v13 =	vld [tilespmem:s31+$0x1FC0]  }
0x43: {  	v15 =	vld [tilespmem:s31+$0x1FA0];
	v14 =	vadd.s32 $0x2710, v8  }
0x44: {  	v16 =	vld.idx.msk [tilespmem:v2+s12+$0x0], $0xffff  }
0x45: {  	v17 =	vadd.s32 $0x2710, v3;
	v8 =	vld.idx.msk [tilespmem:v8+s12+$0x0], $0xffff  }
0x46: {  	v18 =	vadd.s32 $0x2710, v4;
	v3 =	vld.idx.msk [tilespmem:v3+s12+$0x0], $0xffff  }
0x47: {  	v19 =	vadd.s32 $0x2710, v5;
	v5 =	vld.idx.msk [tilespmem:v5+s12+$0x0], $0xffff  }
0x48: {  	v2 =	vadd.s32 $0x2710, v2;
	v14 =	vld.idx.msk [tilespmem:v14+s12+$0x0], $0xffff  }
0x49: {  	v4 =	vld.idx.msk [tilespmem:v4+s12+$0x0], $0xffff  }
0x4a: {  	v20 =	vadd.s32 $0x4E20, v1;
	v17 =	vld.idx.msk [tilespmem:v17+s12+$0x0], $0xffff  }
0x4b: {  	v21 =	vadd.s32 $0x2710, v1;
	v18 =	vld.idx.msk [tilespmem:v18+s12+$0x0], $0xffff;
	v22 =	vshll.u32 v8, $0x10  }
0x4c: {  	v23 =	vadd.s32 $0x7530, v1;
	v19 =	vld.idx.msk [tilespmem:v19+s12+$0x0], $0xffff;
	v8 =	vand.u32 $0xFFFF0000, v8;
	v22 =	vmul.f32 v22, v9  }
0x4d: {  	v2 =	vld.idx.msk [tilespmem:v2+s12+$0x0], $0xffff;
	v8 =	vmul.f32 v8, v9;
	v24 =	vshll.u32 v14, $0x10  }
0x4e: {  	v25 =	vadd.s32 $0x4E20, v11;
	v14 =	vand.u32 $0xFFFF0000, v14;
	[tilespmem:v1+s13+$0x0] =	vst.idx.add.f32.msk $0xffff, v22;
	v1 =	vmul.f32 v24, v9  }
0x4f: {  	v42 =	vadd.s32 $0x2710, v11;
	v43 =	vshll.u32 v4, $0x10;
	v9 =	vmul.f32 v14, v9;
	[tilespmem:v20+s13+$0x0] =	vst.idx.add.f32.msk $0xffff, v8  }
0x50: {  	v44 =	vadd.s32 $0x7530, v11;
	v4 =	vand.u32 $0xFFFF0000, v4;
	[tilespmem:v21+s13+$0x0] =	vst.idx.add.f32.msk $0xffff, v1;
	v1 =	vmul.f32 v43, v7  }
0x51: {  	v4 =	vmul.f32 v4, v7;
	v45 =	vshll.u32 v18, $0x10;
	[tilespmem:v23+s13+$0x0] =	vst.idx.add.f32.msk $0xffff, v9  }
0x52: {  	v46 =	vadd.s32 $0x4E20, v15;
	v18 =	vand.u32 $0xFFFF0000, v18;
	[tilespmem:v11+s13+$0x0] =	vst.idx.add.f32.msk $0xffff, v1;
	v1 =	vmul.f32 v45, v7  }
0x53: {  	v47 =	vadd.s32 $0x2710, v15;
	v48 =	vshll.u32 v16, $0x10;
	v49 =	vmul.f32 v18, v7;
	[tilespmem:v25+s13+$0x0] =	vst.idx.add.f32.msk $0xffff, v4  }
0x54: {  	v50 =	vadd.s32 $0x7530, v15;
	v11 =	vmul.f32 v48, v6;
	[tilespmem:v42+s13+$0x0] =	vst.idx.add.f32.msk $0xffff, v1;
	v1 =	vand.u32 $0xFFFF0000, v16  }
0x55: {  	v51 =	vshll.u32 v2, $0x10;
	[tilespmem:v44+s13+$0x0] =	vst.idx.add.f32.msk $0xffff, v49;
	v1 =	vmul.f32 v1, v6  }
0x56: {  	v52 =	vadd.s32 $0x4E20, v10;
	v2 =	vand.u32 $0xFFFF0000, v2;
	v53 =	vmul.f32 v51, v6;
	[tilespmem:v15+s13+$0x0] =	vst.idx.add.f32.msk $0xffff, v11  }
0x57: {  	v54 =	vshll.u32 v3, $0x10;
	v2 =	vmul.f32 v2, v6;
	[tilespmem:v46+s13+$0x0] =	vst.idx.add.f32.msk $0xffff, v1;
	v1 =	vadd.s32 $0x2710, v10  }
0x58: {  	v3 =	vand.u32 $0xFFFF0000, v3;
	v55 =	vmul.f32 v54, v12;
	[tilespmem:v47+s13+$0x0] =	vst.idx.add.f32.msk $0xffff, v53  }
0x59: {  	v56 =	vadd.s32 $0x7530, v10;
	v3 =	vmul.f32 v3, v12;
	[tilespmem:v50+s13+$0x0] =	vst.idx.add.f32.msk $0xffff, v2;
	v2 =	vshll.u32 v17, $0x10  }
0x5a: {  	v58 =	vadd.s32 $0x4E20, v13;
	[tilespmem:v10+s13+$0x0] =	vst.idx.add.f32.msk $0xffff, v55;
	v2 =	vmul.f32 v2, v12  }
0x5b: {  	v59 =	vshll.u32 v5, $0x10;
	v60 =	vand.u32 $0xFFFF0000, v5;
	v57 =	vand.u32 $0xFFFF0000, v17;
	[tilespmem:v52+s13+$0x0] =	vst.idx.add.f32.msk $0xffff, v3  }
0x5c: {  	v7 =	vmul.f32 v57, v12;
	v3 =	vadd.s32 $0x2710, v13;
	[tilespmem:v1+s13+$0x0] =	vst.idx.add.f32.msk $0xffff, v2;
	v1 =	vshll.u32 v19, $0x10  }
0x5d: {  	v61 =	vmul.f32 v59, v0;
	v62 =	vmul.f32 v1, v0;
	v1 =	vadd.s32 $0x7530, v13  }
0x5e: {  	v2 =	vmul.f32 v60, v0;
	[tilespmem:v56+s13+$0x0] =	vst.idx.add.f32.msk $0xffff, v7  }
0x5f: {  	v63 =	vand.u32 $0xFFFF0000, v19;
	[tilespmem:v13+s13+$0x0] =	vst.idx.add.f32.msk $0xffff, v61  }
0x60: {  	v0 =	vmul.f32 v63, v0;
	[tilespmem:v58+s13+$0x0] =	vst.idx.add.f32.msk $0xffff, v2  }
0x61: {  	s26 =	simm.s32 $0x140;
	[tilespmem:v3+s13+$0x0] =	vst.idx.add.f32.msk $0xffff, v62  }
.LBB2_3:
0x62: {  	s28 =	sshra.s32 s26, $0x2;
	p0 =	sne.s32 s26, $0x7BC0;
	s26 =	sadd.s32 $0x140, s26;
	[tilespmem:v1+s13+$0x0] =	vst.idx.add.f32.msk $0xffff, v0  }
0x63: {  	v0 =	vld [tilespmem:s28+$0x3F40]  }
0x64: {  	v1 =	vld [tilespmem:s28+$0x1F80]  }
0x65: {  	v2 =	vld [tilespmem:s28+$0x20]  }
0x66: {  	v3 =	vld [tilespmem:s28+$0x30]  }
0x67: {  	v4 =	vld [tilespmem:s28+$0x10]  }
0x68: {  	v5 =	vld [tilespmem:s28+$0x40]  }
0x69: {  	v6 =	vld [tilespmem:s28+$0x3F20]  }
0x6a: {  	v7 =	vld [tilespmem:s28+$0x3F10]  }
0x6b: {  	v8 =	vld [tilespmem:s28+$0x0]  }
0x6c: {  	v9 =	vld [tilespmem:s28+$0x3F00];
	v10 =	vadd.s32 $0x2710, v4  }
0x6d: {  	v12 =	vadd.s32 $0x2710, v3;
	v11 =	vld [tilespmem:s28+$0x1FB0]  }
0x6e: {  	v14 =	vadd.s32 $0x2710, v2;
	v13 =	vld [tilespmem:s28+$0x1F90]  }
0x6f: {  	v15 =	vld [tilespmem:s28+$0x3F30]  }
0x70: {  	v19 =	vadd.s32 $0x4E20, v1;
	v18 =	vadd.s32 $0x2710, v5;
	v16 =	vld [tilespmem:s28+$0x1FC0];
	v17 =	vadd.s32 $0x2710, v8  }
0x71: {  	v21 =	vadd.s32 $0x2710, v1;
	v20 =	vld [tilespmem:s28+$0x1FA0]  }
0x72: {  	v22 =	vadd.s32 $0x7530, v1;
	v2 =	vld.idx.msk [tilespmem:v2+s12+$0x0], $0xffff  }
0x73: {  	v8 =	vld.idx.msk [tilespmem:v8+s12+$0x0], $0xffff  }
0x74: {  	v3 =	vld.idx.msk [tilespmem:v3+s12+$0x0], $0xffff  }
0x75: {  	v17 =	vld.idx.msk [tilespmem:v17+s12+$0x0], $0xffff  }
0x76: {  	v5 =	vld.idx.msk [tilespmem:v5+s12+$0x0], $0xffff  }
0x77: {  	v25 =	vadd.s32 $0x4E20, v11;
	v23 =	vadd.s32 $0x2710, v20;
	v24 =	vadd.s32 $0x7530, v20;
	v4 =	vld.idx.msk [tilespmem:v4+s12+$0x0], $0xffff  }
0x78: {  	v26 =	vadd.s32 $0x4E20, v13;
	v28 =	vadd.s32 $0x4E20, v20;
	v27 =	vshll.u32 v2, $0x10;
	v12 =	vld.idx.msk [tilespmem:v12+s12+$0x0], $0xffff  }
0x79: {  	v30 =	vadd.s32 $0x2710, v13;
	v29 =	vshll.u32 v8, $0x10;
	v8 =	vand.u32 $0xFFFF0000, v8;
	v10 =	vld.idx.msk [tilespmem:v10+s12+$0x0], $0xffff  }
0x7a: {  	v31 =	vadd.s32 $0x7530, v13;
	v29 =	vmul.f32 v29, v9;
	v8 =	vmul.f32 v8, v9;
	v14 =	vld.idx.msk [tilespmem:v14+s12+$0x0], $0xffff  }
0x7b: {  	v27 =	vmul.f32 v27, v6;
	v32 =	vshll.u32 v17, $0x10;
	v17 =	vand.u32 $0xFFFF0000, v17;
	v18 =	vld.idx.msk [tilespmem:v18+s12+$0x0], $0xffff  }
0x7c: {  	[tilespmem:v1+s13+$0x0] =	vst.idx.add.f32.msk $0xffff, v29;
	v1 =	vmul.f32 v32, v9;
	v9 =	vmul.f32 v17, v9;
	v17 =	vshll.u32 v3, $0x10  }
0x7d: {  	[tilespmem:v19+s13+$0x0] =	vst.idx.add.f32.msk $0xffff, v8;
	v8 =	vshll.u32 v4, $0x10;
	v4 =	vand.u32 $0xFFFF0000, v4;
	v17 =	vmul.f32 v17, v15  }
0x7e: {  	[tilespmem:v21+s13+$0x0] =	vst.idx.add.f32.msk $0xffff, v1;
	v1 =	vmul.f32 v8, v7;
	v4 =	vmul.f32 v4, v7;
	v8 =	vand.u32 $0xFFFF0000, v12  }
0x7f: {  	[tilespmem:v22+s13+$0x0] =	vst.idx.add.f32.msk $0xffff, v9;
	v9 =	vshll.u32 v10, $0x10;
	v10 =	vand.u32 $0xFFFF0000, v10;
	v8 =	vmul.f32 v8, v15  }
0x80: {  	[tilespmem:v13+s13+$0x0] =	vst.idx.add.f32.msk $0xffff, v1;
	v1 =	vmul.f32 v9, v7;
	v9 =	vshll.u32 v14, $0x10;
	v13 =	vand.u32 $0xFFFF0000, v14  }
0x81: {  	[tilespmem:v26+s13+$0x0] =	vst.idx.add.f32.msk $0xffff, v4;
	v4 =	vmul.f32 v10, v7;
	v7 =	vmul.f32 v9, v6;
	v9 =	vshll.u32 v18, $0x10  }
0x82: {  	[tilespmem:v30+s13+$0x0] =	vst.idx.add.f32.msk $0xffff, v1;
	v1 =	vand.u32 $0xFFFF0000, v2;
	v2 =	vmul.f32 v13, v6;
	v9 =	vmul.f32 v9, v0  }
0x83: {  	v3 =	vand.u32 $0xFFFF0000, v3;
	[tilespmem:v31+s13+$0x0] =	vst.idx.add.f32.msk $0xffff, v4;
	v1 =	vmul.f32 v1, v6;
	v4 =	vshll.u32 v5, $0x10  }
0x84: {  	v3 =	vmul.f32 v3, v15;
	v5 =	vand.u32 $0xFFFF0000, v5;
	[tilespmem:v20+s13+$0x0] =	vst.idx.add.f32.msk $0xffff, v27;
	v4 =	vmul.f32 v4, v0  }
0x85: {  	v5 =	vmul.f32 v5, v0;
	[tilespmem:v28+s13+$0x0] =	vst.idx.add.f32.msk $0xffff, v1;
	v1 =	vadd.s32 $0x2710, v11  }
0x86: {  	v6 =	vadd.s32 $0x7530, v11;
	[tilespmem:v23+s13+$0x0] =	vst.idx.add.f32.msk $0xffff, v7  }
0x87: {  	[tilespmem:v24+s13+$0x0] =	vst.idx.add.f32.msk $0xffff, v2;
	v2 =	vshll.u32 v12, $0x10  }
0x88: {  	v7 =	vadd.s32 $0x4E20, v16;
	[tilespmem:v11+s13+$0x0] =	vst.idx.add.f32.msk $0xffff, v17;
	v2 =	vmul.f32 v2, v15  }
0x89: {  	[tilespmem:v25+s13+$0x0] =	vst.idx.add.f32.msk $0xffff, v3;
	v3 =	vadd.s32 $0x2710, v16  }
.Ltmp0:
0x8a: {  	[tilespmem:v1+s13+$0x0] =	vst.idx.add.f32.msk $0xffff, v2;
	v1 =	vadd.s32 $0x7530, v16;
	(pc) =	sbr.rel @p0 .LBB2_3-.Ltmp0, $4  }
0x8b: {  	[tilespmem:v6+s13+$0x0] =	vst.idx.add.f32.msk $0xffff, v8  }
0x8c: {  	v2 =	vand.u32 $0xFFFF0000, v18;
	[tilespmem:v16+s13+$0x0] =	vst.idx.add.f32.msk $0xffff, v4  }
0x8d: {  	v0 =	vmul.f32 v2, v0;
	[tilespmem:v7+s13+$0x0] =	vst.idx.add.f32.msk $0xffff, v5  }
0x8e: {  	[tilespmem:v3+s13+$0x0] =	vst.idx.add.f32.msk $0xffff, v9  }
0x8f: {  	_ = 	snop  }
0x90: {  	p0 =	seq.s32 s24, $0x13  }
0x91: {  	s25 =	sshrl.u32 @!p0 s25, $0x3  }
0x92: {  	s25 =	sadd.s32 @!p0 $0x7D0, s25  }
0x93: {  	[tilespmem:v1+s13+$0x0] =	vst.idx.add.f32.msk $0xffff, v0;
	s28 =	simm.s32 @!p0 $0x0;
	s26 =	sadd.s32 @!p0 s4, s25  }
0x94: {  	[tilespmem:s28], [sflag:$0x1] =	stream.linear.gather @!p0 [hbm4b:s26+s28], $0x1F40, $0x38;
	[tilespmem:$0x1A800] =	vst v63  }
0x95: {  	s29 =	simm.s32 @!p0 $0x1F80;
	s26 =	sadd.s32 @!p0 s5, s25  }
0x96: {  	[tilespmem:s29], [sflag:$0x1] =	stream.linear.gather @!p0 [hbm4b:s26+s28], $0x1F40, $0x38;
	[tilespmem:$0x1A800] =	vst v63  }
0x97: {  	s25 =	sadd.s32 @!p0 s2, s25;
	s26 =	simm.s32 @!p0 $0x3F00  }
0x98: {  	[tilespmem:s26], [sflag:$0x1] =	stream.linear.gather @!p0 [hbm4b:s25+s28], $0x1F40, $0x38;
	[tilespmem:$0x1A800] =	vst v63  }
0x99: {  	_ =	swait.ge [sflag:s17], $0x1F40  }
0x9a: {  	[sflag:s17] =	ssyncset.done $0x0  }
0x9b: {  	[sflag:s17] =	ssyncadd.s32 $0xFFFFE0C0  }
0x9c: {  	_ =	swait.ge [sflag:s17], $0x1F40  }
0x9d: {  	[sflag:s17] =	ssyncset.done $0x0  }
0x9e: {  	[sflag:s17] =	ssyncadd.s32 $0xFFFFE0C0  }
0x9f: {  	_ =	swait.ge [sflag:s17], $0x1F40  }
0xa0: {  	[sflag:s17] =	ssyncset.done $0x0  }
0xa1: {  	s31 =	simm.s32 $0x0;
	[sflag:s17] =	ssyncadd.s32 $0xFFFFE0C0  }
0xa2: {  	v0 =	vld [tilespmem:s31+$0x9DC0]  }
0xa3: {  	v1 =	vld [tilespmem:s31+$0x7E00]  }
0xa4: {  	v2 =	vld [tilespmem:s31+$0x5EA0]  }
0xa5: {  	v3 =	vld [tilespmem:s31+$0x5EB0]  }
0xa6: {  	v4 =	vld [tilespmem:s31+$0x5E90]  }
0xa7: {  	v5 =	vld [tilespmem:s31+$0x5EC0]  }
0xa8: {  	v6 =	vld [tilespmem:s31+$0x9DA0]  }
0xa9: {  	v7 =	vld [tilespmem:s31+$0x9D90]  }
0xaa: {  	v8 =	vld [tilespmem:s31+$0x5E80]  }
0xab: {  	v9 =	vld [tilespmem:s31+$0x9D80]  }
0xac: {  	v10 =	vld [tilespmem:s31+$0x7E30]  }
0xad: {  	v11 =	vld [tilespmem:s31+$0x7E10]  }
0xae: {  	v12 =	vld [tilespmem:s31+$0x9DB0]  }
0xaf: {  	v13 =	vld [tilespmem:s31+$0x7E40]  }
0xb0: {  	v15 =	vld [tilespmem:s31+$0x7E20];
	v14 =	vadd.s32 $0x2710, v8  }
0xb1: {  	v16 =	vld.idx.msk [tilespmem:v2+s12+$0x0], $0xffff  }
0xb2: {  	v17 =	vadd.s32 $0x2710, v3;
	v8 =	vld.idx.msk [tilespmem:v8+s12+$0x0], $0xffff  }
0xb3: {  	v18 =	vadd.s32 $0x2710, v4;
	v3 =	vld.idx.msk [tilespmem:v3+s12+$0x0], $0xffff  }
0xb4: {  	v19 =	vadd.s32 $0x2710, v5;
	v5 =	vld.idx.msk [tilespmem:v5+s12+$0x0], $0xffff  }
0xb5: {  	v2 =	vadd.s32 $0x2710, v2;
	v14 =	vld.idx.msk [tilespmem:v14+s12+$0x0], $0xffff  }
0xb6: {  	v4 =	vld.idx.msk [tilespmem:v4+s12+$0x0], $0xffff  }
0xb7: {  	v20 =	vadd.s32 $0x4E20, v1;
	v17 =	vld.idx.msk [tilespmem:v17+s12+$0x0], $0xffff  }
0xb8: {  	v21 =	vadd.s32 $0x2710, v1;
	v18 =	vld.idx.msk [tilespmem:v18+s12+$0x0], $0xffff;
	v22 =	vshll.u32 v8, $0x10  }
0xb9: {  	v23 =	vadd.s32 $0x7530, v1;
	v19 =	vld.idx.msk [tilespmem:v19+s12+$0x0], $0xffff;
	v8 =	vand.u32 $0xFFFF0000, v8;
	v22 =	vmul.f32 v22, v9  }
0xba: {  	v2 =	vld.idx.msk [tilespmem:v2+s12+$0x0], $0xffff;
	v8 =	vmul.f32 v8, v9;
	v24 =	vshll.u32 v14, $0x10  }
0xbb: {  	v25 =	vadd.s32 $0x4E20, v11;
	v14 =	vand.u32 $0xFFFF0000, v14;
	[tilespmem:v1+s13+$0x0] =	vst.idx.add.f32.msk $0xffff, v22;
	v1 =	vmul.f32 v24, v9  }
0xbc: {  	v42 =	vadd.s32 $0x2710, v11;
	v43 =	vshll.u32 v4, $0x10;
	v9 =	vmul.f32 v14, v9;
	[tilespmem:v20+s13+$0x0] =	vst.idx.add.f32.msk $0xffff, v8  }
0xbd: {  	v44 =	vadd.s32 $0x7530, v11;
	v4 =	vand.u32 $0xFFFF0000, v4;
	[tilespmem:v21+s13+$0x0] =	vst.idx.add.f32.msk $0xffff, v1;
	v1 =	vmul.f32 v43, v7  }
0xbe: {  	v4 =	vmul.f32 v4, v7;
	v45 =	vshll.u32 v18, $0x10;
	[tilespmem:v23+s13+$0x0] =	vst.idx.add.f32.msk $0xffff, v9  }
0xbf: {  	v46 =	vadd.s32 $0x4E20, v15;
	v18 =	vand.u32 $0xFFFF0000, v18;
	[tilespmem:v11+s13+$0x0] =	vst.idx.add.f32.msk $0xffff, v1;
	v1 =	vmul.f32 v45, v7  }
0xc0: {  	v47 =	vadd.s32 $0x2710, v15;
	v48 =	vshll.u32 v16, $0x10;
	v49 =	vmul.f32 v18, v7;
	[tilespmem:v25+s13+$0x0] =	vst.idx.add.f32.msk $0xffff, v4  }
0xc1: {  	v50 =	vadd.s32 $0x7530, v15;
	v11 =	vmul.f32 v48, v6;
	[tilespmem:v42+s13+$0x0] =	vst.idx.add.f32.msk $0xffff, v1;
	v1 =	vand.u32 $0xFFFF0000, v16  }
0xc2: {  	v51 =	vshll.u32 v2, $0x10;
	[tilespmem:v44+s13+$0x0] =	vst.idx.add.f32.msk $0xffff, v49;
	v1 =	vmul.f32 v1, v6  }
0xc3: {  	v52 =	vadd.s32 $0x4E20, v10;
	v2 =	vand.u32 $0xFFFF0000, v2;
	v53 =	vmul.f32 v51, v6;
	[tilespmem:v15+s13+$0x0] =	vst.idx.add.f32.msk $0xffff, v11  }
0xc4: {  	v54 =	vshll.u32 v3, $0x10;
	v2 =	vmul.f32 v2, v6;
	[tilespmem:v46+s13+$0x0] =	vst.idx.add.f32.msk $0xffff, v1;
	v1 =	vadd.s32 $0x2710, v10  }
0xc5: {  	v3 =	vand.u32 $0xFFFF0000, v3;
	v55 =	vmul.f32 v54, v12;
	[tilespmem:v47+s13+$0x0] =	vst.idx.add.f32.msk $0xffff, v53  }
0xc6: {  	v56 =	vadd.s32 $0x7530, v10;
	v3 =	vmul.f32 v3, v12;
	[tilespmem:v50+s13+$0x0] =	vst.idx.add.f32.msk $0xffff, v2;
	v2 =	vshll.u32 v17, $0x10  }
0xc7: {  	v58 =	vadd.s32 $0x4E20, v13;
	[tilespmem:v10+s13+$0x0] =	vst.idx.add.f32.msk $0xffff, v55;
	v2 =	vmul.f32 v2, v12  }
0xc8: {  	v59 =	vshll.u32 v5, $0x10;
	v60 =	vand.u32 $0xFFFF0000, v5;
	v57 =	vand.u32 $0xFFFF0000, v17;
	[tilespmem:v52+s13+$0x0] =	vst.idx.add.f32.msk $0xffff, v3  }
0xc9: {  	v7 =	vmul.f32 v57, v12;
	v3 =	vadd.s32 $0x2710, v13;
	[tilespmem:v1+s13+$0x0] =	vst.idx.add.f32.msk $0xffff, v2;
	v1 =	vshll.u32 v19, $0x10  }
0xca: {  	v61 =	vmul.f32 v59, v0;
	v62 =	vmul.f32 v1, v0;
	v1 =	vadd.s32 $0x7530, v13  }
0xcb: {  	v2 =	vmul.f32 v60, v0;
	[tilespmem:v56+s13+$0x0] =	vst.idx.add.f32.msk $0xffff, v7  }
0xcc: {  	v63 =	vand.u32 $0xFFFF0000, v19;
	[tilespmem:v13+s13+$0x0] =	vst.idx.add.f32.msk $0xffff, v61  }
0xcd: {  	v0 =	vmul.f32 v63, v0;
	[tilespmem:v58+s13+$0x0] =	vst.idx.add.f32.msk $0xffff, v2  }
0xce: {  	s25 =	simm.s32 $0x140;
	[tilespmem:v3+s13+$0x0] =	vst.idx.add.f32.msk $0xffff, v62  }
.LBB2_5:
0xcf: {  	s26 =	sshra.s32 s25, $0x2;
	p0 =	sne.s32 s25, $0x7BC0;
	s25 =	sadd.s32 $0x140, s25;
	[tilespmem:v1+s13+$0x0] =	vst.idx.add.f32.msk $0xffff, v0  }
0xd0: {  	v0 =	vld [tilespmem:s26+$0x9DC0]  }
0xd1: {  	v1 =	vld [tilespmem:s26+$0x7E00]  }
0xd2: {  	v2 =	vld [tilespmem:s26+$0x5EA0]  }
0xd3: {  	v3 =	vld [tilespmem:s26+$0x5EB0]  }
0xd4: {  	v4 =	vld [tilespmem:s26+$0x5E90]  }
0xd5: {  	v5 =	vld [tilespmem:s26+$0x5EC0]  }
0xd6: {  	v6 =	vld [tilespmem:s26+$0x9DA0]  }
0xd7: {  	v7 =	vld [tilespmem:s26+$0x9D90]  }
0xd8: {  	v8 =	vld [tilespmem:s26+$0x5E80]  }
0xd9: {  	v9 =	vld [tilespmem:s26+$0x9D80];
	v10 =	vadd.s32 $0x2710, v4  }
0xda: {  	v12 =	vadd.s32 $0x2710, v3;
	v11 =	vld [tilespmem:s26+$0x7E30]  }
0xdb: {  	v14 =	vadd.s32 $0x2710, v2;
	v13 =	vld [tilespmem:s26+$0x7E10]  }
0xdc: {  	v15 =	vld [tilespmem:s26+$0x9DB0]  }
0xdd: {  	v19 =	vadd.s32 $0x4E20, v1;
	v18 =	vadd.s32 $0x2710, v5;
	v16 =	vld [tilespmem:s26+$0x7E40];
	v17 =	vadd.s32 $0x2710, v8  }
0xde: {  	v21 =	vadd.s32 $0x2710, v1;
	v20 =	vld [tilespmem:s26+$0x7E20]  }
0xdf: {  	v22 =	vadd.s32 $0x7530, v1;
	v2 =	vld.idx.msk [tilespmem:v2+s12+$0x0], $0xffff  }
0xe0: {  	v8 =	vld.idx.msk [tilespmem:v8+s12+$0x0], $0xffff  }
0xe1: {  	v3 =	vld.idx.msk [tilespmem:v3+s12+$0x0], $0xffff  }
0xe2: {  	v17 =	vld.idx.msk [tilespmem:v17+s12+$0x0], $0xffff  }
0xe3: {  	v5 =	vld.idx.msk [tilespmem:v5+s12+$0x0], $0xffff  }
0xe4: {  	v25 =	vadd.s32 $0x4E20, v11;
	v23 =	vadd.s32 $0x2710, v20;
	v24 =	vadd.s32 $0x7530, v20;
	v4 =	vld.idx.msk [tilespmem:v4+s12+$0x0], $0xffff  }
0xe5: {  	v26 =	vadd.s32 $0x4E20, v13;
	v28 =	vadd.s32 $0x4E20, v20;
	v27 =	vshll.u32 v2, $0x10;
	v12 =	vld.idx.msk [tilespmem:v12+s12+$0x0], $0xffff  }
0xe6: {  	v30 =	vadd.s32 $0x2710, v13;
	v29 =	vshll.u32 v8, $0x10;
	v8 =	vand.u32 $0xFFFF0000, v8;
	v10 =	vld.idx.msk [tilespmem:v10+s12+$0x0], $0xffff  }
0xe7: {  	v31 =	vadd.s32 $0x7530, v13;
	v29 =	vmul.f32 v29, v9;
	v8 =	vmul.f32 v8, v9;
	v14 =	vld.idx.msk [tilespmem:v14+s12+$0x0], $0xffff  }
0xe8: {  	v27 =	vmul.f32 v27, v6;
	v32 =	vshll.u32 v17, $0x10;
	v17 =	vand.u32 $0xFFFF0000, v17;
	v18 =	vld.idx.msk [tilespmem:v18+s12+$0x0], $0xffff  }
0xe9: {  	[tilespmem:v1+s13+$0x0] =	vst.idx.add.f32.msk $0xffff, v29;
	v1 =	vmul.f32 v32, v9;
	v9 =	vmul.f32 v17, v9;
	v17 =	vshll.u32 v3, $0x10  }
0xea: {  	[tilespmem:v19+s13+$0x0] =	vst.idx.add.f32.msk $0xffff, v8;
	v8 =	vshll.u32 v4, $0x10;
	v4 =	vand.u32 $0xFFFF0000, v4;
	v17 =	vmul.f32 v17, v15  }
0xeb: {  	[tilespmem:v21+s13+$0x0] =	vst.idx.add.f32.msk $0xffff, v1;
	v1 =	vmul.f32 v8, v7;
	v4 =	vmul.f32 v4, v7;
	v8 =	vand.u32 $0xFFFF0000, v12  }
0xec: {  	[tilespmem:v22+s13+$0x0] =	vst.idx.add.f32.msk $0xffff, v9;
	v9 =	vshll.u32 v10, $0x10;
	v10 =	vand.u32 $0xFFFF0000, v10;
	v8 =	vmul.f32 v8, v15  }
0xed: {  	[tilespmem:v13+s13+$0x0] =	vst.idx.add.f32.msk $0xffff, v1;
	v1 =	vmul.f32 v9, v7;
	v9 =	vshll.u32 v14, $0x10;
	v13 =	vand.u32 $0xFFFF0000, v14  }
0xee: {  	[tilespmem:v26+s13+$0x0] =	vst.idx.add.f32.msk $0xffff, v4;
	v4 =	vmul.f32 v10, v7;
	v7 =	vmul.f32 v9, v6;
	v9 =	vshll.u32 v18, $0x10  }
0xef: {  	[tilespmem:v30+s13+$0x0] =	vst.idx.add.f32.msk $0xffff, v1;
	v1 =	vand.u32 $0xFFFF0000, v2;
	v2 =	vmul.f32 v13, v6;
	v9 =	vmul.f32 v9, v0  }
0xf0: {  	v3 =	vand.u32 $0xFFFF0000, v3;
	[tilespmem:v31+s13+$0x0] =	vst.idx.add.f32.msk $0xffff, v4;
	v1 =	vmul.f32 v1, v6;
	v4 =	vshll.u32 v5, $0x10  }
0xf1: {  	v3 =	vmul.f32 v3, v15;
	v5 =	vand.u32 $0xFFFF0000, v5;
	[tilespmem:v20+s13+$0x0] =	vst.idx.add.f32.msk $0xffff, v27;
	v4 =	vmul.f32 v4, v0  }
0xf2: {  	v5 =	vmul.f32 v5, v0;
	[tilespmem:v28+s13+$0x0] =	vst.idx.add.f32.msk $0xffff, v1;
	v1 =	vadd.s32 $0x2710, v11  }
0xf3: {  	v6 =	vadd.s32 $0x7530, v11;
	[tilespmem:v23+s13+$0x0] =	vst.idx.add.f32.msk $0xffff, v7  }
0xf4: {  	[tilespmem:v24+s13+$0x0] =	vst.idx.add.f32.msk $0xffff, v2;
	v2 =	vshll.u32 v12, $0x10  }
0xf5: {  	v7 =	vadd.s32 $0x4E20, v16;
	[tilespmem:v11+s13+$0x0] =	vst.idx.add.f32.msk $0xffff, v17;
	v2 =	vmul.f32 v2, v15  }
0xf6: {  	[tilespmem:v25+s13+$0x0] =	vst.idx.add.f32.msk $0xffff, v3;
	v3 =	vadd.s32 $0x2710, v16  }
.Ltmp1:
0xf7: {  	[tilespmem:v1+s13+$0x0] =	vst.idx.add.f32.msk $0xffff, v2;
	v1 =	vadd.s32 $0x7530, v16;
	(pc) =	sbr.rel @p0 .LBB2_5-.Ltmp1, $4  }
0xf8: {  	[tilespmem:v6+s13+$0x0] =	vst.idx.add.f32.msk $0xffff, v8  }
0xf9: {  	v2 =	vand.u32 $0xFFFF0000, v18;
	[tilespmem:v16+s13+$0x0] =	vst.idx.add.f32.msk $0xffff, v4  }
0xfa: {  	v0 =	vmul.f32 v2, v0;
	[tilespmem:v7+s13+$0x0] =	vst.idx.add.f32.msk $0xffff, v5  }
0xfb: {  	[tilespmem:v3+s13+$0x0] =	vst.idx.add.f32.msk $0xffff, v9  }
0xfc: {  	s24 =	sadd.s32 $0x1, s24  }
0xfd: {  	p0 =	sne.s32 s24, $0x14  }
.Ltmp2:
0xfe: {  	_ = 	snop;
	(pc) =	sbr.rel @p0 .LBB2_2-.Ltmp2, $2  }
0xff: {  	_ =	sdelay $0x2  }
0x100: {  	[tilespmem:v1+s13+$0x0] =	vst.idx.add.f32.msk $0xffff, v0  }
0x101: {  	[hbm4b:s9+s3] =	stream.linear.scatter [tilespmem:s13], [sflag:$0x3], $0x4E20, $0x38;
	[tilespmem:$0x1A800] =	vst v63  }
0x102: {  	s23 =	sadd.s32 $0x1, s23;
	_ =	swait.ge [sflag:s22], $0x4E20  }
0x103: {  	p0 =	sne.s32 s23, s11;
	[sflag:s22] =	ssyncset.done $0x0  }
.Ltmp3:
0x104: {  	[sflag:s22] =	ssyncadd.s32 $0xFFFFB1E0;
	(pc) =	sbr.rel @p0 .LBB2_1-.Ltmp3, $4  }
0x105: {  	[hbm4b:s10+s3] =	stream.linear.scatter [tilespmem:s14], [sflag:$0x3], $0x4E20, $0x38;
	[tilespmem:$0x1A800] =	vst v63  }
0x106: {  	_ =	swait.ge [sflag:s22], $0x4E20  }
0x107: {  	[sflag:s22] =	ssyncset.done $0x0  }
0x108: {  	[sflag:s22] =	ssyncadd.s32 $0xFFFFB1E0  }
0x109: {  	_ =	sfence.sel $0x180000  }
0x10a: {  	[bflag:$0x0] =	sbarrier.arrive $0xFFFF  }
0x10b: {  	p0 =	sne.s32 s0, $0x0;
	_ =	strace $0x9000004A  }
0x10c: {  	s0 =	sadd.s32 @!p0 $0x100000, s1;
	[bflag:$0x2] =	sbarrier.arrive $0xFFFF  }
0x10d: {  	[sflag:s0] =	ssyncadd.tile.s32 @!p0 $0x1;
	_ =	shalt  }
.Lfunc_end2:
_tile_overlayer_lowered:
.L_overlay_start_2:
0x10e: {  	(tag) =	ssettag $0x2  }
0x10f: {  	s0 =	rddreg [dreg:$0x0];
	s2 =	stileid.u32  }
0x110: {  	s1 =	rddreg [dreg:$0x1];
	p0 =	sne.s32 s2, $0x0  }
0x111: {  	s3 =	rddreg [dreg:$0x2];
	[bflag:$0x3] =	sbarrier.arrive $0xFFFF;
	s2 =	simm.s32 @!p0 $0x1C03  }
0x112: {  	[timem:s3], [sflag:s2] =	dma.local @!p0 [hbm:s0], s1  }
0x113: {  	s0 =	simm.s32 @!p0 $0x3  }
0x114: {  	_ =	swait.ge @!p0 [sflag:s0], s1  }
0x115: {  	s1 =	ssub.s32 @!p0 $0x0, s1;
	[sflag:s0] =	ssyncset.done @!p0 $0x0  }
0x116: {  	[sflag:s0] =	ssyncadd.s32 @!p0 s1  }
0x117: {  	[bflag:$0x3] =	sbarrier.arrive $0xFFFF  }
0x118: {  	_ =	shalt  }

// kernel: kernel.14.cloned.1.call-start
scs
__scs_entry_jumppad:
0x0: {  	(pc) =	sbr.rel $0x88, $3  }
0x1: {  	(tag) =	ssettag $0x0;
	lr =	simm.s32 $0x1  }
0x2: {  	[smem:$0x3F9A] =	sst lr;
	_ =	strace $0xD0000000  }
0x3: {  	_ = 	snop  }
0x4: {  	_ = 	snop  }
0x5: {  	_ = 	snop  }
0x6: {  	_ = 	snop  }
0x7: {  	_ = 	snop  }
__scs_overlays_trampoline_lowered:
0x8: {  	[smem:$0x3FA9] =	sst s0  }
0x9: {  	[smem:$0x3FAA] =	sst s1  }
0xa: {  	[smem:$0x3FAB] =	sst s2  }
0xb: {  	[smem:$0x3FAC] =	sst s3  }
0xc: {  	[smem:$0x3FAD] =	sst s4  }
0xd: {  	[smem:$0x3FAE] =	sst s5  }
0xe: {  	[smem:$0x3FAF] =	sst s6  }
0xf: {  	[smem:$0x3FB0] =	sst s7  }
0x10: {  	[smem:$0x3FB1] =	sst s8  }
0x11: {  	[smem:$0x3FB2] =	sst s9;
	s0 =	simm.s32 @!p0 $0x0  }
0x12: {  	s1 =	sld [smem:$0x3F98];
	s0 =	simm.s32 @p0 $0x1  }
0x13: {  	[smem:$0x3FB3] =	sst s0;
	s0 =	simm.s32 @!p1 $0x0  }
0x14: {  	s2 =	sld [smem:$0x3F97];
	s0 =	simm.s32 @p1 $0x1  }
0x15: {  	[smem:$0x3FB4] =	sst s0;
	s0 =	simm.s32 @!p2 $0x0  }
0x16: {  	s3 =	sld [smem:$0x3FDB];
	s0 =	simm.s32 @p2 $0x1  }
0x17: {  	s4 =	simm.s32 $0x1BF5;
	[smem:$0x3FB6] =	sst s0  }
0x18: {  	s0 =	sld [smem:$0x3F99];
	_ =	swait.ge [sflag:s4], $0x0  }
0x19: {  	s7 =	sld [smem:$0x3F9A]  }
0x1a: {  	s8 =	sadd.s32 $0xFFFFE003, lr  }
0x1b: {  	s9 =	sadd.s32 $0xFFFFFEF7, lr;
	s5 =	simm.s32 $0xFFFFFFFF;
	p2 =	slt.u32 s8, $0xFFFFF086  }
0x1c: {  	p1 =	slt.u32 s9, $0xF7A;
	s5 =	simm.s32 @!p2 $0x0  }
0x1d: {  	s5 =	simm.s32 @p1 $0x1;
	p0 =	seq.s32 s7, s2  }
0x1e: {  	s7 =	smul.u32 @!p0 $0xF7A, s2;
	p2 =	seq.s32 @!p0 s5, $0x0  }
0x1f: {  	s9 =	smul.u32 $0xF7A, s1;
	s8 =	simm.s32 @!p0 $0x1BF5;
	p2 =	por !p2, p0  }
0x20: {  	[sflag:s8] =	ssyncset.s32 @!p0 $0xFFFFF086;
	s6 =	sadd.s32 @!p0 s3, s7;
	s7 =	simm.s32 @!p0 $0x108  }
0x21: {  	s3 =	sadd.s32 s3, s9;
	s6 =	sadd.s32 @!p0 $0x88, s6;
	s7 =	simm.s32 @p2 $0x1082  }
0x22: {  	[simem:s7], [sflag:s8] =	dma.local @!p0 [hbm:s6], $0xF7A  }
0x23: {  	s9 =	sor.u32 $0xD0000000, s2;
	s6 =	simm.s32 $0x108;
	_ =	swait.ge @!p0 [sflag:s8], $0x0  }
0x24: {  	s3 =	sadd.s32 $0x88, s3;
	s6 =	simm.s32 @!p1 $0x1082;
	[sflag:s4] =	ssyncset.s32 $0xFFFFF086  }
0x25: {  	[simem:s6], [sflag:s4] =	dma.local [hbm:s3], $0xF7A  }
0x26: {  	[smem:$0x3F9A] =	sst s1;
	(tag) =	ssettag s2;
	_ =	strace s9  }
0x27: {  	s1 =	sld [smem:$0x3FAA]  }
0x28: {  	s2 =	sld [smem:$0x3FAB]  }
0x29: {  	s4 =	sld [smem:$0x3FAD]  }
0x2a: {  	p0 =	seq.s32 s5, $0x0;
	s5 =	sld [smem:$0x3FAE]  }
0x2b: {  	s6 =	sld [smem:$0x3FAF]  }
0x2c: {  	s7 =	sld [smem:$0x3FB0]  }
0x2d: {  	s3 =	simm.s32 $0x108;
	s8 =	sld [smem:$0x3FB1]  }
0x2e: {  	s3 =	simm.s32 @!p0 $0x1082;
	s9 =	sld [smem:$0x3FB2]  }
0x2f: {  	lr =	sadd.s32 s0, s3;
	s0 =	sld [smem:$0x3FA9]  }
0x30: {  	s3 =	sld [smem:$0x3FAC]  }
0x31: {  	[smem:$0x3FB5] =	sst s10  }
0x32: {  	s10 =	sld [smem:$0x3FB3];
	_ =	sdelay $0x3  }
0x33: {  	p0 =	seq.s32 s10, $0x1;
	s10 =	sld [smem:$0x3FB5];
	_ =	sdelay $0x3  }
0x34: {  	[smem:$0x3FB5] =	sst s10  }
0x35: {  	s10 =	sld [smem:$0x3FB4];
	_ =	sdelay $0x3  }
0x36: {  	p1 =	seq.s32 s10, $0x1;
	s10 =	sld [smem:$0x3FB5];
	_ =	sdelay $0x3  }
0x37: {  	[smem:$0x3FB5] =	sst s10  }
0x38: {  	s10 =	sld [smem:$0x3FB6]  }
0x39: {  	_ = 	snop;
	(pc) =	sbr.ind lr, $3  }
0x3a: {  	_ = 	snop  }
0x3b: {  	_ = 	snop  }
0x3c: {  	p2 =	seq.s32 s10, $0x1;
	s10 =	sld [smem:$0x3FB5]  }
0x3d: {  	_ =	shalt  }
0x3e: {  	_ =	shalt  }
0x3f: {  	_ =	shalt  }
0x40: {  	_ =	shalt  }
0x41: {  	_ =	shalt  }
0x42: {  	_ =	shalt  }
0x43: {  	_ =	shalt  }
0x44: {  	_ =	shalt  }
0x45: {  	_ =	shalt  }
0x46: {  	_ =	shalt  }
0x47: {  	_ =	shalt  }
0x48: {  	_ =	shalt  }
0x49: {  	_ =	shalt  }
0x4a: {  	_ =	shalt  }
0x4b: {  	_ =	shalt  }
0x4c: {  	_ =	shalt  }
0x4d: {  	_ =	shalt  }
0x4e: {  	_ =	shalt  }
0x4f: {  	_ =	shalt  }
0x50: {  	_ =	shalt  }
0x51: {  	_ =	shalt  }
0x52: {  	_ =	shalt  }
0x53: {  	_ =	shalt  }
0x54: {  	_ =	shalt  }
0x55: {  	_ =	shalt  }
0x56: {  	_ =	shalt  }
0x57: {  	_ =	shalt  }
0x58: {  	_ =	shalt  }
0x59: {  	_ =	shalt  }
0x5a: {  	_ =	shalt  }
0x5b: {  	_ =	shalt  }
0x5c: {  	_ =	shalt  }
0x5d: {  	_ =	shalt  }
0x5e: {  	_ =	shalt  }
0x5f: {  	_ =	shalt  }
0x60: {  	_ =	shalt  }
0x61: {  	_ =	shalt  }
0x62: {  	_ =	shalt  }
0x63: {  	_ =	shalt  }
0x64: {  	_ =	shalt  }
0x65: {  	_ =	shalt  }
0x66: {  	_ =	shalt  }
0x67: {  	_ =	shalt  }
0x68: {  	_ =	shalt  }
0x69: {  	_ =	shalt  }
0x6a: {  	_ =	shalt  }
0x6b: {  	_ =	shalt  }
0x6c: {  	_ =	shalt  }
0x6d: {  	_ =	shalt  }
0x6e: {  	_ =	shalt  }
0x6f: {  	_ =	shalt  }
0x70: {  	_ =	shalt  }
0x71: {  	_ =	shalt  }
0x72: {  	_ =	shalt  }
0x73: {  	_ =	shalt  }
0x74: {  	_ =	shalt  }
0x75: {  	_ =	shalt  }
0x76: {  	_ =	shalt  }
0x77: {  	_ =	shalt  }
0x78: {  	_ =	shalt  }
0x79: {  	_ =	shalt  }
0x7a: {  	_ =	shalt  }
0x7b: {  	_ =	shalt  }
0x7c: {  	_ =	shalt  }
0x7d: {  	_ =	shalt  }
0x7e: {  	_ =	shalt  }
0x7f: {  	_ =	shalt  }
0x80: {  	_ =	shalt  }
0x81: {  	_ =	shalt  }
0x82: {  	_ =	shalt  }
0x83: {  	_ =	shalt  }
0x84: {  	_ =	shalt  }
0x85: {  	_ =	shalt  }
0x86: {  	_ =	shalt  }
0x87: {  	_ =	shalt  }
.Lfunc_end0:
.L_simem_size_0:
called_computation.2_lowered:
.L_overlay_start_0:
0x88: {  	s2 =	sld [smem:$0x3FD9]  }
0x89: {  	s3 =	sld [smem:$0x3FFE];
	_ =	sdelay $0x1  }
0x8a: {  	s1 =	srdreg.scid  }
0x8b: {  	s0 =	sand.u32 $0x1, s1  }
0x8c: {  	s17 =	sshll.u32 s0, $0xA;
	s2 =	sadd.s32 s3, s2  }
0x8d: {  	s2 =	sadd.s32 s2, s17  }
0x8e: {  	[smem:$0x3FC1] =	sst s2  }
0x8f: {  	_ = 	snop  }
0x90: {  	s2 =	sld [smem:$0x3FC7]  }
0x91: {  	s18 =	sld [smem:$0x3FD0];
	(tm) =	ssettm $0x1  }
0x92: {  	s4 =	sld [smem:$0x3FFB];
	_ =	sdelay $0x3  }
0x93: {  	_ =	strace s4  }
0x94: {  	s4 =	sld [smem:$0x3FFC];
	_ =	sdelay $0x3  }
0x95: {  	_ =	strace s4  }
0x96: {  	s4 =	sld [smem:$0x3FFD];
	_ =	sdelay $0x3  }
0x97: {  	_ =	strace s4  }
0x98: {  	_ =	strace $0x8FFFFFFF  }
0x99: {  	s19 =	sld [smem:$0x3FDB];
	_ =	sdelay $0x1  }
0x9a: {  	s5 =	simm.s32 $_scs_section_size  }
0x9b: {  	s6 =	simm.s32 $_size__tile_overlayer_lowered;
	s7 =	simm.s32 $_tile_overlayer_lowered  }
0x9c: {  	s22 =	simm.s32 $0x1BFF;
	s21 =	sshll.u32 s7, $0x1;
	s4 =	sadd.s32 s5, s19  }
0x9d: {  	s8 =	simm.s32 $0x0;
	s20 =	sshll.u32 s6, $0x1;
	s6 =	sadd.s32 s21, s4  }
0x9e: {  	[timem:s8], [sflag:s22] =	dma.local [hbm:s6], s20  }
0x9f: {  	_ =	swait.ge [sflag:s22], s20  }
0xa0: {  	s5 =	ssub.s32 $0x0, s20;
	[sflag:s22] =	ssyncset.done $0x0  }
0xa1: {  	[sflag:s22] =	ssyncadd.s32 s5;
	_ =	sdelay $0x1  }
0xa2: {  	s23 =	simm.s32 $0x1B8B  }
0xa3: {  	_ =	swait.ge [sflag:s23], $0x1  }
0xa4: {  	[sflag:s23] =	ssyncset.done $0x0  }
0xa5: {  	s25 =	simm.s32 $0x1B8E;
	s24 =	sld [smem:$0x3FFE];
	[sflag:s23] =	ssyncadd.s32 $0xFFFFFFFF  }
0xa6: {  	s26 =	simm.s32 $execute0_lowered;
	[smem:$0x3FD2] =	sst s25  }
0xa7: {  	s6 =	sshll.u32 s26, $0x1;
	_ =	strace $0x8000004C;
	[dreg:$0x1] =	wrdreg $0xFFFFFFFF  }
0xa8: {  	s28 =	simm.s32 $_size_execute0_lowered;
	s4 =	sadd.s32 s4, s6;
	[dreg:$0x0] =	wrdreg $0x0  }
0xa9: {  	s6 =	sshll.u32 s28, $0x1;
	[dreg:$0x2] =	wrdreg s4  }
0xaa: {  	[dreg:$0x3] =	wrdreg s6  }
0xab: {  	[dreg:$0x4] =	wrdreg $0xC0  }
0xac: {  	_ =	task [dreg:s8], $0x5FFFF  }
0xad: {  	[dreg:$0x1] =	wrdreg $0xFFFFFFFF  }
0xae: {  	[dreg:$0x0] =	wrdreg $0x60  }
0xaf: {  	[dreg:$0x2] =	wrdreg s24  }
0xb0: {  	[dreg:$0x3] =	wrdreg s18  }
0xb1: {  	[dreg:$0x4] =	wrdreg s2  }
0xb2: {  	[dreg:$0x5] =	wrdreg $0x9  }
0xb3: {  	_ =	task.clear_ibuf [dreg:s8], $0x6FFFF;
	_ =	strace $0x9000004C  }
0xb4: {  	s29 =	simm.s32 $0x9;
	_ =	strace $0x8000004E  }
0xb5: {  	_ =	swait.ge [sflag:s29], $0x1  }
0xb6: {  	[sflag:s29] =	ssyncadd.s32 $0xFFFFFFFF  }
0xb7: {  	_ =	strace $0x9000004E  }
0xb8: {  	_ =	sfence  }
0xb9: {  	s30 =	sld [smem:$0x0];
	_ =	sdelay $0x2  }
0xba: {  	s31 =	sshll.u32 s1, $0xD;
	s1 =	sshrl.u32 s1, $0x2  }
0xbb: {  	s3 =	sand.u32 $0x4000, s31;
	s1 =	sadd.s32 s1, s30  }
0xbc: {  	s0 =	sor.u32 s3, s0;
	s1 =	sshll.u32 s1, $0x11  }
0xbd: {  	s0 =	sor.u32 s1, s0  }
0xbe: {  	s0 =	sadd.s32 $0x8F2B, s0  }
0xbf: {  	[sflag:s0] =	ssyncadd.remote.s32 $0x1  }
0xc0: {  	_ =	sfence.sel $0xFFFF  }
0xc1: {  	[dreg:$0x0] =	wrdreg $0xFFFFFFFF;
	(pc) =	sbr.abs _section_cstart, $3  }
0xc2: {  	[dreg:$0x1] =	wrdreg $0xFFFFFFFF  }
0xc3: {  	_ =	task.clear_ibuf [dreg:s8], $0x2FFFF;
	_ =	strace $0x9FFFFFFF  }
0xc4: {  	(tm) =	ssettm $0x7FFFFFFF  }
0xc5: {  	_ =	shalt  }
tec
execute0_lowered:
.L_overlay_start_1:
0x0: {  	(tag) =	ssettag $0x1  }
0x1: {  	s1 =	srdreg.scid;
	s6 =	rddreg [dreg:$0x0]  }
0x2: {  	s0 =	stileid.u32;
	s8 =	rddreg [dreg:$0x1]  }
0x3: {  	s2 =	rddreg [dreg:$0x2];
	s3 =	simm.s32 $0x0;
	s13 =	simm.s32 $0x10B80  }
0x4: {  	s14 =	simm.s32 $0x159A0;
	s15 =	simm.s32 $0x1F80;
	s16 =	simm.s32 $0x3F00  }
0x5: {  	s17 =	simm.s32 $0x2;
	s18 =	simm.s32 $0x5E80;
	s19 =	simm.s32 $0x7E00  }
0x6: {  	s20 =	simm.s32 $0x9D80;
	s21 =	simm.s32 $0x1;
	s22 =	simm.s32 $0x3  }
0x7: {  	s23 =	simm.s32 $0x0;
	s4 =	sand.u32 $0x1, s1;
	s30 =	sshll.u32 s0, $0x1  }
0x8: {  	[smem:$0x7FF] =	sst s3;
	s12 =	sadd.s32 $0x29000, s6;
	s1 =	sor.u32 s4, s30  }
0x9: {  	s10 =	ssub.s32 $0x2, s4;
	s4 =	sadd.s32 $0x1A00, s6;
	s5 =	smul.u32 $0x4E20, s1  }
0xa: {  	s1 =	rddreg [dreg:$0x3];
	_ =	strace $0x8000004D;
	s11 =	sshrl.u32 s10, $0x1  }
0xb: {  	s11 =	ssub.s32 s10, s11;
	s9 =	sshrl.u32 s5, $0x3;
	s5 =	sadd.s32 $0xB800, s6  }
0xc: {  	s11 =	smax.u32 s11, $0x1;
	s7 =	sadd.s32 s9, s6;
	s31 =	sadd.s32 $0x13880, s9  }
0xd: {  	s6 =	sadd.s32 $0x15600, s7;
	s7 =	sadd.s32 s8, s9;
	s8 =	sadd.s32 s8, s31  }
0xe: {  	s9 =	sadd.s32 s12, s9;
	s10 =	sadd.s32 s12, s31;
	s12 =	simm.s32 $0xBD00  }
.LBB2_1:
0xf: {  	[tilespmem:s12], [sflag:$0x2] =	stream.linear.gather [hbm4b:s6+s3], $0x4E20, $0x38;
	[tilespmem:$0x1A800] =	vst v63  }
0x10: {  	_ = 	snop  }
0x11: {  	[tilespmem:s13], [sflag:$0x2] =	stream.linear.gather [hbm4b:s7+s3], $0x4E20, $0x38;
	[tilespmem:$0x1A800] =	vst v63  }
0x12: {  	_ = 	snop  }
0x13: {  	[tilespmem:s14], [sflag:$0x2] =	stream.linear.gather [hbm4b:s8+s3], $0x4E20, $0x38;
	[tilespmem:$0x1A800] =	vst v63  }
0x14: {  	_ = 	snop  }
0x15: {  	[tilespmem:s3], [sflag:$0x1] =	stream.linear.gather [hbm4b:s4+s3], $0x1F40, $0x38;
	[tilespmem:$0x1A800] =	vst v63  }
0x16: {  	_ = 	snop  }
0x17: {  	[tilespmem:s15], [sflag:$0x1] =	stream.linear.gather [hbm4b:s5+s3], $0x1F40, $0x38;
	[tilespmem:$0x1A800] =	vst v63  }
0x18: {  	_ = 	snop  }
0x19: {  	[tilespmem:s16], [sflag:$0x1] =	stream.linear.gather [hbm4b:s2+s3], $0x1F40, $0x38;
	[tilespmem:$0x1A800] =	vst v63  }
0x1a: {  	_ =	swait.ge [sflag:s17], $0x4E20  }
0x1b: {  	[sflag:s17] =	ssyncset.done $0x0  }
0x1c: {  	[sflag:s17] =	ssyncadd.s32 $0xFFFFB1E0  }
0x1d: {  	_ =	swait.ge [sflag:s17], $0x4E20  }
0x1e: {  	[sflag:s17] =	ssyncset.done $0x0  }
0x1f: {  	[sflag:s17] =	ssyncadd.s32 $0xFFFFB1E0  }
0x20: {  	_ =	swait.ge [sflag:s17], $0x4E20  }
0x21: {  	[sflag:s17] =	ssyncset.done $0x0  }
0x22: {  	s24 =	simm.s32 $0x0;
	[sflag:s17] =	ssyncadd.s32 $0xFFFFB1E0  }
.LBB2_2:
0x23: {  	s25 =	smul.u32 $0x3E80, s24;
	_ =	sdelay $0x1  }
0x24: {  	s26 =	sshrl.u32 s25, $0x3  }
0x25: {  	s26 =	sadd.s32 $0x3E8, s26  }
0x26: {  	s29 =	simm.s32 $0x0;
	s28 =	sadd.s32 s4, s26  }
0x27: {  	[tilespmem:s18], [sflag:$0x2] =	stream.linear.gather [hbm4b:s28+s29], $0x1F40, $0x38;
	[tilespmem:$0x1A800] =	vst v63  }
0x28: {  	s30 =	sadd.s32 s5, s26  }
0x29: {  	[tilespmem:s19], [sflag:$0x2] =	stream.linear.gather [hbm4b:s30+s29], $0x1F40, $0x38;
	[tilespmem:$0x1A800] =	vst v63  }
0x2a: {  	s26 =	sadd.s32 s2, s26  }
0x2b: {  	[tilespmem:s20], [sflag:$0x2] =	stream.linear.gather [hbm4b:s26+s29], $0x1F40, $0x38;
	[tilespmem:$0x1A800] =	vst v63  }
0x2c: {  	_ =	swait.ge [sflag:s21], $0x1F40  }
0x2d: {  	[sflag:s21] =	ssyncset.done $0x0  }
0x2e: {  	[sflag:s21] =	ssyncadd.s32 $0xFFFFE0C0  }
0x2f: {  	_ =	swait.ge [sflag:s21], $0x1F40  }
0x30: {  	[sflag:s21] =	ssyncset.done $0x0  }
0x31: {  	[sflag:s21] =	ssyncadd.s32 $0xFFFFE0C0  }
0x32: {  	_ =	swait.ge [sflag:s21], $0x1F40  }
0x33: {  	[sflag:s21] =	ssyncset.done $0x0  }
0x34: {  	s31 =	simm.s32 $0x0;
	[sflag:s21] =	ssyncadd.s32 $0xFFFFE0C0  }
0x35: {  	v0 =	vld [tilespmem:s31+$0x3F40]  }
0x36: {  	v1 =	vld [tilespmem:s31+$0x1F80]  }
0x37: {  	v2 =	vld [tilespmem:s31+$0x20]  }
0x38: {  	v3 =	vld [tilespmem:s31+$0x30]  }
0x39: {  	v4 =	vld [tilespmem:s31+$0x10]  }
0x3a: {  	v5 =	vld [tilespmem:s31+$0x40]  }
0x3b: {  	v6 =	vld [tilespmem:s31+$0x3F20]  }
0x3c: {  	v7 =	vld [tilespmem:s31+$0x3F10]  }
0x3d: {  	v8 =	vld [tilespmem:s31+$0x0]  }
0x3e: {  	v9 =	vld [tilespmem:s31+$0x3F00]  }
0x3f: {  	v10 =	vld [tilespmem:s31+$0x1FB0]  }
0x40: {  	v11 =	vld [tilespmem:s31+$0x1F90]  }
0x41: {  	v12 =	vld [tilespmem:s31+$0x3F30]  }
0x42: {  	v13 =	vld [tilespmem:s31+$0x1FC0]  }
0x43: {  	v15 =	vld [tilespmem:s31+$0x1FA0];
	v14 =	vadd.s32 $0x2710, v8  }
0x44: {  	v16 =	vld.idx.msk [tilespmem:v2+s12+$0x0], $0xffff  }
0x45: {  	v17 =	vadd.s32 $0x2710, v3;
	v8 =	vld.idx.msk [tilespmem:v8+s12+$0x0], $0xffff  }
0x46: {  	v18 =	vadd.s32 $0x2710, v4;
	v3 =	vld.idx.msk [tilespmem:v3+s12+$0x0], $0xffff  }
0x47: {  	v19 =	vadd.s32 $0x2710, v5;
	v5 =	vld.idx.msk [tilespmem:v5+s12+$0x0], $0xffff  }
0x48: {  	v2 =	vadd.s32 $0x2710, v2;
	v14 =	vld.idx.msk [tilespmem:v14+s12+$0x0], $0xffff  }
0x49: {  	v4 =	vld.idx.msk [tilespmem:v4+s12+$0x0], $0xffff  }
0x4a: {  	v20 =	vadd.s32 $0x4E20, v1;
	v17 =	vld.idx.msk [tilespmem:v17+s12+$0x0], $0xffff  }
0x4b: {  	v21 =	vadd.s32 $0x2710, v1;
	v18 =	vld.idx.msk [tilespmem:v18+s12+$0x0], $0xffff;
	v22 =	vshll.u32 v8, $0x10  }
0x4c: {  	v23 =	vadd.s32 $0x7530, v1;
	v19 =	vld.idx.msk [tilespmem:v19+s12+$0x0], $0xffff;
	v8 =	vand.u32 $0xFFFF0000, v8;
	v22 =	vmul.f32 v22, v9  }
0x4d: {  	v2 =	vld.idx.msk [tilespmem:v2+s12+$0x0], $0xffff;
	v8 =	vmul.f32 v8, v9;
	v24 =	vshll.u32 v14, $0x10  }
0x4e: {  	v25 =	vadd.s32 $0x4E20, v11;
	v14 =	vand.u32 $0xFFFF0000, v14;
	[tilespmem:v1+s13+$0x0] =	vst.idx.add.f32.msk $0xffff, v22;
	v1 =	vmul.f32 v24, v9  }
0x4f: {  	v42 =	vadd.s32 $0x2710, v11;
	v43 =	vshll.u32 v4, $0x10;
	v9 =	vmul.f32 v14, v9;
	[tilespmem:v20+s13+$0x0] =	vst.idx.add.f32.msk $0xffff, v8  }
0x50: {  	v44 =	vadd.s32 $0x7530, v11;
	v4 =	vand.u32 $0xFFFF0000, v4;
	[tilespmem:v21+s13+$0x0] =	vst.idx.add.f32.msk $0xffff, v1;
	v1 =	vmul.f32 v43, v7  }
0x51: {  	v4 =	vmul.f32 v4, v7;
	v45 =	vshll.u32 v18, $0x10;
	[tilespmem:v23+s13+$0x0] =	vst.idx.add.f32.msk $0xffff, v9  }
0x52: {  	v46 =	vadd.s32 $0x4E20, v15;
	v18 =	vand.u32 $0xFFFF0000, v18;
	[tilespmem:v11+s13+$0x0] =	vst.idx.add.f32.msk $0xffff, v1;
	v1 =	vmul.f32 v45, v7  }
0x53: {  	v47 =	vadd.s32 $0x2710, v15;
	v48 =	vshll.u32 v16, $0x10;
	v49 =	vmul.f32 v18, v7;
	[tilespmem:v25+s13+$0x0] =	vst.idx.add.f32.msk $0xffff, v4  }
0x54: {  	v50 =	vadd.s32 $0x7530, v15;
	v11 =	vmul.f32 v48, v6;
	[tilespmem:v42+s13+$0x0] =	vst.idx.add.f32.msk $0xffff, v1;
	v1 =	vand.u32 $0xFFFF0000, v16  }
0x55: {  	v51 =	vshll.u32 v2, $0x10;
	[tilespmem:v44+s13+$0x0] =	vst.idx.add.f32.msk $0xffff, v49;
	v1 =	vmul.f32 v1, v6  }
0x56: {  	v52 =	vadd.s32 $0x4E20, v10;
	v2 =	vand.u32 $0xFFFF0000, v2;
	v53 =	vmul.f32 v51, v6;
	[tilespmem:v15+s13+$0x0] =	vst.idx.add.f32.msk $0xffff, v11  }
0x57: {  	v54 =	vshll.u32 v3, $0x10;
	v2 =	vmul.f32 v2, v6;
	[tilespmem:v46+s13+$0x0] =	vst.idx.add.f32.msk $0xffff, v1;
	v1 =	vadd.s32 $0x2710, v10  }
0x58: {  	v3 =	vand.u32 $0xFFFF0000, v3;
	v55 =	vmul.f32 v54, v12;
	[tilespmem:v47+s13+$0x0] =	vst.idx.add.f32.msk $0xffff, v53  }
0x59: {  	v56 =	vadd.s32 $0x7530, v10;
	v3 =	vmul.f32 v3, v12;
	[tilespmem:v50+s13+$0x0] =	vst.idx.add.f32.msk $0xffff, v2;
	v2 =	vshll.u32 v17, $0x10  }
0x5a: {  	v58 =	vadd.s32 $0x4E20, v13;
	[tilespmem:v10+s13+$0x0] =	vst.idx.add.f32.msk $0xffff, v55;
	v2 =	vmul.f32 v2, v12  }
0x5b: {  	v59 =	vshll.u32 v5, $0x10;
	v60 =	vand.u32 $0xFFFF0000, v5;
	v57 =	vand.u32 $0xFFFF0000, v17;
	[tilespmem:v52+s13+$0x0] =	vst.idx.add.f32.msk $0xffff, v3  }
0x5c: {  	v7 =	vmul.f32 v57, v12;
	v3 =	vadd.s32 $0x2710, v13;
	[tilespmem:v1+s13+$0x0] =	vst.idx.add.f32.msk $0xffff, v2;
	v1 =	vshll.u32 v19, $0x10  }
0x5d: {  	v61 =	vmul.f32 v59, v0;
	v62 =	vmul.f32 v1, v0;
	v1 =	vadd.s32 $0x7530, v13  }
0x5e: {  	v2 =	vmul.f32 v60, v0;
	[tilespmem:v56+s13+$0x0] =	vst.idx.add.f32.msk $0xffff, v7  }
0x5f: {  	v63 =	vand.u32 $0xFFFF0000, v19;
	[tilespmem:v13+s13+$0x0] =	vst.idx.add.f32.msk $0xffff, v61  }
0x60: {  	v0 =	vmul.f32 v63, v0;
	[tilespmem:v58+s13+$0x0] =	vst.idx.add.f32.msk $0xffff, v2  }
0x61: {  	s26 =	simm.s32 $0x140;
	[tilespmem:v3+s13+$0x0] =	vst.idx.add.f32.msk $0xffff, v62  }
.LBB2_3:
0x62: {  	s28 =	sshra.s32 s26, $0x2;
	p0 =	sne.s32 s26, $0x7BC0;
	s26 =	sadd.s32 $0x140, s26;
	[tilespmem:v1+s13+$0x0] =	vst.idx.add.f32.msk $0xffff, v0  }
0x63: {  	v0 =	vld [tilespmem:s28+$0x3F40]  }
0x64: {  	v1 =	vld [tilespmem:s28+$0x1F80]  }
0x65: {  	v2 =	vld [tilespmem:s28+$0x20]  }
0x66: {  	v3 =	vld [tilespmem:s28+$0x30]  }
0x67: {  	v4 =	vld [tilespmem:s28+$0x10]  }
0x68: {  	v5 =	vld [tilespmem:s28+$0x40]  }
0x69: {  	v6 =	vld [tilespmem:s28+$0x3F20]  }
0x6a: {  	v7 =	vld [tilespmem:s28+$0x3F10]  }
0x6b: {  	v8 =	vld [tilespmem:s28+$0x0]  }
0x6c: {  	v9 =	vld [tilespmem:s28+$0x3F00];
	v10 =	vadd.s32 $0x2710, v4  }
0x6d: {  	v12 =	vadd.s32 $0x2710, v3;
	v11 =	vld [tilespmem:s28+$0x1FB0]  }
0x6e: {  	v14 =	vadd.s32 $0x2710, v2;
	v13 =	vld [tilespmem:s28+$0x1F90]  }
0x6f: {  	v15 =	vld [tilespmem:s28+$0x3F30]  }
0x70: {  	v19 =	vadd.s32 $0x4E20, v1;
	v18 =	vadd.s32 $0x2710, v5;
	v16 =	vld [tilespmem:s28+$0x1FC0];
	v17 =	vadd.s32 $0x2710, v8  }
0x71: {  	v21 =	vadd.s32 $0x2710, v1;
	v20 =	vld [tilespmem:s28+$0x1FA0]  }
0x72: {  	v22 =	vadd.s32 $0x7530, v1;
	v2 =	vld.idx.msk [tilespmem:v2+s12+$0x0], $0xffff  }
0x73: {  	v8 =	vld.idx.msk [tilespmem:v8+s12+$0x0], $0xffff  }
0x74: {  	v3 =	vld.idx.msk [tilespmem:v3+s12+$0x0], $0xffff  }
0x75: {  	v17 =	vld.idx.msk [tilespmem:v17+s12+$0x0], $0xffff  }
0x76: {  	v5 =	vld.idx.msk [tilespmem:v5+s12+$0x0], $0xffff  }
0x77: {  	v25 =	vadd.s32 $0x4E20, v11;
	v23 =	vadd.s32 $0x2710, v20;
	v24 =	vadd.s32 $0x7530, v20;
	v4 =	vld.idx.msk [tilespmem:v4+s12+$0x0], $0xffff  }
0x78: {  	v26 =	vadd.s32 $0x4E20, v13;
	v28 =	vadd.s32 $0x4E20, v20;
	v27 =	vshll.u32 v2, $0x10;
	v12 =	vld.idx.msk [tilespmem:v12+s12+$0x0], $0xffff  }
0x79: {  	v30 =	vadd.s32 $0x2710, v13;
	v29 =	vshll.u32 v8, $0x10;
	v8 =	vand.u32 $0xFFFF0000, v8;
	v10 =	vld.idx.msk [tilespmem:v10+s12+$0x0], $0xffff  }
0x7a: {  	v31 =	vadd.s32 $0x7530, v13;
	v29 =	vmul.f32 v29, v9;
	v8 =	vmul.f32 v8, v9;
	v14 =	vld.idx.msk [tilespmem:v14+s12+$0x0], $0xffff  }
0x7b: {  	v27 =	vmul.f32 v27, v6;
	v32 =	vshll.u32 v17, $0x10;
	v17 =	vand.u32 $0xFFFF0000, v17;
	v18 =	vld.idx.msk [tilespmem:v18+s12+$0x0], $0xffff  }
0x7c: {  	[tilespmem:v1+s13+$0x0] =	vst.idx.add.f32.msk $0xffff, v29;
	v1 =	vmul.f32 v32, v9;
	v9 =	vmul.f32 v17, v9;
	v17 =	vshll.u32 v3, $0x10  }
0x7d: {  	[tilespmem:v19+s13+$0x0] =	vst.idx.add.f32.msk $0xffff, v8;
	v8 =	vshll.u32 v4, $0x10;
	v4 =	vand.u32 $0xFFFF0000, v4;
	v17 =	vmul.f32 v17, v15  }
0x7e: {  	[tilespmem:v21+s13+$0x0] =	vst.idx.add.f32.msk $0xffff, v1;
	v1 =	vmul.f32 v8, v7;
	v4 =	vmul.f32 v4, v7;
	v8 =	vand.u32 $0xFFFF0000, v12  }
0x7f: {  	[tilespmem:v22+s13+$0x0] =	vst.idx.add.f32.msk $0xffff, v9;
	v9 =	vshll.u32 v10, $0x10;
	v10 =	vand.u32 $0xFFFF0000, v10;
	v8 =	vmul.f32 v8, v15  }
0x80: {  	[tilespmem:v13+s13+$0x0] =	vst.idx.add.f32.msk $0xffff, v1;
	v1 =	vmul.f32 v9, v7;
	v9 =	vshll.u32 v14, $0x10;
	v13 =	vand.u32 $0xFFFF0000, v14  }
0x81: {  	[tilespmem:v26+s13+$0x0] =	vst.idx.add.f32.msk $0xffff, v4;
	v4 =	vmul.f32 v10, v7;
	v7 =	vmul.f32 v9, v6;
	v9 =	vshll.u32 v18, $0x10  }
0x82: {  	[tilespmem:v30+s13+$0x0] =	vst.idx.add.f32.msk $0xffff, v1;
	v1 =	vand.u32 $0xFFFF0000, v2;
	v2 =	vmul.f32 v13, v6;
	v9 =	vmul.f32 v9, v0  }
0x83: {  	v3 =	vand.u32 $0xFFFF0000, v3;
	[tilespmem:v31+s13+$0x0] =	vst.idx.add.f32.msk $0xffff, v4;
	v1 =	vmul.f32 v1, v6;
	v4 =	vshll.u32 v5, $0x10  }
0x84: {  	v3 =	vmul.f32 v3, v15;
	v5 =	vand.u32 $0xFFFF0000, v5;
	[tilespmem:v20+s13+$0x0] =	vst.idx.add.f32.msk $0xffff, v27;
	v4 =	vmul.f32 v4, v0  }
0x85: {  	v5 =	vmul.f32 v5, v0;
	[tilespmem:v28+s13+$0x0] =	vst.idx.add.f32.msk $0xffff, v1;
	v1 =	vadd.s32 $0x2710, v11  }
0x86: {  	v6 =	vadd.s32 $0x7530, v11;
	[tilespmem:v23+s13+$0x0] =	vst.idx.add.f32.msk $0xffff, v7  }
0x87: {  	[tilespmem:v24+s13+$0x0] =	vst.idx.add.f32.msk $0xffff, v2;
	v2 =	vshll.u32 v12, $0x10  }
0x88: {  	v7 =	vadd.s32 $0x4E20, v16;
	[tilespmem:v11+s13+$0x0] =	vst.idx.add.f32.msk $0xffff, v17;
	v2 =	vmul.f32 v2, v15  }
0x89: {  	[tilespmem:v25+s13+$0x0] =	vst.idx.add.f32.msk $0xffff, v3;
	v3 =	vadd.s32 $0x2710, v16  }
.Ltmp0:
0x8a: {  	[tilespmem:v1+s13+$0x0] =	vst.idx.add.f32.msk $0xffff, v2;
	v1 =	vadd.s32 $0x7530, v16;
	(pc) =	sbr.rel @p0 .LBB2_3-.Ltmp0, $4  }
0x8b: {  	[tilespmem:v6+s13+$0x0] =	vst.idx.add.f32.msk $0xffff, v8  }
0x8c: {  	v2 =	vand.u32 $0xFFFF0000, v18;
	[tilespmem:v16+s13+$0x0] =	vst.idx.add.f32.msk $0xffff, v4  }
0x8d: {  	v0 =	vmul.f32 v2, v0;
	[tilespmem:v7+s13+$0x0] =	vst.idx.add.f32.msk $0xffff, v5  }
0x8e: {  	[tilespmem:v3+s13+$0x0] =	vst.idx.add.f32.msk $0xffff, v9  }
0x8f: {  	_ = 	snop  }
0x90: {  	p0 =	seq.s32 s24, $0x13  }
0x91: {  	s25 =	sshrl.u32 @!p0 s25, $0x3  }
0x92: {  	s25 =	sadd.s32 @!p0 $0x7D0, s25  }
0x93: {  	[tilespmem:v1+s13+$0x0] =	vst.idx.add.f32.msk $0xffff, v0;
	s28 =	simm.s32 @!p0 $0x0;
	s26 =	sadd.s32 @!p0 s4, s25  }
0x94: {  	[tilespmem:s28], [sflag:$0x1] =	stream.linear.gather @!p0 [hbm4b:s26+s28], $0x1F40, $0x38;
	[tilespmem:$0x1A800] =	vst v63  }
0x95: {  	s29 =	simm.s32 @!p0 $0x1F80;
	s26 =	sadd.s32 @!p0 s5, s25  }
0x96: {  	[tilespmem:s29], [sflag:$0x1] =	stream.linear.gather @!p0 [hbm4b:s26+s28], $0x1F40, $0x38;
	[tilespmem:$0x1A800] =	vst v63  }
0x97: {  	s25 =	sadd.s32 @!p0 s2, s25;
	s26 =	simm.s32 @!p0 $0x3F00  }
0x98: {  	[tilespmem:s26], [sflag:$0x1] =	stream.linear.gather @!p0 [hbm4b:s25+s28], $0x1F40, $0x38;
	[tilespmem:$0x1A800] =	vst v63  }
0x99: {  	_ =	swait.ge [sflag:s17], $0x1F40  }
0x9a: {  	[sflag:s17] =	ssyncset.done $0x0  }
0x9b: {  	[sflag:s17] =	ssyncadd.s32 $0xFFFFE0C0  }
0x9c: {  	_ =	swait.ge [sflag:s17], $0x1F40  }
0x9d: {  	[sflag:s17] =	ssyncset.done $0x0  }
0x9e: {  	[sflag:s17] =	ssyncadd.s32 $0xFFFFE0C0  }
0x9f: {  	_ =	swait.ge [sflag:s17], $0x1F40  }
0xa0: {  	[sflag:s17] =	ssyncset.done $0x0  }
0xa1: {  	s31 =	simm.s32 $0x0;
	[sflag:s17] =	ssyncadd.s32 $0xFFFFE0C0  }
0xa2: {  	v0 =	vld [tilespmem:s31+$0x9DC0]  }
0xa3: {  	v1 =	vld [tilespmem:s31+$0x7E00]  }
0xa4: {  	v2 =	vld [tilespmem:s31+$0x5EA0]  }
0xa5: {  	v3 =	vld [tilespmem:s31+$0x5EB0]  }
0xa6: {  	v4 =	vld [tilespmem:s31+$0x5E90]  }
0xa7: {  	v5 =	vld [tilespmem:s31+$0x5EC0]  }
0xa8: {  	v6 =	vld [tilespmem:s31+$0x9DA0]  }
0xa9: {  	v7 =	vld [tilespmem:s31+$0x9D90]  }
0xaa: {  	v8 =	vld [tilespmem:s31+$0x5E80]  }
0xab: {  	v9 =	vld [tilespmem:s31+$0x9D80]  }
0xac: {  	v10 =	vld [tilespmem:s31+$0x7E30]  }
0xad: {  	v11 =	vld [tilespmem:s31+$0x7E10]  }
0xae: {  	v12 =	vld [tilespmem:s31+$0x9DB0]  }
0xaf: {  	v13 =	vld [tilespmem:s31+$0x7E40]  }
0xb0: {  	v15 =	vld [tilespmem:s31+$0x7E20];
	v14 =	vadd.s32 $0x2710, v8  }
0xb1: {  	v16 =	vld.idx.msk [tilespmem:v2+s12+$0x0], $0xffff  }
0xb2: {  	v17 =	vadd.s32 $0x2710, v3;
	v8 =	vld.idx.msk [tilespmem:v8+s12+$0x0], $0xffff  }
0xb3: {  	v18 =	vadd.s32 $0x2710, v4;
	v3 =	vld.idx.msk [tilespmem:v3+s12+$0x0], $0xffff  }
0xb4: {  	v19 =	vadd.s32 $0x2710, v5;
	v5 =	vld.idx.msk [tilespmem:v5+s12+$0x0], $0xffff  }
0xb5: {  	v2 =	vadd.s32 $0x2710, v2;
	v14 =	vld.idx.msk [tilespmem:v14+s12+$0x0], $0xffff  }
0xb6: {  	v4 =	vld.idx.msk [tilespmem:v4+s12+$0x0], $0xffff  }
0xb7: {  	v20 =	vadd.s32 $0x4E20, v1;
	v17 =	vld.idx.msk [tilespmem:v17+s12+$0x0], $0xffff  }
0xb8: {  	v21 =	vadd.s32 $0x2710, v1;
	v18 =	vld.idx.msk [tilespmem:v18+s12+$0x0], $0xffff;
	v22 =	vshll.u32 v8, $0x10  }
0xb9: {  	v23 =	vadd.s32 $0x7530, v1;
	v19 =	vld.idx.msk [tilespmem:v19+s12+$0x0], $0xffff;
	v8 =	vand.u32 $0xFFFF0000, v8;
	v22 =	vmul.f32 v22, v9  }
0xba: {  	v2 =	vld.idx.msk [tilespmem:v2+s12+$0x0], $0xffff;
	v8 =	vmul.f32 v8, v9;
	v24 =	vshll.u32 v14, $0x10  }
0xbb: {  	v25 =	vadd.s32 $0x4E20, v11;
	v14 =	vand.u32 $0xFFFF0000, v14;
	[tilespmem:v1+s13+$0x0] =	vst.idx.add.f32.msk $0xffff, v22;
	v1 =	vmul.f32 v24, v9  }
0xbc: {  	v42 =	vadd.s32 $0x2710, v11;
	v43 =	vshll.u32 v4, $0x10;
	v9 =	vmul.f32 v14, v9;
	[tilespmem:v20+s13+$0x0] =	vst.idx.add.f32.msk $0xffff, v8  }
0xbd: {  	v44 =	vadd.s32 $0x7530, v11;
	v4 =	vand.u32 $0xFFFF0000, v4;
	[tilespmem:v21+s13+$0x0] =	vst.idx.add.f32.msk $0xffff, v1;
	v1 =	vmul.f32 v43, v7  }
0xbe: {  	v4 =	vmul.f32 v4, v7;
	v45 =	vshll.u32 v18, $0x10;
	[tilespmem:v23+s13+$0x0] =	vst.idx.add.f32.msk $0xffff, v9  }
0xbf: {  	v46 =	vadd.s32 $0x4E20, v15;
	v18 =	vand.u32 $0xFFFF0000, v18;
	[tilespmem:v11+s13+$0x0] =	vst.idx.add.f32.msk $0xffff, v1;
	v1 =	vmul.f32 v45, v7  }
0xc0: {  	v47 =	vadd.s32 $0x2710, v15;
	v48 =	vshll.u32 v16, $0x10;
	v49 =	vmul.f32 v18, v7;
	[tilespmem:v25+s13+$0x0] =	vst.idx.add.f32.msk $0xffff, v4  }
0xc1: {  	v50 =	vadd.s32 $0x7530, v15;
	v11 =	vmul.f32 v48, v6;
	[tilespmem:v42+s13+$0x0] =	vst.idx.add.f32.msk $0xffff, v1;
	v1 =	vand.u32 $0xFFFF0000, v16  }
0xc2: {  	v51 =	vshll.u32 v2, $0x10;
	[tilespmem:v44+s13+$0x0] =	vst.idx.add.f32.msk $0xffff, v49;
	v1 =	vmul.f32 v1, v6  }
0xc3: {  	v52 =	vadd.s32 $0x4E20, v10;
	v2 =	vand.u32 $0xFFFF0000, v2;
	v53 =	vmul.f32 v51, v6;
	[tilespmem:v15+s13+$0x0] =	vst.idx.add.f32.msk $0xffff, v11  }
0xc4: {  	v54 =	vshll.u32 v3, $0x10;
	v2 =	vmul.f32 v2, v6;
	[tilespmem:v46+s13+$0x0] =	vst.idx.add.f32.msk $0xffff, v1;
	v1 =	vadd.s32 $0x2710, v10  }
0xc5: {  	v3 =	vand.u32 $0xFFFF0000, v3;
	v55 =	vmul.f32 v54, v12;
	[tilespmem:v47+s13+$0x0] =	vst.idx.add.f32.msk $0xffff, v53  }
0xc6: {  	v56 =	vadd.s32 $0x7530, v10;
	v3 =	vmul.f32 v3, v12;
	[tilespmem:v50+s13+$0x0] =	vst.idx.add.f32.msk $0xffff, v2;
	v2 =	vshll.u32 v17, $0x10  }
0xc7: {  	v58 =	vadd.s32 $0x4E20, v13;
	[tilespmem:v10+s13+$0x0] =	vst.idx.add.f32.msk $0xffff, v55;
	v2 =	vmul.f32 v2, v12  }
0xc8: {  	v59 =	vshll.u32 v5, $0x10;
	v60 =	vand.u32 $0xFFFF0000, v5;
	v57 =	vand.u32 $0xFFFF0000, v17;
	[tilespmem:v52+s13+$0x0] =	vst.idx.add.f32.msk $0xffff, v3  }
0xc9: {  	v7 =	vmul.f32 v57, v12;
	v3 =	vadd.s32 $0x2710, v13;
	[tilespmem:v1+s13+$0x0] =	vst.idx.add.f32.msk $0xffff, v2;
	v1 =	vshll.u32 v19, $0x10  }
0xca: {  	v61 =	vmul.f32 v59, v0;
	v62 =	vmul.f32 v1, v0;
	v1 =	vadd.s32 $0x7530, v13  }
0xcb: {  	v2 =	vmul.f32 v60, v0;
	[tilespmem:v56+s13+$0x0] =	vst.idx.add.f32.msk $0xffff, v7  }
0xcc: {  	v63 =	vand.u32 $0xFFFF0000, v19;
	[tilespmem:v13+s13+$0x0] =	vst.idx.add.f32.msk $0xffff, v61  }
0xcd: {  	v0 =	vmul.f32 v63, v0;
	[tilespmem:v58+s13+$0x0] =	vst.idx.add.f32.msk $0xffff, v2  }
0xce: {  	s25 =	simm.s32 $0x140;
	[tilespmem:v3+s13+$0x0] =	vst.idx.add.f32.msk $0xffff, v62  }
.LBB2_5:
0xcf: {  	s26 =	sshra.s32 s25, $0x2;
	p0 =	sne.s32 s25, $0x7BC0;
	s25 =	sadd.s32 $0x140, s25;
	[tilespmem:v1+s13+$0x0] =	vst.idx.add.f32.msk $0xffff, v0  }
0xd0: {  	v0 =	vld [tilespmem:s26+$0x9DC0]  }
0xd1: {  	v1 =	vld [tilespmem:s26+$0x7E00]  }
0xd2: {  	v2 =	vld [tilespmem:s26+$0x5EA0]  }
0xd3: {  	v3 =	vld [tilespmem:s26+$0x5EB0]  }
0xd4: {  	v4 =	vld [tilespmem:s26+$0x5E90]  }
0xd5: {  	v5 =	vld [tilespmem:s26+$0x5EC0]  }
0xd6: {  	v6 =	vld [tilespmem:s26+$0x9DA0]  }
0xd7: {  	v7 =	vld [tilespmem:s26+$0x9D90]  }
0xd8: {  	v8 =	vld [tilespmem:s26+$0x5E80]  }
0xd9: {  	v9 =	vld [tilespmem:s26+$0x9D80];
	v10 =	vadd.s32 $0x2710, v4  }
0xda: {  	v12 =	vadd.s32 $0x2710, v3;
	v11 =	vld [tilespmem:s26+$0x7E30]  }
0xdb: {  	v14 =	vadd.s32 $0x2710, v2;
	v13 =	vld [tilespmem:s26+$0x7E10]  }
0xdc: {  	v15 =	vld [tilespmem:s26+$0x9DB0]  }
0xdd: {  	v19 =	vadd.s32 $0x4E20, v1;
	v18 =	vadd.s32 $0x2710, v5;
	v16 =	vld [tilespmem:s26+$0x7E40];
	v17 =	vadd.s32 $0x2710, v8  }
0xde: {  	v21 =	vadd.s32 $0x2710, v1;
	v20 =	vld [tilespmem:s26+$0x7E20]  }
0xdf: {  	v22 =	vadd.s32 $0x7530, v1;
	v2 =	vld.idx.msk [tilespmem:v2+s12+$0x0], $0xffff  }
0xe0: {  	v8 =	vld.idx.msk [tilespmem:v8+s12+$0x0], $0xffff  }
0xe1: {  	v3 =	vld.idx.msk [tilespmem:v3+s12+$0x0], $0xffff  }
0xe2: {  	v17 =	vld.idx.msk [tilespmem:v17+s12+$0x0], $0xffff  }
0xe3: {  	v5 =	vld.idx.msk [tilespmem:v5+s12+$0x0], $0xffff  }
0xe4: {  	v25 =	vadd.s32 $0x4E20, v11;
	v23 =	vadd.s32 $0x2710, v20;
	v24 =	vadd.s32 $0x7530, v20;
	v4 =	vld.idx.msk [tilespmem:v4+s12+$0x0], $0xffff  }
0xe5: {  	v26 =	vadd.s32 $0x4E20, v13;
	v28 =	vadd.s32 $0x4E20, v20;
	v27 =	vshll.u32 v2, $0x10;
	v12 =	vld.idx.msk [tilespmem:v12+s12+$0x0], $0xffff  }
0xe6: {  	v30 =	vadd.s32 $0x2710, v13;
	v29 =	vshll.u32 v8, $0x10;
	v8 =	vand.u32 $0xFFFF0000, v8;
	v10 =	vld.idx.msk [tilespmem:v10+s12+$0x0], $0xffff  }
0xe7: {  	v31 =	vadd.s32 $0x7530, v13;
	v29 =	vmul.f32 v29, v9;
	v8 =	vmul.f32 v8, v9;
	v14 =	vld.idx.msk [tilespmem:v14+s12+$0x0], $0xffff  }
0xe8: {  	v27 =	vmul.f32 v27, v6;
	v32 =	vshll.u32 v17, $0x10;
	v17 =	vand.u32 $0xFFFF0000, v17;
	v18 =	vld.idx.msk [tilespmem:v18+s12+$0x0], $0xffff  }
0xe9: {  	[tilespmem:v1+s13+$0x0] =	vst.idx.add.f32.msk $0xffff, v29;
	v1 =	vmul.f32 v32, v9;
	v9 =	vmul.f32 v17, v9;
	v17 =	vshll.u32 v3, $0x10  }
0xea: {  	[tilespmem:v19+s13+$0x0] =	vst.idx.add.f32.msk $0xffff, v8;
	v8 =	vshll.u32 v4, $0x10;
	v4 =	vand.u32 $0xFFFF0000, v4;
	v17 =	vmul.f32 v17, v15  }
0xeb: {  	[tilespmem:v21+s13+$0x0] =	vst.idx.add.f32.msk $0xffff, v1;
	v1 =	vmul.f32 v8, v7;
	v4 =	vmul.f32 v4, v7;
	v8 =	vand.u32 $0xFFFF0000, v12  }
0xec: {  	[tilespmem:v22+s13+$0x0] =	vst.idx.add.f32.msk $0xffff, v9;
	v9 =	vshll.u32 v10, $0x10;
	v10 =	vand.u32 $0xFFFF0000, v10;
	v8 =	vmul.f32 v8, v15  }
0xed: {  	[tilespmem:v13+s13+$0x0] =	vst.idx.add.f32.msk $0xffff, v1;
	v1 =	vmul.f32 v9, v7;
	v9 =	vshll.u32 v14, $0x10;
	v13 =	vand.u32 $0xFFFF0000, v14  }
0xee: {  	[tilespmem:v26+s13+$0x0] =	vst.idx.add.f32.msk $0xffff, v4;
	v4 =	vmul.f32 v10, v7;
	v7 =	vmul.f32 v9, v6;
	v9 =	vshll.u32 v18, $0x10  }
0xef: {  	[tilespmem:v30+s13+$0x0] =	vst.idx.add.f32.msk $0xffff, v1;
	v1 =	vand.u32 $0xFFFF0000, v2;
	v2 =	vmul.f32 v13, v6;
	v9 =	vmul.f32 v9, v0  }
0xf0: {  	v3 =	vand.u32 $0xFFFF0000, v3;
	[tilespmem:v31+s13+$0x0] =	vst.idx.add.f32.msk $0xffff, v4;
	v1 =	vmul.f32 v1, v6;
	v4 =	vshll.u32 v5, $0x10  }
0xf1: {  	v3 =	vmul.f32 v3, v15;
	v5 =	vand.u32 $0xFFFF0000, v5;
	[tilespmem:v20+s13+$0x0] =	vst.idx.add.f32.msk $0xffff, v27;
	v4 =	vmul.f32 v4, v0  }
0xf2: {  	v5 =	vmul.f32 v5, v0;
	[tilespmem:v28+s13+$0x0] =	vst.idx.add.f32.msk $0xffff, v1;
	v1 =	vadd.s32 $0x2710, v11  }
0xf3: {  	v6 =	vadd.s32 $0x7530, v11;
	[tilespmem:v23+s13+$0x0] =	vst.idx.add.f32.msk $0xffff, v7  }
0xf4: {  	[tilespmem:v24+s13+$0x0] =	vst.idx.add.f32.msk $0xffff, v2;
	v2 =	vshll.u32 v12, $0x10  }
0xf5: {  	v7 =	vadd.s32 $0x4E20, v16;
	[tilespmem:v11+s13+$0x0] =	vst.idx.add.f32.msk $0xffff, v17;
	v2 =	vmul.f32 v2, v15  }
0xf6: {  	[tilespmem:v25+s13+$0x0] =	vst.idx.add.f32.msk $0xffff, v3;
	v3 =	vadd.s32 $0x2710, v16  }
.Ltmp1:
0xf7: {  	[tilespmem:v1+s13+$0x0] =	vst.idx.add.f32.msk $0xffff, v2;
	v1 =	vadd.s32 $0x7530, v16;
	(pc) =	sbr.rel @p0 .LBB2_5-.Ltmp1, $4  }
0xf8: {  	[tilespmem:v6+s13+$0x0] =	vst.idx.add.f32.msk $0xffff, v8  }
0xf9: {  	v2 =	vand.u32 $0xFFFF0000, v18;
	[tilespmem:v16+s13+$0x0] =	vst.idx.add.f32.msk $0xffff, v4  }
0xfa: {  	v0 =	vmul.f32 v2, v0;
	[tilespmem:v7+s13+$0x0] =	vst.idx.add.f32.msk $0xffff, v5  }
0xfb: {  	[tilespmem:v3+s13+$0x0] =	vst.idx.add.f32.msk $0xffff, v9  }
0xfc: {  	s24 =	sadd.s32 $0x1, s24  }
0xfd: {  	p0 =	sne.s32 s24, $0x14  }
.Ltmp2:
0xfe: {  	_ = 	snop;
	(pc) =	sbr.rel @p0 .LBB2_2-.Ltmp2, $2  }
0xff: {  	_ =	sdelay $0x2  }
0x100: {  	[tilespmem:v1+s13+$0x0] =	vst.idx.add.f32.msk $0xffff, v0  }
0x101: {  	[hbm4b:s9+s3] =	stream.linear.scatter [tilespmem:s13], [sflag:$0x3], $0x4E20, $0x38;
	[tilespmem:$0x1A800] =	vst v63  }
0x102: {  	s23 =	sadd.s32 $0x1, s23;
	_ =	swait.ge [sflag:s22], $0x4E20  }
0x103: {  	p0 =	sne.s32 s23, s11;
	[sflag:s22] =	ssyncset.done $0x0  }
.Ltmp3:
0x104: {  	[sflag:s22] =	ssyncadd.s32 $0xFFFFB1E0;
	(pc) =	sbr.rel @p0 .LBB2_1-.Ltmp3, $4  }
0x105: {  	[hbm4b:s10+s3] =	stream.linear.scatter [tilespmem:s14], [sflag:$0x3], $0x4E20, $0x38;
	[tilespmem:$0x1A800] =	vst v63  }
0x106: {  	_ =	swait.ge [sflag:s22], $0x4E20  }
0x107: {  	[sflag:s22] =	ssyncset.done $0x0  }
0x108: {  	[sflag:s22] =	ssyncadd.s32 $0xFFFFB1E0  }
0x109: {  	_ =	sfence.sel $0x180000  }
0x10a: {  	[bflag:$0x0] =	sbarrier.arrive $0xFFFF  }
0x10b: {  	p0 =	sne.s32 s0, $0x0;
	_ =	strace $0x9000004D  }
0x10c: {  	s0 =	sadd.s32 @!p0 $0x100000, s1;
	[bflag:$0x2] =	sbarrier.arrive $0xFFFF  }
0x10d: {  	[sflag:s0] =	ssyncadd.tile.s32 @!p0 $0x1;
	_ =	shalt  }
.Lfunc_end2:
_tile_overlayer_lowered:
.L_overlay_start_2:
0x10e: {  	(tag) =	ssettag $0x2  }
0x10f: {  	s0 =	rddreg [dreg:$0x0];
	s2 =	stileid.u32  }
0x110: {  	s1 =	rddreg [dreg:$0x1];
	p0 =	sne.s32 s2, $0x0  }
0x111: {  	s3 =	rddreg [dreg:$0x2];
	[bflag:$0x3] =	sbarrier.arrive $0xFFFF;
	s2 =	simm.s32 @!p0 $0x1C03  }
0x112: {  	[timem:s3], [sflag:s2] =	dma.local @!p0 [hbm:s0], s1  }
0x113: {  	s0 =	simm.s32 @!p0 $0x3  }
0x114: {  	_ =	swait.ge @!p0 [sflag:s0], s1  }
0x115: {  	s1 =	ssub.s32 @!p0 $0x0, s1;
	[sflag:s0] =	ssyncset.done @!p0 $0x0  }
0x116: {  	[sflag:s0] =	ssyncadd.s32 @!p0 s1  }
0x117: {  	[bflag:$0x3] =	sbarrier.arrive $0xFFFF  }
0x118: {  	_ =	shalt  }

// kernel: kernel.8.cloned.1.call-start
scs
__scs_entry_jumppad:
0x0: {  	(pc) =	sbr.rel $0x88, $3  }
0x1: {  	(tag) =	ssettag $0x0;
	lr =	simm.s32 $0x1  }
0x2: {  	[smem:$0x3F9A] =	sst lr;
	_ =	strace $0xD0000000  }
0x3: {  	_ = 	snop  }
0x4: {  	_ = 	snop  }
0x5: {  	_ = 	snop  }
0x6: {  	_ = 	snop  }
0x7: {  	_ = 	snop  }
__scs_overlays_trampoline_lowered:
0x8: {  	[smem:$0x3FA9] =	sst s0  }
0x9: {  	[smem:$0x3FAA] =	sst s1  }
0xa: {  	[smem:$0x3FAB] =	sst s2  }
0xb: {  	[smem:$0x3FAC] =	sst s3  }
0xc: {  	[smem:$0x3FAD] =	sst s4  }
0xd: {  	[smem:$0x3FAE] =	sst s5  }
0xe: {  	[smem:$0x3FAF] =	sst s6  }
0xf: {  	[smem:$0x3FB0] =	sst s7  }
0x10: {  	[smem:$0x3FB1] =	sst s8  }
0x11: {  	[smem:$0x3FB2] =	sst s9;
	s0 =	simm.s32 @!p0 $0x0  }
0x12: {  	s1 =	sld [smem:$0x3F98];
	s0 =	simm.s32 @p0 $0x1  }
0x13: {  	[smem:$0x3FB3] =	sst s0;
	s0 =	simm.s32 @!p1 $0x0  }
0x14: {  	s2 =	sld [smem:$0x3F97];
	s0 =	simm.s32 @p1 $0x1  }
0x15: {  	[smem:$0x3FB4] =	sst s0;
	s0 =	simm.s32 @!p2 $0x0  }
0x16: {  	s3 =	sld [smem:$0x3FDB];
	s0 =	simm.s32 @p2 $0x1  }
0x17: {  	s4 =	simm.s32 $0x1BF5;
	[smem:$0x3FB6] =	sst s0  }
0x18: {  	s0 =	sld [smem:$0x3F99];
	_ =	swait.ge [sflag:s4], $0x0  }
0x19: {  	s7 =	sld [smem:$0x3F9A]  }
0x1a: {  	s8 =	sadd.s32 $0xFFFFE003, lr  }
0x1b: {  	s9 =	sadd.s32 $0xFFFFFEF7, lr;
	s5 =	simm.s32 $0xFFFFFFFF;
	p2 =	slt.u32 s8, $0xFFFFF086  }
0x1c: {  	p1 =	slt.u32 s9, $0xF7A;
	s5 =	simm.s32 @!p2 $0x0  }
0x1d: {  	s5 =	simm.s32 @p1 $0x1;
	p0 =	seq.s32 s7, s2  }
0x1e: {  	s7 =	smul.u32 @!p0 $0xF7A, s2;
	p2 =	seq.s32 @!p0 s5, $0x0  }
0x1f: {  	s9 =	smul.u32 $0xF7A, s1;
	s8 =	simm.s32 @!p0 $0x1BF5;
	p2 =	por !p2, p0  }
0x20: {  	[sflag:s8] =	ssyncset.s32 @!p0 $0xFFFFF086;
	s6 =	sadd.s32 @!p0 s3, s7;
	s7 =	simm.s32 @!p0 $0x108  }
0x21: {  	s3 =	sadd.s32 s3, s9;
	s6 =	sadd.s32 @!p0 $0x88, s6;
	s7 =	simm.s32 @p2 $0x1082  }
0x22: {  	[simem:s7], [sflag:s8] =	dma.local @!p0 [hbm:s6], $0xF7A  }
0x23: {  	s9 =	sor.u32 $0xD0000000, s2;
	s6 =	simm.s32 $0x108;
	_ =	swait.ge @!p0 [sflag:s8], $0x0  }
0x24: {  	s3 =	sadd.s32 $0x88, s3;
	s6 =	simm.s32 @!p1 $0x1082;
	[sflag:s4] =	ssyncset.s32 $0xFFFFF086  }
0x25: {  	[simem:s6], [sflag:s4] =	dma.local [hbm:s3], $0xF7A  }
0x26: {  	[smem:$0x3F9A] =	sst s1;
	(tag) =	ssettag s2;
	_ =	strace s9  }
0x27: {  	s1 =	sld [smem:$0x3FAA]  }
0x28: {  	s2 =	sld [smem:$0x3FAB]  }
0x29: {  	s4 =	sld [smem:$0x3FAD]  }
0x2a: {  	p0 =	seq.s32 s5, $0x0;
	s5 =	sld [smem:$0x3FAE]  }
0x2b: {  	s6 =	sld [smem:$0x3FAF]  }
0x2c: {  	s7 =	sld [smem:$0x3FB0]  }
0x2d: {  	s3 =	simm.s32 $0x108;
	s8 =	sld [smem:$0x3FB1]  }
0x2e: {  	s3 =	simm.s32 @!p0 $0x1082;
	s9 =	sld [smem:$0x3FB2]  }
0x2f: {  	lr =	sadd.s32 s0, s3;
	s0 =	sld [smem:$0x3FA9]  }
0x30: {  	s3 =	sld [smem:$0x3FAC]  }
0x31: {  	[smem:$0x3FB5] =	sst s10  }
0x32: {  	s10 =	sld [smem:$0x3FB3];
	_ =	sdelay $0x3  }
0x33: {  	p0 =	seq.s32 s10, $0x1;
	s10 =	sld [smem:$0x3FB5];
	_ =	sdelay $0x3  }
0x34: {  	[smem:$0x3FB5] =	sst s10  }
0x35: {  	s10 =	sld [smem:$0x3FB4];
	_ =	sdelay $0x3  }
0x36: {  	p1 =	seq.s32 s10, $0x1;
	s10 =	sld [smem:$0x3FB5];
	_ =	sdelay $0x3  }
0x37: {  	[smem:$0x3FB5] =	sst s10  }
0x38: {  	s10 =	sld [smem:$0x3FB6]  }
0x39: {  	_ = 	snop;
	(pc) =	sbr.ind lr, $3  }
0x3a: {  	_ = 	snop  }
0x3b: {  	_ = 	snop  }
0x3c: {  	p2 =	seq.s32 s10, $0x1;
	s10 =	sld [smem:$0x3FB5]  }
0x3d: {  	_ =	shalt  }
0x3e: {  	_ =	shalt  }
0x3f: {  	_ =	shalt  }
0x40: {  	_ =	shalt  }
0x41: {  	_ =	shalt  }
0x42: {  	_ =	shalt  }
0x43: {  	_ =	shalt  }
0x44: {  	_ =	shalt  }
0x45: {  	_ =	shalt  }
0x46: {  	_ =	shalt  }
0x47: {  	_ =	shalt  }
0x48: {  	_ =	shalt  }
0x49: {  	_ =	shalt  }
0x4a: {  	_ =	shalt  }
0x4b: {  	_ =	shalt  }
0x4c: {  	_ =	shalt  }
0x4d: {  	_ =	shalt  }
0x4e: {  	_ =	shalt  }
0x4f: {  	_ =	shalt  }
0x50: {  	_ =	shalt  }
0x51: {  	_ =	shalt  }
0x52: {  	_ =	shalt  }
0x53: {  	_ =	shalt  }
0x54: {  	_ =	shalt  }
0x55: {  	_ =	shalt  }
0x56: {  	_ =	shalt  }
0x57: {  	_ =	shalt  }
0x58: {  	_ =	shalt  }
0x59: {  	_ =	shalt  }
0x5a: {  	_ =	shalt  }
0x5b: {  	_ =	shalt  }
0x5c: {  	_ =	shalt  }
0x5d: {  	_ =	shalt  }
0x5e: {  	_ =	shalt  }
0x5f: {  	_ =	shalt  }
0x60: {  	_ =	shalt  }
0x61: {  	_ =	shalt  }
0x62: {  	_ =	shalt  }
0x63: {  	_ =	shalt  }
0x64: {  	_ =	shalt  }
0x65: {  	_ =	shalt  }
0x66: {  	_ =	shalt  }
0x67: {  	_ =	shalt  }
0x68: {  	_ =	shalt  }
0x69: {  	_ =	shalt  }
0x6a: {  	_ =	shalt  }
0x6b: {  	_ =	shalt  }
0x6c: {  	_ =	shalt  }
0x6d: {  	_ =	shalt  }
0x6e: {  	_ =	shalt  }
0x6f: {  	_ =	shalt  }
0x70: {  	_ =	shalt  }
0x71: {  	_ =	shalt  }
0x72: {  	_ =	shalt  }
0x73: {  	_ =	shalt  }
0x74: {  	_ =	shalt  }
0x75: {  	_ =	shalt  }
0x76: {  	_ =	shalt  }
0x77: {  	_ =	shalt  }
0x78: {  	_ =	shalt  }
0x79: {  	_ =	shalt  }
0x7a: {  	_ =	shalt  }
0x7b: {  	_ =	shalt  }
0x7c: {  	_ =	shalt  }
0x7d: {  	_ =	shalt  }
0x7e: {  	_ =	shalt  }
0x7f: {  	_ =	shalt  }
0x80: {  	_ =	shalt  }
0x81: {  	_ =	shalt  }
0x82: {  	_ =	shalt  }
0x83: {  	_ =	shalt  }
0x84: {  	_ =	shalt  }
0x85: {  	_ =	shalt  }
0x86: {  	_ =	shalt  }
0x87: {  	_ =	shalt  }
.Lfunc_end0:
.L_simem_size_0:
called_computation_lowered:
.L_overlay_start_0:
0x88: {  	s2 =	sld [smem:$0x3FD9]  }
0x89: {  	s3 =	sld [smem:$0x3FFE];
	_ =	sdelay $0x1  }
0x8a: {  	s1 =	srdreg.scid  }
0x8b: {  	s0 =	sand.u32 $0x1, s1  }
0x8c: {  	s17 =	sshll.u32 s0, $0xA;
	s2 =	sadd.s32 s3, s2  }
0x8d: {  	s2 =	sadd.s32 s2, s17  }
0x8e: {  	[smem:$0x3FC1] =	sst s2  }
0x8f: {  	_ = 	snop  }
0x90: {  	s2 =	sld [smem:$0x3FC7]  }
0x91: {  	s18 =	sld [smem:$0x3FD0];
	(tm) =	ssettm $0x1  }
0x92: {  	s4 =	sld [smem:$0x3FFB];
	_ =	sdelay $0x3  }
0x93: {  	_ =	strace s4  }
0x94: {  	s4 =	sld [smem:$0x3FFC];
	_ =	sdelay $0x3  }
0x95: {  	_ =	strace s4  }
0x96: {  	s4 =	sld [smem:$0x3FFD];
	_ =	sdelay $0x3  }
0x97: {  	_ =	strace s4  }
0x98: {  	_ =	strace $0x8FFFFFFF  }
0x99: {  	s19 =	sld [smem:$0x3FDB];
	_ =	sdelay $0x1  }
0x9a: {  	s5 =	simm.s32 $_scs_section_size  }
0x9b: {  	s6 =	simm.s32 $_size__tile_overlayer_lowered;
	s7 =	simm.s32 $_tile_overlayer_lowered  }
0x9c: {  	s22 =	simm.s32 $0x1BFF;
	s21 =	sshll.u32 s7, $0x1;
	s4 =	sadd.s32 s5, s19  }
0x9d: {  	s8 =	simm.s32 $0x0;
	s20 =	sshll.u32 s6, $0x1;
	s6 =	sadd.s32 s21, s4  }
0x9e: {  	[timem:s8], [sflag:s22] =	dma.local [hbm:s6], s20  }
0x9f: {  	_ =	swait.ge [sflag:s22], s20  }
0xa0: {  	s5 =	ssub.s32 $0x0, s20;
	[sflag:s22] =	ssyncset.done $0x0  }
0xa1: {  	[sflag:s22] =	ssyncadd.s32 s5;
	_ =	sdelay $0x1  }
0xa2: {  	s23 =	simm.s32 $0x1B8B  }
0xa3: {  	_ =	swait.ge [sflag:s23], $0x1  }
0xa4: {  	[sflag:s23] =	ssyncset.done $0x0  }
0xa5: {  	s25 =	simm.s32 $0x1B8E;
	s24 =	sld [smem:$0x3FFE];
	[sflag:s23] =	ssyncadd.s32 $0xFFFFFFFF  }
0xa6: {  	s26 =	simm.s32 $execute0_lowered;
	[smem:$0x3FD2] =	sst s25  }
0xa7: {  	s6 =	sshll.u32 s26, $0x1;
	_ =	strace $0x80000046;
	[dreg:$0x1] =	wrdreg $0xFFFFFFFF  }
0xa8: {  	s28 =	simm.s32 $_size_execute0_lowered;
	s4 =	sadd.s32 s4, s6;
	[dreg:$0x0] =	wrdreg $0x0  }
0xa9: {  	s6 =	sshll.u32 s28, $0x1;
	[dreg:$0x2] =	wrdreg s4  }
0xaa: {  	[dreg:$0x3] =	wrdreg s6  }
0xab: {  	[dreg:$0x4] =	wrdreg $0xC0  }
0xac: {  	_ =	task [dreg:s8], $0x5FFFF  }
0xad: {  	[dreg:$0x1] =	wrdreg $0xFFFFFFFF  }
0xae: {  	[dreg:$0x0] =	wrdreg $0x60  }
0xaf: {  	[dreg:$0x2] =	wrdreg s24  }
0xb0: {  	[dreg:$0x3] =	wrdreg s2  }
0xb1: {  	[dreg:$0x4] =	wrdreg s18  }
0xb2: {  	[dreg:$0x5] =	wrdreg $0x9  }
0xb3: {  	_ =	task.clear_ibuf [dreg:s8], $0x6FFFF;
	_ =	strace $0x90000046  }
0xb4: {  	s29 =	simm.s32 $0x9;
	_ =	strace $0x80000048  }
0xb5: {  	_ =	swait.ge [sflag:s29], $0x1  }
0xb6: {  	[sflag:s29] =	ssyncadd.s32 $0xFFFFFFFF  }
0xb7: {  	_ =	strace $0x90000048  }
0xb8: {  	_ =	sfence  }
0xb9: {  	s30 =	sld [smem:$0x0];
	_ =	sdelay $0x2  }
0xba: {  	s31 =	sshll.u32 s1, $0xD;
	s1 =	sshrl.u32 s1, $0x2  }
0xbb: {  	s3 =	sand.u32 $0x4000, s31;
	s1 =	sadd.s32 s1, s30  }
0xbc: {  	s0 =	sor.u32 s3, s0;
	s1 =	sshll.u32 s1, $0x11  }
0xbd: {  	s0 =	sor.u32 s1, s0  }
0xbe: {  	s0 =	sadd.s32 $0x8F2B, s0  }
0xbf: {  	[sflag:s0] =	ssyncadd.remote.s32 $0x1  }
0xc0: {  	_ =	sfence.sel $0xFFFF  }
0xc1: {  	[dreg:$0x0] =	wrdreg $0xFFFFFFFF;
	(pc) =	sbr.abs _section_cstart, $3  }
0xc2: {  	[dreg:$0x1] =	wrdreg $0xFFFFFFFF  }
0xc3: {  	_ =	task.clear_ibuf [dreg:s8], $0x2FFFF;
	_ =	strace $0x9FFFFFFF  }
0xc4: {  	(tm) =	ssettm $0x7FFFFFFF  }
0xc5: {  	_ =	shalt  }
tec
execute0_lowered:
.L_overlay_start_1:
0x0: {  	(tag) =	ssettag $0x1  }
0x1: {  	s3 =	rddreg [dreg:$0x0]  }
0x2: {  	s4 =	rddreg [dreg:$0x1]  }
0x3: {  	s5 =	rddreg [dreg:$0x2]  }
0x4: {  	s2 =	srdreg.scid;
	s1 =	stileid.u32  }
0x5: {  	s0 =	rddreg [dreg:$0x3];
	s11 =	simm.s32 $0x400;
	s6 =	sand.u32 $0x1, s2  }
0x6: {  	s7 =	sshll.u32 s1, $0x1;
	s2 =	simm.s32 $0x0;
	s8 =	sshrl.u32 s1, $0x2  }
0x7: {  	s7 =	sor.u32 s6, s7;
	[smem:$0x7FF] =	sst s2;
	s8 =	smul.u32 $0x13C00, s8  }
0x8: {  	s6 =	ssub.s32 $0x2, s6;
	s9 =	sshll.u32 s7, $0x7;
	s7 =	smul.u32 $0x4E2, s7  }
0x9: {  	_ =	strace $0x80000047;
	s10 =	sshrl.u32 s6, $0x1;
	s9 =	sand.u32 $0x380, s9  }
0xa: {  	s6 =	ssub.s32 s6, s10;
	s10 =	simm.s32 $0x80;
	s8 =	sor.u32 s8, s9  }
0xb: {  	s3 =	sadd.s32 s7, s3;
	s4 =	sadd.s32 s4, s7;
	s6 =	smax.u32 s6, $0x1  }
0xc: {  	s7 =	simm.s32 $0x1;
	s9 =	simm.s32 $0x4F00;
	s8 =	sshrl.u32 s8, $0x3  }
0xd: {  	v0 =	vimm.f32 $0.0e+00;
	s3 =	sadd.s32 $0xB800, s3;
	s5 =	sadd.s32 s5, s8;
	s8 =	simm.s32 $0x2780  }
.LBB2_1:
0xe: {  	s12 =	simm.s32 $0x40;
	s13 =	simm.s32 $0x0  }
.LBB2_2:
0xf: {  	p0 =	sne.s32 s12, $0x9C00;
	[tilespmem:s13+$0x4F00] =	vst v0;
	s13 =	smov.u32 s12;
	s12 =	sadd.s32 $0x40, s12  }
.Ltmp0:
0x10: {  	(pc) =	sbr.rel @p0 .LBB2_2-.Ltmp0, $2  }
0x11: {  	_ =	sdelay $0x2  }
0x12: {  	s13 =	sshra.s32 s13, $0x2  }
0x13: {  	[tilespmem:s13+$0x4F00] =	vst v0;
	s12 =	simm.s32 $0x0  }
0x14: {  	[tilespmem:s12], [sflag:$0x1] =	stream.linear.gather [hbm4b:s3+s12], $0x2710, $0x38;
	[tilespmem:$0x7680] =	vst v63  }
0x15: {  	_ =	swait.ge [sflag:s7], $0x2710  }
0x16: {  	[sflag:s7] =	ssyncset.done $0x0  }
0x17: {  	[sflag:s7] =	ssyncadd.s32 $0xFFFFD8F0  }
0x18: {  	[tilespmem:s8], [sflag:$0x1] =	stream.linear.gather [hbm4b:s4+s12], $0x2710, $0x38;
	[tilespmem:$0x7680] =	vst v63  }
0x19: {  	_ =	swait.ge [sflag:s7], $0x2710  }
0x1a: {  	[sflag:s7] =	ssyncset.done $0x0  }
0x1b: {  	[sflag:s7] =	ssyncadd.s32 $0xFFFFD8F0  }
.LBB2_4:
0x1c: {  	s13 =	sshra.s32 s12, $0x2  }
0x1d: {  	v1 =	vld [tilespmem:s13+$0x0]  }
0x1e: {  	v2 =	vld [tilespmem:s13+$0x2780]  }
0x1f: {  	v3 =	vld [tilespmem:s13+$0x10]  }
0x20: {  	v4 =	vld [tilespmem:s13+$0x2790]  }
0x21: {  	v5 =	vld [tilespmem:s13+$0x20]  }
0x22: {  	v6 =	vld [tilespmem:s13+$0x30]  }
0x23: {  	v7 =	vld [tilespmem:s13+$0x40]  }
0x24: {  	v8 =	vld [tilespmem:s13+$0x27A0]  }
0x25: {  	v9 =	vld [tilespmem:s13+$0x27B0]  }
0x26: {  	p0 =	sne.s32 s12, $0x9B00;
	v10 =	vld [tilespmem:s13+$0x27C0]  }
.Ltmp1:
0x27: {  	[tilespmem:v1+s9+$0x0] =	vst.idx.add.f32.msk $0xffff, v2;
	(pc) =	sbr.rel @p0 .LBB2_4-.Ltmp1, $4  }
0x28: {  	[tilespmem:v3+s9+$0x0] =	vst.idx.add.f32.msk $0xffff, v4  }
0x29: {  	[tilespmem:v5+s9+$0x0] =	vst.idx.add.f32.msk $0xffff, v8  }
0x2a: {  	[tilespmem:v6+s9+$0x0] =	vst.idx.add.f32.msk $0xffff, v9  }
0x2b: {  	s12 =	sadd.s32 $0x140, s12;
	[tilespmem:v7+s9+$0x0] =	vst.idx.add.f32.msk $0xffff, v10  }
0x2c: {  	s2 =	sadd.s32 $0x1, s2  }
0x2d: {  	p0 =	sne.s32 s2, s6  }
.Ltmp2:
0x2e: {  	_ = 	snop;
	(pc) =	sbr.rel @p0 .LBB2_1-.Ltmp2, $4  }
0x2f: {  	[hbm4b:s5+s10] =	stream.strided.scatter [tilespmem:s9], [sflag:$0x1], $0x2780, s11, s10, $0x38;
	[tilespmem:$0x7680] =	vst v63  }
0x30: {  	_ =	swait.ge [sflag:s7], $0x2780  }
0x31: {  	[sflag:s7] =	ssyncset.done $0x0  }
0x32: {  	[sflag:s7] =	ssyncadd.s32 $0xFFFFD880  }
0x33: {  	_ =	sfence.sel $0x180000  }
0x34: {  	[bflag:$0x0] =	sbarrier.arrive $0xFFFF  }
0x35: {  	p0 =	sne.s32 s1, $0x0;
	_ =	strace $0x90000047  }
0x36: {  	s0 =	sadd.s32 @!p0 $0x100000, s0;
	[bflag:$0x2] =	sbarrier.arrive $0xFFFF  }
0x37: {  	[sflag:s0] =	ssyncadd.tile.s32 @!p0 $0x1;
	_ =	shalt  }
.Lfunc_end2:
_tile_overlayer_lowered:
.L_overlay_start_2:
0x38: {  	(tag) =	ssettag $0x2  }
0x39: {  	s0 =	rddreg [dreg:$0x0];
	s2 =	stileid.u32  }
0x3a: {  	s1 =	rddreg [dreg:$0x1];
	p0 =	sne.s32 s2, $0x0  }
0x3b: {  	s3 =	rddreg [dreg:$0x2];
	[bflag:$0x3] =	sbarrier.arrive $0xFFFF;
	s2 =	simm.s32 @!p0 $0x1C01  }
0x3c: {  	[timem:s3], [sflag:s2] =	dma.local @!p0 [hbm:s0], s1  }
0x3d: {  	s0 =	simm.s32 @!p0 $0x1  }
0x3e: {  	_ =	swait.ge @!p0 [sflag:s0], s1  }
0x3f: {  	s1 =	ssub.s32 @!p0 $0x0, s1;
	[sflag:s0] =	ssyncset.done @!p0 $0x0  }
0x40: {  	[sflag:s0] =	ssyncadd.s32 @!p0 s1  }
0x41: {  	[bflag:$0x3] =	sbarrier.arrive $0xFFFF  }
0x42: {  	_ =	shalt  }

</sc_bundles>
